<compile_context>
chip_gen: v7x
topology: tpu7x:2x2x1
jax: 0.10.2.dev20260603
libtpu: 0.0.44.dev20260713+nightly
codegen_flags: <defaults>
</compile_context>

<pallas_src>
import functools

import jax
import jax.numpy as jnp
from jax import lax
from jax.experimental import pallas as pl
from jax.experimental.pallas import tpu as pltpu
from jax.experimental.pallas import tpu_sc as plsc

F32 = jnp.float32
I32 = jnp.int32

NC = 2
NS = 16
CW = 128
G = 4


def _ceil_to(x, m):
    return ((x + m - 1) // m) * m


@functools.lru_cache(maxsize=None)
def _build_gather_deg(num_ent, n, d, n_chunks):
    rows_chunk = 80
    x_chunks = -(-n // rows_chunk)
    xg_iters = -(-x_chunks // (NC * NS))
    npad = _ceil_to(n + 1, 640)
    cpt = n_chunks // (NC * NS)

    mesh = plsc.VectorSubcoreMesh(core_axis_name="c", subcore_axis_name="s",
                                  num_cores=NC, num_subcores=NS)

    @functools.partial(
        pl.kernel,
        mesh=mesh,
        out_type=(
            jax.ShapeDtypeStruct((n, d), F32),
            jax.ShapeDtypeStruct((npad,), F32),
            jax.ShapeDtypeStruct((npad,), F32),
        ),
        scratch_types=[
            pltpu.VMEM((rows_chunk,), I32),
            pltpu.VMEM((rows_chunk, d), F32),
            pltpu.VMEM((cpt, CW), I32),
            pltpu.VMEM((CW,), F32),
            pltpu.VMEM_SHARED((npad,), F32),
            pltpu.SemaphoreType.DMA,
            pltpu.SemaphoreType.DMA,
        ],
    )
    def k(tab_hbm, ids_hbm, dst2d_hbm, zeros_hbm, ones_hbm,
          x_hbm, cnt0_hbm, cnt1_hbm,
          idbuf, rowbuf, dstbuf, onesbuf, cnt_sp, sem, ssem):
        c = lax.axis_index("c")
        s = lax.axis_index("s")
        w = s * NC + c

        pltpu.sync_copy(zeros_hbm, cnt_sp.at[pl.ds(s * 640, 640)])
        pltpu.sync_copy(ones_hbm, onesbuf)
        base_chunk = (c * NS + s) * cpt
        pltpu.sync_copy(dst2d_hbm.at[pl.ds(base_chunk, cpt)], dstbuf)
        plsc.subcore_barrier()

        def dg(j, carry):
            pltpu.async_copy(onesbuf, cnt_sp.at[dstbuf.at[j]], ssem, add=True)
            return carry
        lax.fori_loop(0, cpt, dg, 0)

        def xg(j, carry):
            cid = w + NC * NS * j
            @pl.when(cid < x_chunks)
            def _():
                base = cid * rows_chunk
                pltpu.sync_copy(ids_hbm.at[pl.ds(base, rows_chunk)], idbuf)
                pltpu.async_copy(tab_hbm.at[idbuf], rowbuf, sem).wait()
                pltpu.sync_copy(rowbuf, x_hbm.at[pl.ds(base, rows_chunk)])
            return carry
        lax.fori_loop(0, xg_iters, xg, 0)

        def dw(j, carry):
            pltpu.make_async_copy(onesbuf, cnt_sp.at[dstbuf.at[j]], ssem).wait()
            return carry
        lax.fori_loop(0, cpt, dw, 0)
        plsc.subcore_barrier()
        @pl.when(c == 0)
        def _():
            pltpu.sync_copy(cnt_sp.at[pl.ds(s * 640, 640)],
                            cnt0_hbm.at[pl.ds(s * 640, 640)])
        @pl.when(c == 1)
        def _():
            pltpu.sync_copy(cnt_sp.at[pl.ds(s * 640, 640)],
                            cnt1_hbm.at[pl.ds(s * 640, 640)])

    return k


@functools.lru_cache(maxsize=None)
def _build_message(n, h, n_chunks):
    assert n_chunks % (NS * 2) == 0
    cpt = n_chunks // NS
    hcpt = cpt // 2
    npad = _ceil_to(n + 16, 8)
    rpt = (n // NS) & ~7
    tail = n - NS * rpt
    zpad = npad - n + tail

    mesh = plsc.VectorSubcoreMesh(core_axis_name="c", subcore_axis_name="s",
                                  num_cores=NC, num_subcores=NS)

    @functools.partial(
        pl.kernel,
        mesh=mesh,
        out_type=(
            jax.ShapeDtypeStruct((n, h), F32),
            jax.ShapeDtypeStruct((n, h), F32),
        ),
        scratch_types=[
            pltpu.VMEM((hcpt, CW), I32),
            pltpu.VMEM((hcpt, CW), I32),
            pltpu.VMEM((2, CW, h), F32),
            pltpu.VMEM_SHARED((npad, h), F32),
            pltpu.SemaphoreType.DMA((2,)),
            pltpu.SemaphoreType.DMA((2,)),
        ],
    )
    def k(ga_hbm, gb_hbm, src2d_hbm, dst2d_hbm, zrows_hbm,
          acca_hbm, accb_hbm,
          sidx, didx, rows, acc_sp, gsem, ssem):
        c = lax.axis_index("c")
        s = lax.axis_index("s")
        r0 = s * rpt

        pltpu.sync_copy(zrows_hbm.at[pl.ds(0, rpt)], acc_sp.at[pl.ds(r0, rpt)])
        @pl.when(s == NS - 1)
        def _():
            pltpu.sync_copy(zrows_hbm.at[pl.ds(0, zpad)],
                            acc_sp.at[pl.ds(NS * rpt, zpad)])
        plsc.subcore_barrier()

        def run(g_hbm):
            def wait_gather(b):
                pltpu.make_async_copy(g_hbm.at[pl.ds(0, CW)], rows.at[0],
                                      gsem.at[b]).wait()

            def wait_scatter(b):
                pltpu.make_async_copy(rows.at[0], acc_sp.at[pl.ds(0, CW)],
                                      ssem.at[b]).wait()

            for half in range(2):
                base_chunk = s * cpt + half * hcpt
                pltpu.sync_copy(src2d_hbm.at[pl.ds(base_chunk, hcpt)], sidx)
                pltpu.sync_copy(dst2d_hbm.at[pl.ds(base_chunk, hcpt)], didx)

                pltpu.async_copy(g_hbm.at[sidx.at[0]], rows.at[0],
                                 gsem.at[0])

                def body(j, carry):
                    b = lax.rem(j, 2)
                    nb = 1 - b
                    @pl.when(j >= 1)
                    def _():
                        wait_scatter(nb)
                    @pl.when(j + 1 < hcpt)
                    def _():
                        pltpu.async_copy(g_hbm.at[sidx.at[j + 1]],
                                         rows.at[nb], gsem.at[nb])
                    wait_gather(b)
                    pltpu.async_copy(rows.at[b], acc_sp.at[didx.at[j]],
                                     ssem.at[b], add=True)
                    return carry
                lax.fori_loop(0, hcpt, body, 0)
                wait_scatter((hcpt - 1) % 2)

        @pl.when(c == 0)
        def _():
            run(ga_hbm)
        @pl.when(c == 1)
        def _():
            run(gb_hbm)

        plsc.subcore_barrier()

        def drain(out_hbm):
            sl = pl.ds(r0, rpt)
            pltpu.sync_copy(acc_sp.at[sl], out_hbm.at[sl])
            @pl.when(s == NS - 1)
            def _():
                tl = pl.ds(NS * rpt, tail)
                pltpu.sync_copy(acc_sp.at[tl], out_hbm.at[tl])

        @pl.when(c == 0)
        def _():
            drain(acca_hbm)
        @pl.when(c == 1)
        def _():
            drain(accb_hbm)

    return k


_RB = 1000


def _tc_scale_matmul_body(x_ref, w_ref, cnt_ref, ga_ref, gb_ref, dinv_ref):
    xb = x_ref[...]
    hh = jnp.dot(xb, w_ref[...], preferred_element_type=F32)
    dinv = lax.rsqrt(cnt_ref[...] + 1.0)
    g = hh * dinv
    half = g.shape[1] // 2
    ga_ref[...] = g[:, :half]
    gb_ref[...] = g[:, half:]
    dinv_ref[...] = dinv


def _tc1_call(x, w1, cnt):
    n, d = x.shape
    h = d // 2
    grid = (n // _RB,)
    return pl.pallas_call(
        _tc_scale_matmul_body,
        grid=grid,
        in_specs=[
            pl.BlockSpec((_RB, d), lambda i: (i, 0)),
            pl.BlockSpec((d, d), lambda i: (0, 0)),
            pl.BlockSpec((_RB, 1), lambda i: (i, 0)),
        ],
        out_specs=[
            pl.BlockSpec((_RB, h), lambda i: (i, 0)),
            pl.BlockSpec((_RB, h), lambda i: (i, 0)),
            pl.BlockSpec((_RB, 1), lambda i: (i, 0)),
        ],
        out_shape=[
            jax.ShapeDtypeStruct((n, h), F32),
            jax.ShapeDtypeStruct((n, h), F32),
            jax.ShapeDtypeStruct((n, 1), F32),
        ],
    )(x, w1, cnt)


def _post_conv(acc_a, acc_b, g_a, g_b, xres, dinv, b, gamma, beta):
    acc = jnp.concatenate([acc_a, acc_b], axis=1)
    g = jnp.concatenate([g_a, g_b], axis=1)
    conv = dinv * (acc + g) + b
    z = jnp.maximum(conv, 0.0) + xres
    mu = jnp.mean(z, axis=1, keepdims=True)
    var = jnp.mean((z - mu) ** 2, axis=1, keepdims=True)
    return (z - mu) * lax.rsqrt(var + 1e-5) * gamma + beta


def _tc_mid_body(acca_ref, accb_ref, ga_ref, gb_ref, x_ref, dinv_ref,
                 b_ref, gm_ref, bt_ref, w2_ref,
                 x2_ref, g2a_ref, g2b_ref):
    dinv = dinv_ref[...]
    xn = _post_conv(acca_ref[...], accb_ref[...], ga_ref[...], gb_ref[...],
                    x_ref[...], dinv, b_ref[...], gm_ref[...], bt_ref[...])
    x2_ref[...] = xn
    h2 = jnp.dot(xn, w2_ref[...], preferred_element_type=F32)
    g2 = h2 * dinv
    half = g2.shape[1] // 2
    g2a_ref[...] = g2[:, :half]
    g2b_ref[...] = g2[:, half:]


def _tc2_call(acc_a, acc_b, g_a, g_b, x, dinv, b1, gamma, beta, w2):
    n, h = acc_a.shape
    d = 2 * h
    grid = (n // _RB,)
    bs_h = pl.BlockSpec((_RB, h), lambda i: (i, 0))
    bs_d = pl.BlockSpec((_RB, d), lambda i: (i, 0))
    bs_1 = pl.BlockSpec((_RB, 1), lambda i: (i, 0))
    bs_v = pl.BlockSpec((1, d), lambda i: (0, 0))
    return pl.pallas_call(
        _tc_mid_body,
        grid=grid,
        in_specs=[bs_h, bs_h, bs_h, bs_h, bs_d, bs_1, bs_v, bs_v, bs_v,
                  pl.BlockSpec((d, d), lambda i: (0, 0))],
        out_specs=[bs_d, bs_h, bs_h],
        out_shape=[
            jax.ShapeDtypeStruct((n, d), F32),
            jax.ShapeDtypeStruct((n, h), F32),
            jax.ShapeDtypeStruct((n, h), F32),
        ],
    )(acc_a, acc_b, g_a, g_b, x, dinv, b1, gamma, beta, w2)


def _tc_final_body(acca_ref, accb_ref, ga_ref, gb_ref, x_ref, dinv_ref,
                   b_ref, gm_ref, bt_ref, out_ref):
    out_ref[...] = _post_conv(acca_ref[...], accb_ref[...], ga_ref[...],
                              gb_ref[...], x_ref[...], dinv_ref[...],
                              b_ref[...], gm_ref[...], bt_ref[...])


def _tc3_call(acc_a, acc_b, g_a, g_b, x, dinv, b2, gamma, beta):
    n, h = acc_a.shape
    d = 2 * h
    grid = (n // _RB,)
    bs_h = pl.BlockSpec((_RB, h), lambda i: (i, 0))
    bs_d = pl.BlockSpec((_RB, d), lambda i: (i, 0))
    bs_1 = pl.BlockSpec((_RB, 1), lambda i: (i, 0))
    bs_v = pl.BlockSpec((1, d), lambda i: (0, 0))
    return pl.pallas_call(
        _tc_final_body,
        grid=grid,
        in_specs=[bs_h, bs_h, bs_h, bs_h, bs_d, bs_1, bs_v, bs_v, bs_v],
        out_specs=bs_d,
        out_shape=jax.ShapeDtypeStruct((n, d), F32),
    )(acc_a, acc_b, g_a, g_b, x, dinv, b2, gamma, beta)


def kernel(entity_table, W1, b1, W2, b2, gamma, beta, entity_ids, edge_index):
    num_ent, d = entity_table.shape
    n = entity_ids.shape[0]
    e = edge_index.shape[1]
    h = d // 2

    n_chunks = _ceil_to(-(-e // CW), NC * NS * G)
    epad = n_chunks * CW
    src = edge_index[0].astype(I32)
    dst = edge_index[1].astype(I32)
    pad_i = jnp.arange(epad - e, dtype=I32) % 16
    src2d = jnp.concatenate([src, pad_i]).reshape(n_chunks, CW)
    dst2d = jnp.concatenate([dst, n + pad_i]).reshape(n_chunks, CW)
    ids = entity_ids.astype(I32)

    zeros640 = jnp.zeros((640,), F32)
    ones128 = jnp.ones((CW,), F32)
    rpt = (n // NS) & ~7
    zrows = jnp.zeros((rpt, h), F32)

    x, cnt0, cnt1 = _build_gather_deg(num_ent, n, d, n_chunks)(
        entity_table, ids, dst2d, zeros640, ones128)
    cnt = (cnt0[:n] + cnt1[:n]).reshape(n, 1)

    b1r = b1.reshape(1, d)
    b2r = b2.reshape(1, d)
    gmr = gamma.reshape(1, d)
    btr = beta.reshape(1, d)

    g1a, g1b, dinv = _tc1_call(x, W1, cnt)

    msg = _build_message(n, h, n_chunks)
    acc1a, acc1b = msg(g1a, g1b, src2d, dst2d, zrows)

    x2, g2a, g2b = _tc2_call(acc1a, acc1b, g1a, g1b, x, dinv,
                             b1r, gmr, btr, W2)

    acc2a, acc2b = msg(g2a, g2b, src2d, dst2d, zrows)

    out = _tc3_call(acc2a, acc2b, g2a, g2b, x2, dinv, b2r, gmr, btr)
    return out

# --- scband reference (transcript-rebuilt; emitter-appended) ---
"""Pipeline reference for scband-knowledge-graph-encoder-72773925864016 (READ-ONLY COPY).

The authoritative reference and input builder live on the scoring server;
editing this copy changes nothing except your own understanding.
"""

import jax, jax.numpy as jnp
import numpy as np

N_NODES = 10000
N_EDGES = 160000
D = 256
NUM_ENT = 100000


def setup_inputs(seed: int = 0) -> dict:
    key = jax.random.key(seed)
    ks = jax.random.split(key, 8)
    entity_ids = jax.random.randint(ks[0], (N_NODES,), 0, NUM_ENT, dtype=jnp.int64 if jax.config.jax_enable_x64 else jnp.int32)
    edge_index = jax.random.randint(ks[1], (2, N_EDGES), 0, N_NODES, dtype=jnp.int64 if jax.config.jax_enable_x64 else jnp.int32)
    s = 1.0 / np.sqrt(D)
    entity_table = jax.random.uniform(ks[2], (NUM_ENT, D), minval=-s, maxval=s, dtype=jnp.float32)
    W1 = jax.random.normal(ks[3], (D, D), dtype=jnp.float32) * s
    b1 = jnp.zeros((D,), jnp.float32)
    W2 = jax.random.normal(ks[4], (D, D), dtype=jnp.float32) * s
    b2 = jnp.zeros((D,), jnp.float32)
    gamma = jnp.ones((D,), jnp.float32)
    beta = jnp.zeros((D,), jnp.float32)
    return {
        "entity_table": entity_table,
        "W1": W1, "b1": b1,
        "W2": W2, "b2": b2,
        "gamma": gamma, "beta": beta,
        "entity_ids": entity_ids,
        "edge_index": edge_index,
    }


def gcn_conv(x, edge_index, W, b):
    # PyG-style GCNConv: add self-loops, symmetric deg normalization,
    # linear transform, scatter-add aggregation, bias.
    n = x.shape[0]
    loop = jnp.arange(n, dtype=edge_index.dtype)
    src = jnp.concatenate([edge_index[0], loop])
    dst = jnp.concatenate([edge_index[1], loop])
    deg = jnp.zeros((n,), x.dtype).at[dst].add(jnp.ones_like(src, dtype=x.dtype))
    dinv = jnp.where(deg > 0, 1.0 / jnp.sqrt(deg), 0.0)
    norm = dinv[src] * dinv[dst]
    h = x @ W
    msg = h[src] * norm[:, None]
    out = jnp.zeros((n, h.shape[1]), x.dtype).at[dst].add(msg)
    return out + b


def layer_norm(x, gamma, beta, eps=1e-5):
    mu = jnp.mean(x, axis=-1, keepdims=True)
    var = jnp.mean((x - mu) ** 2, axis=-1, keepdims=True)
    return (x - mu) / jnp.sqrt(var + eps) * gamma + beta


def reference(entity_table, W1, b1, W2, b2, gamma, beta, entity_ids, edge_index):
    x = jnp.take(entity_table, entity_ids, axis=0)
    for W, b in ((W1, b1), (W2, b2)):
        x_res = x
        x = gcn_conv(x, edge_index, W, b)
        x = jax.nn.relu(x)
        # dropout(p=0.1) is identity in eval mode
        x = x + x_res  # shapes always match (D -> D)
        x = layer_norm(x, gamma, beta)
    return x

if __name__ == "__main__":
    import jax
    _d = setup_inputs()
    print(jax.jit(kernel)(*tuple(_d.values())))

</pallas_src>

<mosaic_0001>
#map = affine_map<(d0, d1) -> (0, 0)>
#map1 = affine_map<(d0, d1) -> (0)>
module attributes {stable_mosaic.version = 14 : i64} {
  func.func @k(%arg0: i32, %arg1: i32, %arg2: memref<100000x256xf32, #tpu.memory_space<hbm>>, %arg3: memref<10000xi32, #tpu.memory_space<hbm>>, %arg4: memref<1280x128xi32, #tpu.memory_space<hbm>>, %arg5: memref<640xf32, #tpu.memory_space<hbm>>, %arg6: memref<128xf32, #tpu.memory_space<hbm>>, %arg7: memref<10000x256xf32, #tpu.memory_space<hbm>>, %arg8: memref<10240xf32, #tpu.memory_space<hbm>>, %arg9: memref<10240xf32, #tpu.memory_space<hbm>>, %arg10: memref<80xi32, #tpu.memory_space<vmem>>, %arg11: memref<80x256xf32, #tpu.memory_space<vmem>>, %arg12: memref<40x128xi32, #tpu.memory_space<vmem>>, %arg13: memref<128xf32, #tpu.memory_space<vmem>>, %arg14: memref<10240xf32, #tpu.memory_space<vmem_shared>>, %arg15: memref<!tpu.dma_semaphore, #tpu.memory_space<semaphore_mem>>, %arg16: memref<!tpu.dma_semaphore, #tpu.memory_space<semaphore_mem>>) attributes {dimension_semantics = [#tpu.dimension_semantics<core_parallel>, #tpu.dimension_semantics<subcore_parallel>], iteration_bounds = array<i64: 2, 16>, scalar_prefetch = 0 : i64, scratch_operands = 7 : i64, tpu.core_type = #tpu.core_type<sc_vector_subcore>, window_params = [{transform_indices = #map}, {transform_indices = #map1}, {transform_indices = #map}, {transform_indices = #map1}, {transform_indices = #map1}, {transform_indices = #map}, {transform_indices = #map1}, {transform_indices = #map1}]} {
    %mul3A = arith.constant 2 : i32
    %mul3A_0 = arith.muli %arg1, %mul3A : i32
    %add3A = arith.addi %mul3A_0, %arg0 : i32
    %mul3A_1 = arith.constant 640 : i32
    %mul3A_2 = arith.muli %arg1, %mul3A_1 : i32
    "tpu.region"() ({
      %run_scoped3A = tpu.sem_alloc : memref<!tpu.dma_semaphore, #tpu.memory_space<semaphore_mem>>
      %dma_start3A = tpu.memref_slice %arg14[%mul3A_2] : memref<10240xf32, #tpu.memory_space<vmem_shared>> -> memref<640xf32, #tpu.memory_space<vmem_shared>>
      tpu.enqueue_dma source(%arg5 : memref<640xf32, #tpu.memory_space<hbm>>) target(%dma_start3A : memref<640xf32, #tpu.memory_space<vmem_shared>>) target_semaphore(%run_scoped3A : memref<!tpu.dma_semaphore, #tpu.memory_space<semaphore_mem>>)
      %dma_wait3A = tpu.memref_slice %arg14[%mul3A_2] : memref<10240xf32, #tpu.memory_space<vmem_shared>> -> memref<640xf32, #tpu.memory_space<vmem_shared>>
      tpu.wait_dma2 semaphore(%run_scoped3A : memref<!tpu.dma_semaphore, #tpu.memory_space<semaphore_mem>>) src(%arg5 : memref<640xf32, #tpu.memory_space<hbm>>) dst(%dma_wait3A : memref<640xf32, #tpu.memory_space<vmem_shared>>)
      tpu.yield
    }) : () -> ()
    "tpu.region"() ({
      %run_scoped3A = tpu.sem_alloc : memref<!tpu.dma_semaphore, #tpu.memory_space<semaphore_mem>>
      tpu.enqueue_dma source(%arg6 : memref<128xf32, #tpu.memory_space<hbm>>) target(%arg13 : memref<128xf32, #tpu.memory_space<vmem>>) target_semaphore(%run_scoped3A : memref<!tpu.dma_semaphore, #tpu.memory_space<semaphore_mem>>)
      tpu.wait_dma2 semaphore(%run_scoped3A : memref<!tpu.dma_semaphore, #tpu.memory_space<semaphore_mem>>) src(%arg6 : memref<128xf32, #tpu.memory_space<hbm>>) dst(%arg13 : memref<128xf32, #tpu.memory_space<vmem>>)
      tpu.yield
    }) : () -> ()
    %mul3A_3 = arith.constant 16 : i32
    %mul3A_4 = arith.muli %arg0, %mul3A_3 : i32
    %add3A_5 = arith.addi %mul3A_4, %arg1 : i32
    %mul3A_6 = arith.constant 40 : i32
    %mul3A_7 = arith.muli %add3A_5, %mul3A_6 : i32
    "tpu.region"() ({
      %run_scoped3A = tpu.sem_alloc : memref<!tpu.dma_semaphore, #tpu.memory_space<semaphore_mem>>
      %dma_start3A = arith.constant 0 : i32
      %dma_start3A_33 = tpu.memref_slice %arg4[%mul3A_7, %dma_start3A] : memref<1280x128xi32, #tpu.memory_space<hbm>> -> memref<40x128xi32, #tpu.memory_space<hbm>>
      %dma_start3A_34 = arith.constant 0 : i32
      %dma_start3A_35 = tpu.memref_slice %arg4[%mul3A_7, %dma_start3A_34] : memref<1280x128xi32, #tpu.memory_space<hbm>> -> memref<40x128xi32, #tpu.memory_space<hbm>>
      tpu.enqueue_dma source(%dma_start3A_35 : memref<40x128xi32, #tpu.memory_space<hbm>>) target(%arg12 : memref<40x128xi32, #tpu.memory_space<vmem>>) target_semaphore(%run_scoped3A : memref<!tpu.dma_semaphore, #tpu.memory_space<semaphore_mem>>)
      %dma_wait3A = arith.constant 0 : i32
      %dma_wait3A_36 = tpu.memref_slice %arg4[%mul3A_7, %dma_wait3A] : memref<1280x128xi32, #tpu.memory_space<hbm>> -> memref<40x128xi32, #tpu.memory_space<hbm>>
      %dma_wait3A_37 = arith.constant 0 : i32
      %dma_wait3A_38 = tpu.memref_slice %arg4[%mul3A_7, %dma_wait3A_37] : memref<1280x128xi32, #tpu.memory_space<hbm>> -> memref<40x128xi32, #tpu.memory_space<hbm>>
      tpu.wait_dma2 semaphore(%run_scoped3A : memref<!tpu.dma_semaphore, #tpu.memory_space<semaphore_mem>>) src(%dma_wait3A_38 : memref<40x128xi32, #tpu.memory_space<hbm>>) dst(%arg12 : memref<40x128xi32, #tpu.memory_space<vmem>>)
      tpu.yield
    }) : () -> ()
    %barrier3A = arith.constant 0 : index
    tpu.barrier barrier_id(%barrier3A)
    %scan3A = arith.constant 0 : i32
    %scan3A_8 = arith.constant 0 : i32
    %scan3A_9 = arith.constant 40 : i32
    %scan3A_10 = arith.addi %scan3A_8, %scan3A_9 : i32
    %scan3A_11 = arith.constant 1 : i32
    scf.for %scan3A_33 = %scan3A_8 to %scan3A_10 step %scan3A_11  : i32 {
      %dma_start3A = arith.constant 0 : i32
      %dma_start3A_34 = tpu.memref_slice %arg12[%scan3A_33, %dma_start3A] : memref<40x128xi32, #tpu.memory_space<vmem>> -> memref<1x128xi32, #tpu.memory_space<vmem>>
      %dma_start3A_35 = tpu.memref_squeeze %dma_start3A_34 : memref<1x128xi32, #tpu.memory_space<vmem>> -> memref<128xi32, #tpu.memory_space<vmem>>
      %dma_start3A_36 = arith.constant 0 : i32
      %dma_start3A_37 = tpu.memref_slice %arg14[%dma_start3A_36] : memref<10240xf32, #tpu.memory_space<vmem_shared>> -> memref<10240xf32, #tpu.memory_space<vmem_shared>>
      tpu.enqueue_indirect_dma source(%arg13 : memref<128xf32, #tpu.memory_space<vmem>>) target(%dma_start3A_37 : memref<10240xf32, #tpu.memory_space<vmem_shared>>) offsets(%dma_start3A_35 : memref<128xi32, #tpu.memory_space<vmem>>) semaphore(%arg16 : memref<!tpu.dma_semaphore, #tpu.memory_space<semaphore_mem>>) {add = true}
    }
    %scan3A_12 = arith.constant 40 : i32
    %scan3A_13 = arith.constant 0 : i32
    %scan3A_14 = arith.constant 0 : i32
    %scan3A_15 = arith.constant 4 : i32
    %scan3A_16 = arith.addi %scan3A_14, %scan3A_15 : i32
    %scan3A_17 = arith.constant 1 : i32
    scf.for %scan3A_33 = %scan3A_14 to %scan3A_16 step %scan3A_17  : i32 {
      %mul3A_34 = arith.constant 32 : i32
      %mul3A_35 = arith.muli %mul3A_34, %scan3A_33 : i32
      %add3A_36 = arith.addi %add3A, %mul3A_35 : i32
      %lt3A = arith.constant 125 : i32
      %lt3A_37 = arith.cmpi slt, %add3A_36, %lt3A : i32
      %convert_element_type3A_38 = arith.extui %lt3A_37 : i1 to i32
      %cond3A_39 = arith.constant 0 : i32
      %cond3A_40 = arith.cmpi ne, %convert_element_type3A_38, %cond3A_39 : i32
      scf.if %cond3A_40 {
        %mul3A_41 = arith.constant 80 : i32
        %mul3A_42 = arith.muli %add3A_36, %mul3A_41 : i32
        "tpu.region"() ({
          %run_scoped3A = tpu.sem_alloc : memref<!tpu.dma_semaphore, #tpu.memory_space<semaphore_mem>>
          %dma_start3A_47 = tpu.memref_slice %arg3[%mul3A_42] : memref<10000xi32, #tpu.memory_space<hbm>> -> memref<80xi32, #tpu.memory_space<hbm>>
          %dma_start3A_48 = tpu.memref_slice %arg3[%mul3A_42] : memref<10000xi32, #tpu.memory_space<hbm>> -> memref<80xi32, #tpu.memory_space<hbm>>
          tpu.enqueue_dma source(%dma_start3A_48 : memref<80xi32, #tpu.memory_space<hbm>>) target(%arg10 : memref<80xi32, #tpu.memory_space<vmem>>) target_semaphore(%run_scoped3A : memref<!tpu.dma_semaphore, #tpu.memory_space<semaphore_mem>>)
          %dma_wait3A_49 = tpu.memref_slice %arg3[%mul3A_42] : memref<10000xi32, #tpu.memory_space<hbm>> -> memref<80xi32, #tpu.memory_space<hbm>>
          %dma_wait3A_50 = tpu.memref_slice %arg3[%mul3A_42] : memref<10000xi32, #tpu.memory_space<hbm>> -> memref<80xi32, #tpu.memory_space<hbm>>
          tpu.wait_dma2 semaphore(%run_scoped3A : memref<!tpu.dma_semaphore, #tpu.memory_space<semaphore_mem>>) src(%dma_wait3A_50 : memref<80xi32, #tpu.memory_space<hbm>>) dst(%arg10 : memref<80xi32, #tpu.memory_space<vmem>>)
          tpu.yield
        }) : () -> ()
        %dma_start3A = arith.constant 0 : i32
        %dma_start3A_43 = arith.constant 0 : i32
        %dma_start3A_44 = tpu.memref_slice %arg2[%dma_start3A, %dma_start3A_43] : memref<100000x256xf32, #tpu.memory_space<hbm>> -> memref<100000x256xf32, #tpu.memory_space<hbm>>
        tpu.enqueue_indirect_dma source(%dma_start3A_44 : memref<100000x256xf32, #tpu.memory_space<hbm>>) target(%arg11 : memref<80x256xf32, #tpu.memory_space<vmem>>) offsets(%arg10 : memref<80xi32, #tpu.memory_space<vmem>>) semaphore(%arg15 : memref<!tpu.dma_semaphore, #tpu.memory_space<semaphore_mem>>)
        %dma_wait3A = arith.constant 0 : i32
        %dma_wait3A_45 = arith.constant 0 : i32
        %dma_wait3A_46 = tpu.memref_slice %arg2[%dma_wait3A, %dma_wait3A_45] : memref<100000x256xf32, #tpu.memory_space<hbm>> -> memref<100000x256xf32, #tpu.memory_space<hbm>>
        tpu.wait_indirect_dma semaphore(%arg15 : memref<!tpu.dma_semaphore, #tpu.memory_space<semaphore_mem>>) src(%dma_wait3A_46 : memref<100000x256xf32, #tpu.memory_space<hbm>>) dst(%arg11 : memref<80x256xf32, #tpu.memory_space<vmem>>)
        "tpu.region"() ({
          %run_scoped3A = tpu.sem_alloc : memref<!tpu.dma_semaphore, #tpu.memory_space<semaphore_mem>>
          %dma_start3A_47 = arith.constant 0 : i32
          %dma_start3A_48 = tpu.memref_slice %arg7[%mul3A_42, %dma_start3A_47] : memref<10000x256xf32, #tpu.memory_space<hbm>> -> memref<80x256xf32, #tpu.memory_space<hbm>>
          %dma_start3A_49 = arith.constant 0 : i32
          %dma_start3A_50 = tpu.memref_slice %arg7[%mul3A_42, %dma_start3A_49] : memref<10000x256xf32, #tpu.memory_space<hbm>> -> memref<80x256xf32, #tpu.memory_space<hbm>>
          tpu.enqueue_dma source(%arg11 : memref<80x256xf32, #tpu.memory_space<vmem>>) target(%dma_start3A_50 : memref<80x256xf32, #tpu.memory_space<hbm>>) target_semaphore(%run_scoped3A : memref<!tpu.dma_semaphore, #tpu.memory_space<semaphore_mem>>)
          %dma_wait3A_51 = arith.constant 0 : i32
          %dma_wait3A_52 = tpu.memref_slice %arg7[%mul3A_42, %dma_wait3A_51] : memref<10000x256xf32, #tpu.memory_space<hbm>> -> memref<80x256xf32, #tpu.memory_space<hbm>>
          %dma_wait3A_53 = arith.constant 0 : i32
          %dma_wait3A_54 = tpu.memref_slice %arg7[%mul3A_42, %dma_wait3A_53] : memref<10000x256xf32, #tpu.memory_space<hbm>> -> memref<80x256xf32, #tpu.memory_space<hbm>>
          tpu.wait_dma2 semaphore(%run_scoped3A : memref<!tpu.dma_semaphore, #tpu.memory_space<semaphore_mem>>) src(%arg11 : memref<80x256xf32, #tpu.memory_space<vmem>>) dst(%dma_wait3A_54 : memref<80x256xf32, #tpu.memory_space<hbm>>)
          tpu.yield
        }) : () -> ()
      } else {
      }
    }
    %scan3A_18 = arith.constant 4 : i32
    %scan3A_19 = arith.constant 0 : i32
    %scan3A_20 = arith.constant 0 : i32
    %scan3A_21 = arith.constant 40 : i32
    %scan3A_22 = arith.addi %scan3A_20, %scan3A_21 : i32
    %scan3A_23 = arith.constant 1 : i32
    scf.for %scan3A_33 = %scan3A_20 to %scan3A_22 step %scan3A_23  : i32 {
      %dma_wait3A = arith.constant 0 : i32
      %dma_wait3A_34 = tpu.memref_slice %arg12[%scan3A_33, %dma_wait3A] : memref<40x128xi32, #tpu.memory_space<vmem>> -> memref<1x128xi32, #tpu.memory_space<vmem>>
      %dma_wait3A_35 = tpu.memref_squeeze %dma_wait3A_34 : memref<1x128xi32, #tpu.memory_space<vmem>> -> memref<128xi32, #tpu.memory_space<vmem>>
      %dma_wait3A_36 = arith.constant 0 : i32
      %dma_wait3A_37 = tpu.memref_slice %arg14[%dma_wait3A_36] : memref<10240xf32, #tpu.memory_space<vmem_shared>> -> memref<10240xf32, #tpu.memory_space<vmem_shared>>
      tpu.wait_indirect_dma semaphore(%arg16 : memref<!tpu.dma_semaphore, #tpu.memory_space<semaphore_mem>>) src(%arg13 : memref<128xf32, #tpu.memory_space<vmem>>) dst(%dma_wait3A_37 : memref<10240xf32, #tpu.memory_space<vmem_shared>>)
    }
    %scan3A_24 = arith.constant 40 : i32
    %barrier3A_25 = arith.constant 0 : index
    tpu.barrier barrier_id(%barrier3A_25)
    %eq3A = arith.constant 0 : i32
    %eq3A_26 = arith.cmpi eq, %arg0, %eq3A : i32
    %convert_element_type3A = arith.extui %eq3A_26 : i1 to i32
    %cond3A = arith.constant 0 : i32
    %cond3A_27 = arith.cmpi ne, %convert_element_type3A, %cond3A : i32
    scf.if %cond3A_27 {
      %mul3A_33 = arith.constant 640 : i32
      %mul3A_34 = arith.muli %arg1, %mul3A_33 : i32
      %mul3A_35 = arith.constant 640 : i32
      %mul3A_36 = arith.muli %arg1, %mul3A_35 : i32
      "tpu.region"() ({
        %run_scoped3A = tpu.sem_alloc : memref<!tpu.dma_semaphore, #tpu.memory_space<semaphore_mem>>
        %dma_start3A = tpu.memref_slice %arg8[%mul3A_36] : memref<10240xf32, #tpu.memory_space<hbm>> -> memref<640xf32, #tpu.memory_space<hbm>>
        %dma_start3A_37 = tpu.memref_slice %arg14[%mul3A_34] : memref<10240xf32, #tpu.memory_space<vmem_shared>> -> memref<640xf32, #tpu.memory_space<vmem_shared>>
        tpu.enqueue_dma source(%dma_start3A_37 : memref<640xf32, #tpu.memory_space<vmem_shared>>) target(%dma_start3A : memref<640xf32, #tpu.memory_space<hbm>>) target_semaphore(%run_scoped3A : memref<!tpu.dma_semaphore, #tpu.memory_space<semaphore_mem>>)
        %dma_wait3A = tpu.memref_slice %arg8[%mul3A_36] : memref<10240xf32, #tpu.memory_space<hbm>> -> memref<640xf32, #tpu.memory_space<hbm>>
        %dma_wait3A_38 = tpu.memref_slice %arg14[%mul3A_34] : memref<10240xf32, #tpu.memory_space<vmem_shared>> -> memref<640xf32, #tpu.memory_space<vmem_shared>>
        tpu.wait_dma2 semaphore(%run_scoped3A : memref<!tpu.dma_semaphore, #tpu.memory_space<semaphore_mem>>) src(%dma_wait3A_38 : memref<640xf32, #tpu.memory_space<vmem_shared>>) dst(%dma_wait3A : memref<640xf32, #tpu.memory_space<hbm>>)
        tpu.yield
      }) : () -> ()
    } else {
    }
    %eq3A_28 = arith.constant 1 : i32
    %eq3A_29 = arith.cmpi eq, %arg0, %eq3A_28 : i32
    %convert_element_type3A_30 = arith.extui %eq3A_29 : i1 to i32
    %cond3A_31 = arith.constant 0 : i32
    %cond3A_32 = arith.cmpi ne, %convert_element_type3A_30, %cond3A_31 : i32
    scf.if %cond3A_32 {
      %mul3A_33 = arith.constant 640 : i32
      %mul3A_34 = arith.muli %arg1, %mul3A_33 : i32
      %mul3A_35 = arith.constant 640 : i32
      %mul3A_36 = arith.muli %arg1, %mul3A_35 : i32
      "tpu.region"() ({
        %run_scoped3A = tpu.sem_alloc : memref<!tpu.dma_semaphore, #tpu.memory_space<semaphore_mem>>
        %dma_start3A = tpu.memref_slice %arg9[%mul3A_36] : memref<10240xf32, #tpu.memory_space<hbm>> -> memref<640xf32, #tpu.memory_space<hbm>>
        %dma_start3A_37 = tpu.memref_slice %arg14[%mul3A_34] : memref<10240xf32, #tpu.memory_space<vmem_shared>> -> memref<640xf32, #tpu.memory_space<vmem_shared>>
        tpu.enqueue_dma source(%dma_start3A_37 : memref<640xf32, #tpu.memory_space<vmem_shared>>) target(%dma_start3A : memref<640xf32, #tpu.memory_space<hbm>>) target_semaphore(%run_scoped3A : memref<!tpu.dma_semaphore, #tpu.memory_space<semaphore_mem>>)
        %dma_wait3A = tpu.memref_slice %arg9[%mul3A_36] : memref<10240xf32, #tpu.memory_space<hbm>> -> memref<640xf32, #tpu.memory_space<hbm>>
        %dma_wait3A_38 = tpu.memref_slice %arg14[%mul3A_34] : memref<10240xf32, #tpu.memory_space<vmem_shared>> -> memref<640xf32, #tpu.memory_space<vmem_shared>>
        tpu.wait_dma2 semaphore(%run_scoped3A : memref<!tpu.dma_semaphore, #tpu.memory_space<semaphore_mem>>) src(%dma_wait3A_38 : memref<640xf32, #tpu.memory_space<vmem_shared>>) dst(%dma_wait3A : memref<640xf32, #tpu.memory_space<hbm>>)
        tpu.yield
      }) : () -> ()
    } else {
    }
    return
  }
}

#map = affine_map<(d0, d1) -> (0, 0)>
module attributes {stable_mosaic.version = 14 : i64} {
  func.func @k(%arg0: i32, %arg1: i32, %arg2: memref<10000x128xf32, #tpu.memory_space<hbm>>, %arg3: memref<10000x128xf32, #tpu.memory_space<hbm>>, %arg4: memref<1280x128xi32, #tpu.memory_space<hbm>>, %arg5: memref<1280x128xi32, #tpu.memory_space<hbm>>, %arg6: memref<624x128xf32, #tpu.memory_space<hbm>>, %arg7: memref<10000x128xf32, #tpu.memory_space<hbm>>, %arg8: memref<10000x128xf32, #tpu.memory_space<hbm>>, %arg9: memref<40x128xi32, #tpu.memory_space<vmem>>, %arg10: memref<40x128xi32, #tpu.memory_space<vmem>>, %arg11: memref<2x128x128xf32, #tpu.memory_space<vmem>>, %arg12: memref<10016x128xf32, #tpu.memory_space<vmem_shared>>, %arg13: memref<2x!tpu.dma_semaphore, #tpu.memory_space<semaphore_mem>>, %arg14: memref<2x!tpu.dma_semaphore, #tpu.memory_space<semaphore_mem>>) attributes {dimension_semantics = [#tpu.dimension_semantics<core_parallel>, #tpu.dimension_semantics<subcore_parallel>], iteration_bounds = array<i64: 2, 16>, scalar_prefetch = 0 : i64, scratch_operands = 6 : i64, tpu.core_type = #tpu.core_type<sc_vector_subcore>, window_params = [{transform_indices = #map}, {transform_indices = #map}, {transform_indices = #map}, {transform_indices = #map}, {transform_indices = #map}, {transform_indices = #map}, {transform_indices = #map}]} {
    %mul3A = arith.constant 624 : i32
    %mul3A_0 = arith.muli %arg1, %mul3A : i32
    "tpu.region"() ({
      %run_scoped3A = tpu.sem_alloc : memref<!tpu.dma_semaphore, #tpu.memory_space<semaphore_mem>>
      %dma_start3A = arith.constant 0 : i32
      %dma_start3A_24 = tpu.memref_slice %arg12[%mul3A_0, %dma_start3A] : memref<10016x128xf32, #tpu.memory_space<vmem_shared>> -> memref<624x128xf32, #tpu.memory_space<vmem_shared>>
      %dma_start3A_25 = arith.constant 0 : i32
      %dma_start3A_26 = arith.constant 0 : i32
      %dma_start3A_27 = tpu.memref_slice %arg6[%dma_start3A_25, %dma_start3A_26] : memref<624x128xf32, #tpu.memory_space<hbm>> -> memref<624x128xf32, #tpu.memory_space<hbm>>
      tpu.enqueue_dma source(%dma_start3A_27 : memref<624x128xf32, #tpu.memory_space<hbm>>) target(%dma_start3A_24 : memref<624x128xf32, #tpu.memory_space<vmem_shared>>) target_semaphore(%run_scoped3A : memref<!tpu.dma_semaphore, #tpu.memory_space<semaphore_mem>>)
      %dma_wait3A = arith.constant 0 : i32
      %dma_wait3A_28 = tpu.memref_slice %arg12[%mul3A_0, %dma_wait3A] : memref<10016x128xf32, #tpu.memory_space<vmem_shared>> -> memref<624x128xf32, #tpu.memory_space<vmem_shared>>
      %dma_wait3A_29 = arith.constant 0 : i32
      %dma_wait3A_30 = arith.constant 0 : i32
      %dma_wait3A_31 = tpu.memref_slice %arg6[%dma_wait3A_29, %dma_wait3A_30] : memref<624x128xf32, #tpu.memory_space<hbm>> -> memref<624x128xf32, #tpu.memory_space<hbm>>
      tpu.wait_dma2 semaphore(%run_scoped3A : memref<!tpu.dma_semaphore, #tpu.memory_space<semaphore_mem>>) src(%dma_wait3A_31 : memref<624x128xf32, #tpu.memory_space<hbm>>) dst(%dma_wait3A_28 : memref<624x128xf32, #tpu.memory_space<vmem_shared>>)
      tpu.yield
    }) : () -> ()
    %eq3A = arith.constant 15 : i32
    %eq3A_1 = arith.cmpi eq, %arg1, %eq3A : i32
    %convert_element_type3A = arith.extui %eq3A_1 : i1 to i32
    %cond3A = arith.constant 0 : i32
    %cond3A_2 = arith.cmpi ne, %convert_element_type3A, %cond3A : i32
    scf.if %cond3A_2 {
      "tpu.region"() ({
        %run_scoped3A = tpu.sem_alloc : memref<!tpu.dma_semaphore, #tpu.memory_space<semaphore_mem>>
        %dma_start3A = arith.constant 9984 : i32
        %dma_start3A_24 = arith.constant 0 : i32
        %dma_start3A_25 = tpu.memref_slice %arg12[%dma_start3A, %dma_start3A_24] : memref<10016x128xf32, #tpu.memory_space<vmem_shared>> -> memref<32x128xf32, #tpu.memory_space<vmem_shared>>
        %dma_start3A_26 = arith.constant 0 : i32
        %dma_start3A_27 = arith.constant 0 : i32
        %dma_start3A_28 = tpu.memref_slice %arg6[%dma_start3A_26, %dma_start3A_27] : memref<624x128xf32, #tpu.memory_space<hbm>> -> memref<32x128xf32, #tpu.memory_space<hbm>>
        tpu.enqueue_dma source(%dma_start3A_28 : memref<32x128xf32, #tpu.memory_space<hbm>>) target(%dma_start3A_25 : memref<32x128xf32, #tpu.memory_space<vmem_shared>>) target_semaphore(%run_scoped3A : memref<!tpu.dma_semaphore, #tpu.memory_space<semaphore_mem>>)
        %dma_wait3A = arith.constant 9984 : i32
        %dma_wait3A_29 = arith.constant 0 : i32
        %dma_wait3A_30 = tpu.memref_slice %arg12[%dma_wait3A, %dma_wait3A_29] : memref<10016x128xf32, #tpu.memory_space<vmem_shared>> -> memref<32x128xf32, #tpu.memory_space<vmem_shared>>
        %dma_wait3A_31 = arith.constant 0 : i32
        %dma_wait3A_32 = arith.constant 0 : i32
        %dma_wait3A_33 = tpu.memref_slice %arg6[%dma_wait3A_31, %dma_wait3A_32] : memref<624x128xf32, #tpu.memory_space<hbm>> -> memref<32x128xf32, #tpu.memory_space<hbm>>
        tpu.wait_dma2 semaphore(%run_scoped3A : memref<!tpu.dma_semaphore, #tpu.memory_space<semaphore_mem>>) src(%dma_wait3A_33 : memref<32x128xf32, #tpu.memory_space<hbm>>) dst(%dma_wait3A_30 : memref<32x128xf32, #tpu.memory_space<vmem_shared>>)
        tpu.yield
      }) : () -> ()
    } else {
    }
    %barrier3A = arith.constant 0 : index
    tpu.barrier barrier_id(%barrier3A)
    %eq3A_3 = arith.constant 0 : i32
    %eq3A_4 = arith.cmpi eq, %arg0, %eq3A_3 : i32
    %convert_element_type3A_5 = arith.extui %eq3A_4 : i1 to i32
    %cond3A_6 = arith.constant 0 : i32
    %cond3A_7 = arith.cmpi ne, %convert_element_type3A_5, %cond3A_6 : i32
    scf.if %cond3A_7 {
      %mul3A_24 = arith.constant 80 : i32
      %mul3A_25 = arith.muli %arg1, %mul3A_24 : i32
      %add3A = arith.constant 0 : i32
      %add3A_26 = arith.addi %mul3A_25, %add3A : i32
      "tpu.region"() ({
        %run_scoped3A = tpu.sem_alloc : memref<!tpu.dma_semaphore, #tpu.memory_space<semaphore_mem>>
        %dma_start3A_106 = arith.constant 0 : i32
        %dma_start3A_107 = tpu.memref_slice %arg4[%add3A_26, %dma_start3A_106] : memref<1280x128xi32, #tpu.memory_space<hbm>> -> memref<40x128xi32, #tpu.memory_space<hbm>>
        %dma_start3A_108 = arith.constant 0 : i32
        %dma_start3A_109 = tpu.memref_slice %arg4[%add3A_26, %dma_start3A_108] : memref<1280x128xi32, #tpu.memory_space<hbm>> -> memref<40x128xi32, #tpu.memory_space<hbm>>
        tpu.enqueue_dma source(%dma_start3A_109 : memref<40x128xi32, #tpu.memory_space<hbm>>) target(%arg9 : memref<40x128xi32, #tpu.memory_space<vmem>>) target_semaphore(%run_scoped3A : memref<!tpu.dma_semaphore, #tpu.memory_space<semaphore_mem>>)
        %dma_wait3A_110 = arith.constant 0 : i32
        %dma_wait3A_111 = tpu.memref_slice %arg4[%add3A_26, %dma_wait3A_110] : memref<1280x128xi32, #tpu.memory_space<hbm>> -> memref<40x128xi32, #tpu.memory_space<hbm>>
        %dma_wait3A_112 = arith.constant 0 : i32
        %dma_wait3A_113 = tpu.memref_slice %arg4[%add3A_26, %dma_wait3A_112] : memref<1280x128xi32, #tpu.memory_space<hbm>> -> memref<40x128xi32, #tpu.memory_space<hbm>>
        tpu.wait_dma2 semaphore(%run_scoped3A : memref<!tpu.dma_semaphore, #tpu.memory_space<semaphore_mem>>) src(%dma_wait3A_113 : memref<40x128xi32, #tpu.memory_space<hbm>>) dst(%arg9 : memref<40x128xi32, #tpu.memory_space<vmem>>)
        tpu.yield
      }) : () -> ()
      "tpu.region"() ({
        %run_scoped3A = tpu.sem_alloc : memref<!tpu.dma_semaphore, #tpu.memory_space<semaphore_mem>>
        %dma_start3A_106 = arith.constant 0 : i32
        %dma_start3A_107 = tpu.memref_slice %arg5[%add3A_26, %dma_start3A_106] : memref<1280x128xi32, #tpu.memory_space<hbm>> -> memref<40x128xi32, #tpu.memory_space<hbm>>
        %dma_start3A_108 = arith.constant 0 : i32
        %dma_start3A_109 = tpu.memref_slice %arg5[%add3A_26, %dma_start3A_108] : memref<1280x128xi32, #tpu.memory_space<hbm>> -> memref<40x128xi32, #tpu.memory_space<hbm>>
        tpu.enqueue_dma source(%dma_start3A_109 : memref<40x128xi32, #tpu.memory_space<hbm>>) target(%arg10 : memref<40x128xi32, #tpu.memory_space<vmem>>) target_semaphore(%run_scoped3A : memref<!tpu.dma_semaphore, #tpu.memory_space<semaphore_mem>>)
        %dma_wait3A_110 = arith.constant 0 : i32
        %dma_wait3A_111 = tpu.memref_slice %arg5[%add3A_26, %dma_wait3A_110] : memref<1280x128xi32, #tpu.memory_space<hbm>> -> memref<40x128xi32, #tpu.memory_space<hbm>>
        %dma_wait3A_112 = arith.constant 0 : i32
        %dma_wait3A_113 = tpu.memref_slice %arg5[%add3A_26, %dma_wait3A_112] : memref<1280x128xi32, #tpu.memory_space<hbm>> -> memref<40x128xi32, #tpu.memory_space<hbm>>
        tpu.wait_dma2 semaphore(%run_scoped3A : memref<!tpu.dma_semaphore, #tpu.memory_space<semaphore_mem>>) src(%dma_wait3A_113 : memref<40x128xi32, #tpu.memory_space<hbm>>) dst(%arg10 : memref<40x128xi32, #tpu.memory_space<vmem>>)
        tpu.yield
      }) : () -> ()
      %dma_start3A = arith.constant 0 : i32
      %dma_start3A_27 = arith.constant 0 : i32
      %dma_start3A_28 = arith.constant 0 : i32
      %dma_start3A_29 = arith.constant 0 : i32
      %dma_start3A_30 = arith.constant 0 : i32
      %dma_start3A_31 = tpu.memref_slice %arg11[%dma_start3A_27, %dma_start3A_29, %dma_start3A_30] : memref<2x128x128xf32, #tpu.memory_space<vmem>> -> memref<1x128x128xf32, #tpu.memory_space<vmem>>
      %dma_start3A_32 = tpu.memref_squeeze %dma_start3A_31 : memref<1x128x128xf32, #tpu.memory_space<vmem>> -> memref<128x128xf32, #tpu.memory_space<vmem>>
      %dma_start3A_33 = arith.constant 0 : i32
      %dma_start3A_34 = tpu.memref_slice %arg9[%dma_start3A, %dma_start3A_33] : memref<40x128xi32, #tpu.memory_space<vmem>> -> memref<1x128xi32, #tpu.memory_space<vmem>>
      %dma_start3A_35 = tpu.memref_squeeze %dma_start3A_34 : memref<1x128xi32, #tpu.memory_space<vmem>> -> memref<128xi32, #tpu.memory_space<vmem>>
      %dma_start3A_36 = arith.constant 0 : i32
      %dma_start3A_37 = arith.constant 0 : i32
      %dma_start3A_38 = tpu.memref_slice %arg2[%dma_start3A_36, %dma_start3A_37] : memref<10000x128xf32, #tpu.memory_space<hbm>> -> memref<10000x128xf32, #tpu.memory_space<hbm>>
      %dma_start3A_39 = tpu.memref_slice %arg13[%dma_start3A_28] : memref<2x!tpu.dma_semaphore, #tpu.memory_space<semaphore_mem>> -> memref<1x!tpu.dma_semaphore, #tpu.memory_space<semaphore_mem>>
      %dma_start3A_40 = tpu.memref_squeeze %dma_start3A_39 : memref<1x!tpu.dma_semaphore, #tpu.memory_space<semaphore_mem>> -> memref<!tpu.dma_semaphore, #tpu.memory_space<semaphore_mem>>
      tpu.enqueue_indirect_dma source(%dma_start3A_38 : memref<10000x128xf32, #tpu.memory_space<hbm>>) target(%dma_start3A_32 : memref<128x128xf32, #tpu.memory_space<vmem>>) offsets(%dma_start3A_35 : memref<128xi32, #tpu.memory_space<vmem>>) semaphore(%dma_start3A_40 : memref<!tpu.dma_semaphore, #tpu.memory_space<semaphore_mem>>)
      %scan3A = arith.constant 0 : i32
      %scan3A_41 = arith.constant 0 : i32
      %scan3A_42 = arith.constant 40 : i32
      %scan3A_43 = arith.addi %scan3A_41, %scan3A_42 : i32
      %scan3A_44 = arith.constant 1 : i32
      scf.for %scan3A_106 = %scan3A_41 to %scan3A_43 step %scan3A_44  : i32 {
        %rem3A = arith.constant 2 : i32
        %rem3A_107 = arith.remsi %scan3A_106, %rem3A : i32
        %sub3A = arith.constant 1 : i32
        %sub3A_108 = arith.subi %sub3A, %rem3A_107 : i32
        %ge3A = arith.constant 1 : i32
        %ge3A_109 = arith.cmpi sge, %scan3A_106, %ge3A : i32
        %convert_element_type3A_110 = arith.extui %ge3A_109 : i1 to i32
        %cond3A_111 = arith.constant 0 : i32
        %cond3A_112 = arith.cmpi ne, %convert_element_type3A_110, %cond3A_111 : i32
        scf.if %cond3A_112 {
          %dma_wait3A_148 = arith.constant 0 : i32
          %dma_wait3A_149 = arith.constant 0 : i32
          %dma_wait3A_150 = arith.constant 0 : i32
          %dma_wait3A_151 = tpu.memref_slice %arg11[%dma_wait3A_148, %dma_wait3A_149, %dma_wait3A_150] : memref<2x128x128xf32, #tpu.memory_space<vmem>> -> memref<1x128x128xf32, #tpu.memory_space<vmem>>
          %dma_wait3A_152 = tpu.memref_squeeze %dma_wait3A_151 : memref<1x128x128xf32, #tpu.memory_space<vmem>> -> memref<128x128xf32, #tpu.memory_space<vmem>>
          %dma_wait3A_153 = arith.constant 0 : i32
          %dma_wait3A_154 = arith.constant 0 : i32
          %dma_wait3A_155 = tpu.memref_slice %arg12[%dma_wait3A_153, %dma_wait3A_154] : memref<10016x128xf32, #tpu.memory_space<vmem_shared>> -> memref<128x128xf32, #tpu.memory_space<vmem_shared>>
          %dma_wait3A_156 = tpu.memref_slice %arg14[%sub3A_108] : memref<2x!tpu.dma_semaphore, #tpu.memory_space<semaphore_mem>> -> memref<1x!tpu.dma_semaphore, #tpu.memory_space<semaphore_mem>>
          %dma_wait3A_157 = tpu.memref_squeeze %dma_wait3A_156 : memref<1x!tpu.dma_semaphore, #tpu.memory_space<semaphore_mem>> -> memref<!tpu.dma_semaphore, #tpu.memory_space<semaphore_mem>>
          %dma_wait3A_158 = arith.constant 0 : i32
          %dma_wait3A_159 = arith.constant 0 : i32
          %dma_wait3A_160 = tpu.memref_slice %arg12[%dma_wait3A_158, %dma_wait3A_159] : memref<10016x128xf32, #tpu.memory_space<vmem_shared>> -> memref<128x128xf32, #tpu.memory_space<vmem_shared>>
          %dma_wait3A_161 = arith.constant 0 : i32
          %dma_wait3A_162 = arith.constant 0 : i32
          %dma_wait3A_163 = tpu.memref_slice %arg11[%dma_wait3A_148, %dma_wait3A_161, %dma_wait3A_162] : memref<2x128x128xf32, #tpu.memory_space<vmem>> -> memref<1x128x128xf32, #tpu.memory_space<vmem>>
          %dma_wait3A_164 = tpu.memref_squeeze %dma_wait3A_163 : memref<1x128x128xf32, #tpu.memory_space<vmem>> -> memref<128x128xf32, #tpu.memory_space<vmem>>
          tpu.wait_dma2 semaphore(%dma_wait3A_157 : memref<!tpu.dma_semaphore, #tpu.memory_space<semaphore_mem>>) src(%dma_wait3A_164 : memref<128x128xf32, #tpu.memory_space<vmem>>) dst(%dma_wait3A_160 : memref<128x128xf32, #tpu.memory_space<vmem_shared>>)
        } else {
        }
        %add3A_113 = arith.constant 1 : i32
        %add3A_114 = arith.addi %scan3A_106, %add3A_113 : i32
        %lt3A = arith.constant 40 : i32
        %lt3A_115 = arith.cmpi slt, %add3A_114, %lt3A : i32
        %convert_element_type3A_116 = arith.extui %lt3A_115 : i1 to i32
        %cond3A_117 = arith.constant 0 : i32
        %cond3A_118 = arith.cmpi ne, %convert_element_type3A_116, %cond3A_117 : i32
        scf.if %cond3A_118 {
          %add3A_148 = arith.constant 1 : i32
          %add3A_149 = arith.addi %scan3A_106, %add3A_148 : i32
          %dma_start3A_150 = arith.constant 0 : i32
          %dma_start3A_151 = arith.constant 0 : i32
          %dma_start3A_152 = tpu.memref_slice %arg11[%sub3A_108, %dma_start3A_150, %dma_start3A_151] : memref<2x128x128xf32, #tpu.memory_space<vmem>> -> memref<1x128x128xf32, #tpu.memory_space<vmem>>
          %dma_start3A_153 = tpu.memref_squeeze %dma_start3A_152 : memref<1x128x128xf32, #tpu.memory_space<vmem>> -> memref<128x128xf32, #tpu.memory_space<vmem>>
          %dma_start3A_154 = arith.constant 0 : i32
          %dma_start3A_155 = tpu.memref_slice %arg9[%add3A_149, %dma_start3A_154] : memref<40x128xi32, #tpu.memory_space<vmem>> -> memref<1x128xi32, #tpu.memory_space<vmem>>
          %dma_start3A_156 = tpu.memref_squeeze %dma_start3A_155 : memref<1x128xi32, #tpu.memory_space<vmem>> -> memref<128xi32, #tpu.memory_space<vmem>>
          %dma_start3A_157 = arith.constant 0 : i32
          %dma_start3A_158 = arith.constant 0 : i32
          %dma_start3A_159 = tpu.memref_slice %arg2[%dma_start3A_157, %dma_start3A_158] : memref<10000x128xf32, #tpu.memory_space<hbm>> -> memref<10000x128xf32, #tpu.memory_space<hbm>>
          %dma_start3A_160 = tpu.memref_slice %arg13[%sub3A_108] : memref<2x!tpu.dma_semaphore, #tpu.memory_space<semaphore_mem>> -> memref<1x!tpu.dma_semaphore, #tpu.memory_space<semaphore_mem>>
          %dma_start3A_161 = tpu.memref_squeeze %dma_start3A_160 : memref<1x!tpu.dma_semaphore, #tpu.memory_space<semaphore_mem>> -> memref<!tpu.dma_semaphore, #tpu.memory_space<semaphore_mem>>
          tpu.enqueue_indirect_dma source(%dma_start3A_159 : memref<10000x128xf32, #tpu.memory_space<hbm>>) target(%dma_start3A_153 : memref<128x128xf32, #tpu.memory_space<vmem>>) offsets(%dma_start3A_156 : memref<128xi32, #tpu.memory_space<vmem>>) semaphore(%dma_start3A_161 : memref<!tpu.dma_semaphore, #tpu.memory_space<semaphore_mem>>)
        } else {
        }
        %dma_wait3A_119 = arith.constant 0 : i32
        %dma_wait3A_120 = arith.constant 0 : i32
        %dma_wait3A_121 = arith.constant 0 : i32
        %dma_wait3A_122 = tpu.memref_slice %arg11[%dma_wait3A_119, %dma_wait3A_120, %dma_wait3A_121] : memref<2x128x128xf32, #tpu.memory_space<vmem>> -> memref<1x128x128xf32, #tpu.memory_space<vmem>>
        %dma_wait3A_123 = tpu.memref_squeeze %dma_wait3A_122 : memref<1x128x128xf32, #tpu.memory_space<vmem>> -> memref<128x128xf32, #tpu.memory_space<vmem>>
        %dma_wait3A_124 = arith.constant 0 : i32
        %dma_wait3A_125 = arith.constant 0 : i32
        %dma_wait3A_126 = tpu.memref_slice %arg2[%dma_wait3A_124, %dma_wait3A_125] : memref<10000x128xf32, #tpu.memory_space<hbm>> -> memref<128x128xf32, #tpu.memory_space<hbm>>
        %dma_wait3A_127 = tpu.memref_slice %arg13[%rem3A_107] : memref<2x!tpu.dma_semaphore, #tpu.memory_space<semaphore_mem>> -> memref<1x!tpu.dma_semaphore, #tpu.memory_space<semaphore_mem>>
        %dma_wait3A_128 = tpu.memref_squeeze %dma_wait3A_127 : memref<1x!tpu.dma_semaphore, #tpu.memory_space<semaphore_mem>> -> memref<!tpu.dma_semaphore, #tpu.memory_space<semaphore_mem>>
        %dma_wait3A_129 = arith.constant 0 : i32
        %dma_wait3A_130 = arith.constant 0 : i32
        %dma_wait3A_131 = tpu.memref_slice %arg11[%dma_wait3A_119, %dma_wait3A_129, %dma_wait3A_130] : memref<2x128x128xf32, #tpu.memory_space<vmem>> -> memref<1x128x128xf32, #tpu.memory_space<vmem>>
        %dma_wait3A_132 = tpu.memref_squeeze %dma_wait3A_131 : memref<1x128x128xf32, #tpu.memory_space<vmem>> -> memref<128x128xf32, #tpu.memory_space<vmem>>
        %dma_wait3A_133 = arith.constant 0 : i32
        %dma_wait3A_134 = arith.constant 0 : i32
        %dma_wait3A_135 = tpu.memref_slice %arg2[%dma_wait3A_133, %dma_wait3A_134] : memref<10000x128xf32, #tpu.memory_space<hbm>> -> memref<128x128xf32, #tpu.memory_space<hbm>>
        tpu.wait_dma2 semaphore(%dma_wait3A_128 : memref<!tpu.dma_semaphore, #tpu.memory_space<semaphore_mem>>) src(%dma_wait3A_135 : memref<128x128xf32, #tpu.memory_space<hbm>>) dst(%dma_wait3A_132 : memref<128x128xf32, #tpu.memory_space<vmem>>)
        %dma_start3A_136 = arith.constant 0 : i32
        %dma_start3A_137 = arith.constant 0 : i32
        %dma_start3A_138 = tpu.memref_slice %arg11[%rem3A_107, %dma_start3A_136, %dma_start3A_137] : memref<2x128x128xf32, #tpu.memory_space<vmem>> -> memref<1x128x128xf32, #tpu.memory_space<vmem>>
        %dma_start3A_139 = tpu.memref_squeeze %dma_start3A_138 : memref<1x128x128xf32, #tpu.memory_space<vmem>> -> memref<128x128xf32, #tpu.memory_space<vmem>>
        %dma_start3A_140 = arith.constant 0 : i32
        %dma_start3A_141 = tpu.memref_slice %arg10[%scan3A_106, %dma_start3A_140] : memref<40x128xi32, #tpu.memory_space<vmem>> -> memref<1x128xi32, #tpu.memory_space<vmem>>
        %dma_start3A_142 = tpu.memref_squeeze %dma_start3A_141 : memref<1x128xi32, #tpu.memory_space<vmem>> -> memref<128xi32, #tpu.memory_space<vmem>>
        %dma_start3A_143 = arith.constant 0 : i32
        %dma_start3A_144 = arith.constant 0 : i32
        %dma_start3A_145 = tpu.memref_slice %arg12[%dma_start3A_143, %dma_start3A_144] : memref<10016x128xf32, #tpu.memory_space<vmem_shared>> -> memref<10016x128xf32, #tpu.memory_space<vmem_shared>>
        %dma_start3A_146 = tpu.memref_slice %arg14[%rem3A_107] : memref<2x!tpu.dma_semaphore, #tpu.memory_space<semaphore_mem>> -> memref<1x!tpu.dma_semaphore, #tpu.memory_space<semaphore_mem>>
        %dma_start3A_147 = tpu.memref_squeeze %dma_start3A_146 : memref<1x!tpu.dma_semaphore, #tpu.memory_space<semaphore_mem>> -> memref<!tpu.dma_semaphore, #tpu.memory_space<semaphore_mem>>
        tpu.enqueue_indirect_dma source(%dma_start3A_139 : memref<128x128xf32, #tpu.memory_space<vmem>>) target(%dma_start3A_145 : memref<10016x128xf32, #tpu.memory_space<vmem_shared>>) offsets(%dma_start3A_142 : memref<128xi32, #tpu.memory_space<vmem>>) semaphore(%dma_start3A_147 : memref<!tpu.dma_semaphore, #tpu.memory_space<semaphore_mem>>) {add = true}
      }
      %scan3A_45 = arith.constant 40 : i32
      %dma_wait3A = arith.constant 0 : i32
      %dma_wait3A_46 = arith.constant 1 : i32
      %dma_wait3A_47 = arith.constant 0 : i32
      %dma_wait3A_48 = arith.constant 0 : i32
      %dma_wait3A_49 = tpu.memref_slice %arg11[%dma_wait3A, %dma_wait3A_47, %dma_wait3A_48] : memref<2x128x128xf32, #tpu.memory_space<vmem>> -> memref<1x128x128xf32, #tpu.memory_space<vmem>>
      %dma_wait3A_50 = tpu.memref_squeeze %dma_wait3A_49 : memref<1x128x128xf32, #tpu.memory_space<vmem>> -> memref<128x128xf32, #tpu.memory_space<vmem>>
      %dma_wait3A_51 = arith.constant 0 : i32
      %dma_wait3A_52 = arith.constant 0 : i32
      %dma_wait3A_53 = tpu.memref_slice %arg12[%dma_wait3A_51, %dma_wait3A_52] : memref<10016x128xf32, #tpu.memory_space<vmem_shared>> -> memref<128x128xf32, #tpu.memory_space<vmem_shared>>
      %dma_wait3A_54 = tpu.memref_slice %arg14[%dma_wait3A_46] : memref<2x!tpu.dma_semaphore, #tpu.memory_space<semaphore_mem>> -> memref<1x!tpu.dma_semaphore, #tpu.memory_space<semaphore_mem>>
      %dma_wait3A_55 = tpu.memref_squeeze %dma_wait3A_54 : memref<1x!tpu.dma_semaphore, #tpu.memory_space<semaphore_mem>> -> memref<!tpu.dma_semaphore, #tpu.memory_space<semaphore_mem>>
      %dma_wait3A_56 = arith.constant 0 : i32
      %dma_wait3A_57 = arith.constant 0 : i32
      %dma_wait3A_58 = tpu.memref_slice %arg12[%dma_wait3A_56, %dma_wait3A_57] : memref<10016x128xf32, #tpu.memory_space<vmem_shared>> -> memref<128x128xf32, #tpu.memory_space<vmem_shared>>
      %dma_wait3A_59 = arith.constant 0 : i32
      %dma_wait3A_60 = arith.constant 0 : i32
      %dma_wait3A_61 = tpu.memref_slice %arg11[%dma_wait3A, %dma_wait3A_59, %dma_wait3A_60] : memref<2x128x128xf32, #tpu.memory_space<vmem>> -> memref<1x128x128xf32, #tpu.memory_space<vmem>>
      %dma_wait3A_62 = tpu.memref_squeeze %dma_wait3A_61 : memref<1x128x128xf32, #tpu.memory_space<vmem>> -> memref<128x128xf32, #tpu.memory_space<vmem>>
      tpu.wait_dma2 semaphore(%dma_wait3A_55 : memref<!tpu.dma_semaphore, #tpu.memory_space<semaphore_mem>>) src(%dma_wait3A_62 : memref<128x128xf32, #tpu.memory_space<vmem>>) dst(%dma_wait3A_58 : memref<128x128xf32, #tpu.memory_space<vmem_shared>>)
      %mul3A_63 = arith.constant 80 : i32
      %mul3A_64 = arith.muli %arg1, %mul3A_63 : i32
      %add3A_65 = arith.constant 40 : i32
      %add3A_66 = arith.addi %mul3A_64, %add3A_65 : i32
      "tpu.region"() ({
        %run_scoped3A = tpu.sem_alloc : memref<!tpu.dma_semaphore, #tpu.memory_space<semaphore_mem>>
        %dma_start3A_106 = arith.constant 0 : i32
        %dma_start3A_107 = tpu.memref_slice %arg4[%add3A_66, %dma_start3A_106] : memref<1280x128xi32, #tpu.memory_space<hbm>> -> memref<40x128xi32, #tpu.memory_space<hbm>>
        %dma_start3A_108 = arith.constant 0 : i32
        %dma_start3A_109 = tpu.memref_slice %arg4[%add3A_66, %dma_start3A_108] : memref<1280x128xi32, #tpu.memory_space<hbm>> -> memref<40x128xi32, #tpu.memory_space<hbm>>
        tpu.enqueue_dma source(%dma_start3A_109 : memref<40x128xi32, #tpu.memory_space<hbm>>) target(%arg9 : memref<40x128xi32, #tpu.memory_space<vmem>>) target_semaphore(%run_scoped3A : memref<!tpu.dma_semaphore, #tpu.memory_space<semaphore_mem>>)
        %dma_wait3A_110 = arith.constant 0 : i32
        %dma_wait3A_111 = tpu.memref_slice %arg4[%add3A_66, %dma_wait3A_110] : memref<1280x128xi32, #tpu.memory_space<hbm>> -> memref<40x128xi32, #tpu.memory_space<hbm>>
        %dma_wait3A_112 = arith.constant 0 : i32
        %dma_wait3A_113 = tpu.memref_slice %arg4[%add3A_66, %dma_wait3A_112] : memref<1280x128xi32, #tpu.memory_space<hbm>> -> memref<40x128xi32, #tpu.memory_space<hbm>>
        tpu.wait_dma2 semaphore(%run_scoped3A : memref<!tpu.dma_semaphore, #tpu.memory_space<semaphore_mem>>) src(%dma_wait3A_113 : memref<40x128xi32, #tpu.memory_space<hbm>>) dst(%arg9 : memref<40x128xi32, #tpu.memory_space<vmem>>)
        tpu.yield
      }) : () -> ()
      "tpu.region"() ({
        %run_scoped3A = tpu.sem_alloc : memref<!tpu.dma_semaphore, #tpu.memory_space<semaphore_mem>>
        %dma_start3A_106 = arith.constant 0 : i32
        %dma_start3A_107 = tpu.memref_slice %arg5[%add3A_66, %dma_start3A_106] : memref<1280x128xi32, #tpu.memory_space<hbm>> -> memref<40x128xi32, #tpu.memory_space<hbm>>
        %dma_start3A_108 = arith.constant 0 : i32
        %dma_start3A_109 = tpu.memref_slice %arg5[%add3A_66, %dma_start3A_108] : memref<1280x128xi32, #tpu.memory_space<hbm>> -> memref<40x128xi32, #tpu.memory_space<hbm>>
        tpu.enqueue_dma source(%dma_start3A_109 : memref<40x128xi32, #tpu.memory_space<hbm>>) target(%arg10 : memref<40x128xi32, #tpu.memory_space<vmem>>) target_semaphore(%run_scoped3A : memref<!tpu.dma_semaphore, #tpu.memory_space<semaphore_mem>>)
        %dma_wait3A_110 = arith.constant 0 : i32
        %dma_wait3A_111 = tpu.memref_slice %arg5[%add3A_66, %dma_wait3A_110] : memref<1280x128xi32, #tpu.memory_space<hbm>> -> memref<40x128xi32, #tpu.memory_space<hbm>>
        %dma_wait3A_112 = arith.constant 0 : i32
        %dma_wait3A_113 = tpu.memref_slice %arg5[%add3A_66, %dma_wait3A_112] : memref<1280x128xi32, #tpu.memory_space<hbm>> -> memref<40x128xi32, #tpu.memory_space<hbm>>
        tpu.wait_dma2 semaphore(%run_scoped3A : memref<!tpu.dma_semaphore, #tpu.memory_space<semaphore_mem>>) src(%dma_wait3A_113 : memref<40x128xi32, #tpu.memory_space<hbm>>) dst(%arg10 : memref<40x128xi32, #tpu.memory_space<vmem>>)
        tpu.yield
      }) : () -> ()
      %dma_start3A_67 = arith.constant 0 : i32
      %dma_start3A_68 = arith.constant 0 : i32
      %dma_start3A_69 = arith.constant 0 : i32
      %dma_start3A_70 = arith.constant 0 : i32
      %dma_start3A_71 = arith.constant 0 : i32
      %dma_start3A_72 = tpu.memref_slice %arg11[%dma_start3A_68, %dma_start3A_70, %dma_start3A_71] : memref<2x128x128xf32, #tpu.memory_space<vmem>> -> memref<1x128x128xf32, #tpu.memory_space<vmem>>
      %dma_start3A_73 = tpu.memref_squeeze %dma_start3A_72 : memref<1x128x128xf32, #tpu.memory_space<vmem>> -> memref<128x128xf32, #tpu.memory_space<vmem>>
      %dma_start3A_74 = arith.constant 0 : i32
      %dma_start3A_75 = tpu.memref_slice %arg9[%dma_start3A_67, %dma_start3A_74] : memref<40x128xi32, #tpu.memory_space<vmem>> -> memref<1x128xi32, #tpu.memory_space<vmem>>
      %dma_start3A_76 = tpu.memref_squeeze %dma_start3A_75 : memref<1x128xi32, #tpu.memory_space<vmem>> -> memref<128xi32, #tpu.memory_space<vmem>>
      %dma_start3A_77 = arith.constant 0 : i32
      %dma_start3A_78 = arith.constant 0 : i32
      %dma_start3A_79 = tpu.memref_slice %arg2[%dma_start3A_77, %dma_start3A_78] : memref<10000x128xf32, #tpu.memory_space<hbm>> -> memref<10000x128xf32, #tpu.memory_space<hbm>>
      %dma_start3A_80 = tpu.memref_slice %arg13[%dma_start3A_69] : memref<2x!tpu.dma_semaphore, #tpu.memory_space<semaphore_mem>> -> memref<1x!tpu.dma_semaphore, #tpu.memory_space<semaphore_mem>>
      %dma_start3A_81 = tpu.memref_squeeze %dma_start3A_80 : memref<1x!tpu.dma_semaphore, #tpu.memory_space<semaphore_mem>> -> memref<!tpu.dma_semaphore, #tpu.memory_space<semaphore_mem>>
      tpu.enqueue_indirect_dma source(%dma_start3A_79 : memref<10000x128xf32, #tpu.memory_space<hbm>>) target(%dma_start3A_73 : memref<128x128xf32, #tpu.memory_space<vmem>>) offsets(%dma_start3A_76 : memref<128xi32, #tpu.memory_space<vmem>>) semaphore(%dma_start3A_81 : memref<!tpu.dma_semaphore, #tpu.memory_space<semaphore_mem>>)
      %scan3A_82 = arith.constant 0 : i32
      %scan3A_83 = arith.constant 0 : i32
      %scan3A_84 = arith.constant 40 : i32
      %scan3A_85 = arith.addi %scan3A_83, %scan3A_84 : i32
      %scan3A_86 = arith.constant 1 : i32
      scf.for %scan3A_106 = %scan3A_83 to %scan3A_85 step %scan3A_86  : i32 {
        %rem3A = arith.constant 2 : i32
        %rem3A_107 = arith.remsi %scan3A_106, %rem3A : i32
        %sub3A = arith.constant 1 : i32
        %sub3A_108 = arith.subi %sub3A, %rem3A_107 : i32
        %ge3A = arith.constant 1 : i32
        %ge3A_109 = arith.cmpi sge, %scan3A_106, %ge3A : i32
        %convert_element_type3A_110 = arith.extui %ge3A_109 : i1 to i32
        %cond3A_111 = arith.constant 0 : i32
        %cond3A_112 = arith.cmpi ne, %convert_element_type3A_110, %cond3A_111 : i32
        scf.if %cond3A_112 {
          %dma_wait3A_148 = arith.constant 0 : i32
          %dma_wait3A_149 = arith.constant 0 : i32
          %dma_wait3A_150 = arith.constant 0 : i32
          %dma_wait3A_151 = tpu.memref_slice %arg11[%dma_wait3A_148, %dma_wait3A_149, %dma_wait3A_150] : memref<2x128x128xf32, #tpu.memory_space<vmem>> -> memref<1x128x128xf32, #tpu.memory_space<vmem>>
          %dma_wait3A_152 = tpu.memref_squeeze %dma_wait3A_151 : memref<1x128x128xf32, #tpu.memory_space<vmem>> -> memref<128x128xf32, #tpu.memory_space<vmem>>
          %dma_wait3A_153 = arith.constant 0 : i32
          %dma_wait3A_154 = arith.constant 0 : i32
          %dma_wait3A_155 = tpu.memref_slice %arg12[%dma_wait3A_153, %dma_wait3A_154] : memref<10016x128xf32, #tpu.memory_space<vmem_shared>> -> memref<128x128xf32, #tpu.memory_space<vmem_shared>>
          %dma_wait3A_156 = tpu.memref_slice %arg14[%sub3A_108] : memref<2x!tpu.dma_semaphore, #tpu.memory_space<semaphore_mem>> -> memref<1x!tpu.dma_semaphore, #tpu.memory_space<semaphore_mem>>
          %dma_wait3A_157 = tpu.memref_squeeze %dma_wait3A_156 : memref<1x!tpu.dma_semaphore, #tpu.memory_space<semaphore_mem>> -> memref<!tpu.dma_semaphore, #tpu.memory_space<semaphore_mem>>
          %dma_wait3A_158 = arith.constant 0 : i32
          %dma_wait3A_159 = arith.constant 0 : i32
          %dma_wait3A_160 = tpu.memref_slice %arg12[%dma_wait3A_158, %dma_wait3A_159] : memref<10016x128xf32, #tpu.memory_space<vmem_shared>> -> memref<128x128xf32, #tpu.memory_space<vmem_shared>>
          %dma_wait3A_161 = arith.constant 0 : i32
          %dma_wait3A_162 = arith.constant 0 : i32
          %dma_wait3A_163 = tpu.memref_slice %arg11[%dma_wait3A_148, %dma_wait3A_161, %dma_wait3A_162] : memref<2x128x128xf32, #tpu.memory_space<vmem>> -> memref<1x128x128xf32, #tpu.memory_space<vmem>>
          %dma_wait3A_164 = tpu.memref_squeeze %dma_wait3A_163 : memref<1x128x128xf32, #tpu.memory_space<vmem>> -> memref<128x128xf32, #tpu.memory_space<vmem>>
          tpu.wait_dma2 semaphore(%dma_wait3A_157 : memref<!tpu.dma_semaphore, #tpu.memory_space<semaphore_mem>>) src(%dma_wait3A_164 : memref<128x128xf32, #tpu.memory_space<vmem>>) dst(%dma_wait3A_160 : memref<128x128xf32, #tpu.memory_space<vmem_shared>>)
        } else {
        }
        %add3A_113 = arith.constant 1 : i32
        %add3A_114 = arith.addi %scan3A_106, %add3A_113 : i32
        %lt3A = arith.constant 40 : i32
        %lt3A_115 = arith.cmpi slt, %add3A_114, %lt3A : i32
        %convert_element_type3A_116 = arith.extui %lt3A_115 : i1 to i32
        %cond3A_117 = arith.constant 0 : i32
        %cond3A_118 = arith.cmpi ne, %convert_element_type3A_116, %cond3A_117 : i32
        scf.if %cond3A_118 {
          %add3A_148 = arith.constant 1 : i32
          %add3A_149 = arith.addi %scan3A_106, %add3A_148 : i32
          %dma_start3A_150 = arith.constant 0 : i32
          %dma_start3A_151 = arith.constant 0 : i32
          %dma_start3A_152 = tpu.memref_slice %arg11[%sub3A_108, %dma_start3A_150, %dma_start3A_151] : memref<2x128x128xf32, #tpu.memory_space<vmem>> -> memref<1x128x128xf32, #tpu.memory_space<vmem>>
          %dma_start3A_153 = tpu.memref_squeeze %dma_start3A_152 : memref<1x128x128xf32, #tpu.memory_space<vmem>> -> memref<128x128xf32, #tpu.memory_space<vmem>>
          %dma_start3A_154 = arith.constant 0 : i32
          %dma_start3A_155 = tpu.memref_slice %arg9[%add3A_149, %dma_start3A_154] : memref<40x128xi32, #tpu.memory_space<vmem>> -> memref<1x128xi32, #tpu.memory_space<vmem>>
          %dma_start3A_156 = tpu.memref_squeeze %dma_start3A_155 : memref<1x128xi32, #tpu.memory_space<vmem>> -> memref<128xi32, #tpu.memory_space<vmem>>
          %dma_start3A_157 = arith.constant 0 : i32
          %dma_start3A_158 = arith.constant 0 : i32
          %dma_start3A_159 = tpu.memref_slice %arg2[%dma_start3A_157, %dma_start3A_158] : memref<10000x128xf32, #tpu.memory_space<hbm>> -> memref<10000x128xf32, #tpu.memory_space<hbm>>
          %dma_start3A_160 = tpu.memref_slice %arg13[%sub3A_108] : memref<2x!tpu.dma_semaphore, #tpu.memory_space<semaphore_mem>> -> memref<1x!tpu.dma_semaphore, #tpu.memory_space<semaphore_mem>>
          %dma_start3A_161 = tpu.memref_squeeze %dma_start3A_160 : memref<1x!tpu.dma_semaphore, #tpu.memory_space<semaphore_mem>> -> memref<!tpu.dma_semaphore, #tpu.memory_space<semaphore_mem>>
          tpu.enqueue_indirect_dma source(%dma_start3A_159 : memref<10000x128xf32, #tpu.memory_space<hbm>>) target(%dma_start3A_153 : memref<128x128xf32, #tpu.memory_space<vmem>>) offsets(%dma_start3A_156 : memref<128xi32, #tpu.memory_space<vmem>>) semaphore(%dma_start3A_161 : memref<!tpu.dma_semaphore, #tpu.memory_space<semaphore_mem>>)
        } else {
        }
        %dma_wait3A_119 = arith.constant 0 : i32
        %dma_wait3A_120 = arith.constant 0 : i32
        %dma_wait3A_121 = arith.constant 0 : i32
        %dma_wait3A_122 = tpu.memref_slice %arg11[%dma_wait3A_119, %dma_wait3A_120, %dma_wait3A_121] : memref<2x128x128xf32, #tpu.memory_space<vmem>> -> memref<1x128x128xf32, #tpu.memory_space<vmem>>
        %dma_wait3A_123 = tpu.memref_squeeze %dma_wait3A_122 : memref<1x128x128xf32, #tpu.memory_space<vmem>> -> memref<128x128xf32, #tpu.memory_space<vmem>>
        %dma_wait3A_124 = arith.constant 0 : i32
        %dma_wait3A_125 = arith.constant 0 : i32
        %dma_wait3A_126 = tpu.memref_slice %arg2[%dma_wait3A_124, %dma_wait3A_125] : memref<10000x128xf32, #tpu.memory_space<hbm>> -> memref<128x128xf32, #tpu.memory_space<hbm>>
        %dma_wait3A_127 = tpu.memref_slice %arg13[%rem3A_107] : memref<2x!tpu.dma_semaphore, #tpu.memory_space<semaphore_mem>> -> memref<1x!tpu.dma_semaphore, #tpu.memory_space<semaphore_mem>>
        %dma_wait3A_128 = tpu.memref_squeeze %dma_wait3A_127 : memref<1x!tpu.dma_semaphore, #tpu.memory_space<semaphore_mem>> -> memref<!tpu.dma_semaphore, #tpu.memory_space<semaphore_mem>>
        %dma_wait3A_129 = arith.constant 0 : i32
        %dma_wait3A_130 = arith.constant 0 : i32
        %dma_wait3A_131 = tpu.memref_slice %arg11[%dma_wait3A_119, %dma_wait3A_129, %dma_wait3A_130] : memref<2x128x128xf32, #tpu.memory_space<vmem>> -> memref<1x128x128xf32, #tpu.memory_space<vmem>>
        %dma_wait3A_132 = tpu.memref_squeeze %dma_wait3A_131 : memref<1x128x128xf32, #tpu.memory_space<vmem>> -> memref<128x128xf32, #tpu.memory_space<vmem>>
        %dma_wait3A_133 = arith.constant 0 : i32
        %dma_wait3A_134 = arith.constant 0 : i32
        %dma_wait3A_135 = tpu.memref_slice %arg2[%dma_wait3A_133, %dma_wait3A_134] : memref<10000x128xf32, #tpu.memory_space<hbm>> -> memref<128x128xf32, #tpu.memory_space<hbm>>
        tpu.wait_dma2 semaphore(%dma_wait3A_128 : memref<!tpu.dma_semaphore, #tpu.memory_space<semaphore_mem>>) src(%dma_wait3A_135 : memref<128x128xf32, #tpu.memory_space<hbm>>) dst(%dma_wait3A_132 : memref<128x128xf32, #tpu.memory_space<vmem>>)
        %dma_start3A_136 = arith.constant 0 : i32
        %dma_start3A_137 = arith.constant 0 : i32
        %dma_start3A_138 = tpu.memref_slice %arg11[%rem3A_107, %dma_start3A_136, %dma_start3A_137] : memref<2x128x128xf32, #tpu.memory_space<vmem>> -> memref<1x128x128xf32, #tpu.memory_space<vmem>>
        %dma_start3A_139 = tpu.memref_squeeze %dma_start3A_138 : memref<1x128x128xf32, #tpu.memory_space<vmem>> -> memref<128x128xf32, #tpu.memory_space<vmem>>
        %dma_start3A_140 = arith.constant 0 : i32
        %dma_start3A_141 = tpu.memref_slice %arg10[%scan3A_106, %dma_start3A_140] : memref<40x128xi32, #tpu.memory_space<vmem>> -> memref<1x128xi32, #tpu.memory_space<vmem>>
        %dma_start3A_142 = tpu.memref_squeeze %dma_start3A_141 : memref<1x128xi32, #tpu.memory_space<vmem>> -> memref<128xi32, #tpu.memory_space<vmem>>
        %dma_start3A_143 = arith.constant 0 : i32
        %dma_start3A_144 = arith.constant 0 : i32
        %dma_start3A_145 = tpu.memref_slice %arg12[%dma_start3A_143, %dma_start3A_144] : memref<10016x128xf32, #tpu.memory_space<vmem_shared>> -> memref<10016x128xf32, #tpu.memory_space<vmem_shared>>
        %dma_start3A_146 = tpu.memref_slice %arg14[%rem3A_107] : memref<2x!tpu.dma_semaphore, #tpu.memory_space<semaphore_mem>> -> memref<1x!tpu.dma_semaphore, #tpu.memory_space<semaphore_mem>>
        %dma_start3A_147 = tpu.memref_squeeze %dma_start3A_146 : memref<1x!tpu.dma_semaphore, #tpu.memory_space<semaphore_mem>> -> memref<!tpu.dma_semaphore, #tpu.memory_space<semaphore_mem>>
        tpu.enqueue_indirect_dma source(%dma_start3A_139 : memref<128x128xf32, #tpu.memory_space<vmem>>) target(%dma_start3A_145 : memref<10016x128xf32, #tpu.memory_space<vmem_shared>>) offsets(%dma_start3A_142 : memref<128xi32, #tpu.memory_space<vmem>>) semaphore(%dma_start3A_147 : memref<!tpu.dma_semaphore, #tpu.memory_space<semaphore_mem>>) {add = true}
      }
      %scan3A_87 = arith.constant 40 : i32
      %dma_wait3A_88 = arith.constant 0 : i32
      %dma_wait3A_89 = arith.constant 1 : i32
      %dma_wait3A_90 = arith.constant 0 : i32
      %dma_wait3A_91 = arith.constant 0 : i32
      %dma_wait3A_92 = tpu.memref_slice %arg11[%dma_wait3A_88, %dma_wait3A_90, %dma_wait3A_91] : memref<2x128x128xf32, #tpu.memory_space<vmem>> -> memref<1x128x128xf32, #tpu.memory_space<vmem>>
      %dma_wait3A_93 = tpu.memref_squeeze %dma_wait3A_92 : memref<1x128x128xf32, #tpu.memory_space<vmem>> -> memref<128x128xf32, #tpu.memory_space<vmem>>
      %dma_wait3A_94 = arith.constant 0 : i32
      %dma_wait3A_95 = arith.constant 0 : i32
      %dma_wait3A_96 = tpu.memref_slice %arg12[%dma_wait3A_94, %dma_wait3A_95] : memref<10016x128xf32, #tpu.memory_space<vmem_shared>> -> memref<128x128xf32, #tpu.memory_space<vmem_shared>>
      %dma_wait3A_97 = tpu.memref_slice %arg14[%dma_wait3A_89] : memref<2x!tpu.dma_semaphore, #tpu.memory_space<semaphore_mem>> -> memref<1x!tpu.dma_semaphore, #tpu.memory_space<semaphore_mem>>
      %dma_wait3A_98 = tpu.memref_squeeze %dma_wait3A_97 : memref<1x!tpu.dma_semaphore, #tpu.memory_space<semaphore_mem>> -> memref<!tpu.dma_semaphore, #tpu.memory_space<semaphore_mem>>
      %dma_wait3A_99 = arith.constant 0 : i32
      %dma_wait3A_100 = arith.constant 0 : i32
      %dma_wait3A_101 = tpu.memref_slice %arg12[%dma_wait3A_99, %dma_wait3A_100] : memref<10016x128xf32, #tpu.memory_space<vmem_shared>> -> memref<128x128xf32, #tpu.memory_space<vmem_shared>>
      %dma_wait3A_102 = arith.constant 0 : i32
      %dma_wait3A_103 = arith.constant 0 : i32
      %dma_wait3A_104 = tpu.memref_slice %arg11[%dma_wait3A_88, %dma_wait3A_102, %dma_wait3A_103] : memref<2x128x128xf32, #tpu.memory_space<vmem>> -> memref<1x128x128xf32, #tpu.memory_space<vmem>>
      %dma_wait3A_105 = tpu.memref_squeeze %dma_wait3A_104 : memref<1x128x128xf32, #tpu.memory_space<vmem>> -> memref<128x128xf32, #tpu.memory_space<vmem>>
      tpu.wait_dma2 semaphore(%dma_wait3A_98 : memref<!tpu.dma_semaphore, #tpu.memory_space<semaphore_mem>>) src(%dma_wait3A_105 : memref<128x128xf32, #tpu.memory_space<vmem>>) dst(%dma_wait3A_101 : memref<128x128xf32, #tpu.memory_space<vmem_shared>>)
    } else {
    }
    %eq3A_8 = arith.constant 1 : i32
    %eq3A_9 = arith.cmpi eq, %arg0, %eq3A_8 : i32
    %convert_element_type3A_10 = arith.extui %eq3A_9 : i1 to i32
    %cond3A_11 = arith.constant 0 : i32
    %cond3A_12 = arith.cmpi ne, %convert_element_type3A_10, %cond3A_11 : i32
    scf.if %cond3A_12 {
      %mul3A_24 = arith.constant 80 : i32
      %mul3A_25 = arith.muli %arg1, %mul3A_24 : i32
      %add3A = arith.constant 0 : i32
      %add3A_26 = arith.addi %mul3A_25, %add3A : i32
      "tpu.region"() ({
        %run_scoped3A = tpu.sem_alloc : memref<!tpu.dma_semaphore, #tpu.memory_space<semaphore_mem>>
        %dma_start3A_106 = arith.constant 0 : i32
        %dma_start3A_107 = tpu.memref_slice %arg4[%add3A_26, %dma_start3A_106] : memref<1280x128xi32, #tpu.memory_space<hbm>> -> memref<40x128xi32, #tpu.memory_space<hbm>>
        %dma_start3A_108 = arith.constant 0 : i32
        %dma_start3A_109 = tpu.memref_slice %arg4[%add3A_26, %dma_start3A_108] : memref<1280x128xi32, #tpu.memory_space<hbm>> -> memref<40x128xi32, #tpu.memory_space<hbm>>
        tpu.enqueue_dma source(%dma_start3A_109 : memref<40x128xi32, #tpu.memory_space<hbm>>) target(%arg9 : memref<40x128xi32, #tpu.memory_space<vmem>>) target_semaphore(%run_scoped3A : memref<!tpu.dma_semaphore, #tpu.memory_space<semaphore_mem>>)
        %dma_wait3A_110 = arith.constant 0 : i32
        %dma_wait3A_111 = tpu.memref_slice %arg4[%add3A_26, %dma_wait3A_110] : memref<1280x128xi32, #tpu.memory_space<hbm>> -> memref<40x128xi32, #tpu.memory_space<hbm>>
        %dma_wait3A_112 = arith.constant 0 : i32
        %dma_wait3A_113 = tpu.memref_slice %arg4[%add3A_26, %dma_wait3A_112] : memref<1280x128xi32, #tpu.memory_space<hbm>> -> memref<40x128xi32, #tpu.memory_space<hbm>>
        tpu.wait_dma2 semaphore(%run_scoped3A : memref<!tpu.dma_semaphore, #tpu.memory_space<semaphore_mem>>) src(%dma_wait3A_113 : memref<40x128xi32, #tpu.memory_space<hbm>>) dst(%arg9 : memref<40x128xi32, #tpu.memory_space<vmem>>)
        tpu.yield
      }) : () -> ()
      "tpu.region"() ({
        %run_scoped3A = tpu.sem_alloc : memref<!tpu.dma_semaphore, #tpu.memory_space<semaphore_mem>>
        %dma_start3A_106 = arith.constant 0 : i32
        %dma_start3A_107 = tpu.memref_slice %arg5[%add3A_26, %dma_start3A_106] : memref<1280x128xi32, #tpu.memory_space<hbm>> -> memref<40x128xi32, #tpu.memory_space<hbm>>
        %dma_start3A_108 = arith.constant 0 : i32
        %dma_start3A_109 = tpu.memref_slice %arg5[%add3A_26, %dma_start3A_108] : memref<1280x128xi32, #tpu.memory_space<hbm>> -> memref<40x128xi32, #tpu.memory_space<hbm>>
        tpu.enqueue_dma source(%dma_start3A_109 : memref<40x128xi32, #tpu.memory_space<hbm>>) target(%arg10 : memref<40x128xi32, #tpu.memory_space<vmem>>) target_semaphore(%run_scoped3A : memref<!tpu.dma_semaphore, #tpu.memory_space<semaphore_mem>>)
        %dma_wait3A_110 = arith.constant 0 : i32
        %dma_wait3A_111 = tpu.memref_slice %arg5[%add3A_26, %dma_wait3A_110] : memref<1280x128xi32, #tpu.memory_space<hbm>> -> memref<40x128xi32, #tpu.memory_space<hbm>>
        %dma_wait3A_112 = arith.constant 0 : i32
        %dma_wait3A_113 = tpu.memref_slice %arg5[%add3A_26, %dma_wait3A_112] : memref<1280x128xi32, #tpu.memory_space<hbm>> -> memref<40x128xi32, #tpu.memory_space<hbm>>
        tpu.wait_dma2 semaphore(%run_scoped3A : memref<!tpu.dma_semaphore, #tpu.memory_space<semaphore_mem>>) src(%dma_wait3A_113 : memref<40x128xi32, #tpu.memory_space<hbm>>) dst(%arg10 : memref<40x128xi32, #tpu.memory_space<vmem>>)
        tpu.yield
      }) : () -> ()
      %dma_start3A = arith.constant 0 : i32
      %dma_start3A_27 = arith.constant 0 : i32
      %dma_start3A_28 = arith.constant 0 : i32
      %dma_start3A_29 = arith.constant 0 : i32
      %dma_start3A_30 = arith.constant 0 : i32
      %dma_start3A_31 = tpu.memref_slice %arg11[%dma_start3A_27, %dma_start3A_29, %dma_start3A_30] : memref<2x128x128xf32, #tpu.memory_space<vmem>> -> memref<1x128x128xf32, #tpu.memory_space<vmem>>
      %dma_start3A_32 = tpu.memref_squeeze %dma_start3A_31 : memref<1x128x128xf32, #tpu.memory_space<vmem>> -> memref<128x128xf32, #tpu.memory_space<vmem>>
      %dma_start3A_33 = arith.constant 0 : i32
      %dma_start3A_34 = tpu.memref_slice %arg9[%dma_start3A, %dma_start3A_33] : memref<40x128xi32, #tpu.memory_space<vmem>> -> memref<1x128xi32, #tpu.memory_space<vmem>>
      %dma_start3A_35 = tpu.memref_squeeze %dma_start3A_34 : memref<1x128xi32, #tpu.memory_space<vmem>> -> memref<128xi32, #tpu.memory_space<vmem>>
      %dma_start3A_36 = arith.constant 0 : i32
      %dma_start3A_37 = arith.constant 0 : i32
      %dma_start3A_38 = tpu.memref_slice %arg3[%dma_start3A_36, %dma_start3A_37] : memref<10000x128xf32, #tpu.memory_space<hbm>> -> memref<10000x128xf32, #tpu.memory_space<hbm>>
      %dma_start3A_39 = tpu.memref_slice %arg13[%dma_start3A_28] : memref<2x!tpu.dma_semaphore, #tpu.memory_space<semaphore_mem>> -> memref<1x!tpu.dma_semaphore, #tpu.memory_space<semaphore_mem>>
      %dma_start3A_40 = tpu.memref_squeeze %dma_start3A_39 : memref<1x!tpu.dma_semaphore, #tpu.memory_space<semaphore_mem>> -> memref<!tpu.dma_semaphore, #tpu.memory_space<semaphore_mem>>
      tpu.enqueue_indirect_dma source(%dma_start3A_38 : memref<10000x128xf32, #tpu.memory_space<hbm>>) target(%dma_start3A_32 : memref<128x128xf32, #tpu.memory_space<vmem>>) offsets(%dma_start3A_35 : memref<128xi32, #tpu.memory_space<vmem>>) semaphore(%dma_start3A_40 : memref<!tpu.dma_semaphore, #tpu.memory_space<semaphore_mem>>)
      %scan3A = arith.constant 0 : i32
      %scan3A_41 = arith.constant 0 : i32
      %scan3A_42 = arith.constant 40 : i32
      %scan3A_43 = arith.addi %scan3A_41, %scan3A_42 : i32
      %scan3A_44 = arith.constant 1 : i32
      scf.for %scan3A_106 = %scan3A_41 to %scan3A_43 step %scan3A_44  : i32 {
        %rem3A = arith.constant 2 : i32
        %rem3A_107 = arith.remsi %scan3A_106, %rem3A : i32
        %sub3A = arith.constant 1 : i32
        %sub3A_108 = arith.subi %sub3A, %rem3A_107 : i32
        %ge3A = arith.constant 1 : i32
        %ge3A_109 = arith.cmpi sge, %scan3A_106, %ge3A : i32
        %convert_element_type3A_110 = arith.extui %ge3A_109 : i1 to i32
        %cond3A_111 = arith.constant 0 : i32
        %cond3A_112 = arith.cmpi ne, %convert_element_type3A_110, %cond3A_111 : i32
        scf.if %cond3A_112 {
          %dma_wait3A_148 = arith.constant 0 : i32
          %dma_wait3A_149 = arith.constant 0 : i32
          %dma_wait3A_150 = arith.constant 0 : i32
          %dma_wait3A_151 = tpu.memref_slice %arg11[%dma_wait3A_148, %dma_wait3A_149, %dma_wait3A_150] : memref<2x128x128xf32, #tpu.memory_space<vmem>> -> memref<1x128x128xf32, #tpu.memory_space<vmem>>
          %dma_wait3A_152 = tpu.memref_squeeze %dma_wait3A_151 : memref<1x128x128xf32, #tpu.memory_space<vmem>> -> memref<128x128xf32, #tpu.memory_space<vmem>>
          %dma_wait3A_153 = arith.constant 0 : i32
          %dma_wait3A_154 = arith.constant 0 : i32
          %dma_wait3A_155 = tpu.memref_slice %arg12[%dma_wait3A_153, %dma_wait3A_154] : memref<10016x128xf32, #tpu.memory_space<vmem_shared>> -> memref<128x128xf32, #tpu.memory_space<vmem_shared>>
          %dma_wait3A_156 = tpu.memref_slice %arg14[%sub3A_108] : memref<2x!tpu.dma_semaphore, #tpu.memory_space<semaphore_mem>> -> memref<1x!tpu.dma_semaphore, #tpu.memory_space<semaphore_mem>>
          %dma_wait3A_157 = tpu.memref_squeeze %dma_wait3A_156 : memref<1x!tpu.dma_semaphore, #tpu.memory_space<semaphore_mem>> -> memref<!tpu.dma_semaphore, #tpu.memory_space<semaphore_mem>>
          %dma_wait3A_158 = arith.constant 0 : i32
          %dma_wait3A_159 = arith.constant 0 : i32
          %dma_wait3A_160 = tpu.memref_slice %arg12[%dma_wait3A_158, %dma_wait3A_159] : memref<10016x128xf32, #tpu.memory_space<vmem_shared>> -> memref<128x128xf32, #tpu.memory_space<vmem_shared>>
          %dma_wait3A_161 = arith.constant 0 : i32
          %dma_wait3A_162 = arith.constant 0 : i32
          %dma_wait3A_163 = tpu.memref_slice %arg11[%dma_wait3A_148, %dma_wait3A_161, %dma_wait3A_162] : memref<2x128x128xf32, #tpu.memory_space<vmem>> -> memref<1x128x128xf32, #tpu.memory_space<vmem>>
          %dma_wait3A_164 = tpu.memref_squeeze %dma_wait3A_163 : memref<1x128x128xf32, #tpu.memory_space<vmem>> -> memref<128x128xf32, #tpu.memory_space<vmem>>
          tpu.wait_dma2 semaphore(%dma_wait3A_157 : memref<!tpu.dma_semaphore, #tpu.memory_space<semaphore_mem>>) src(%dma_wait3A_164 : memref<128x128xf32, #tpu.memory_space<vmem>>) dst(%dma_wait3A_160 : memref<128x128xf32, #tpu.memory_space<vmem_shared>>)
        } else {
        }
        %add3A_113 = arith.constant 1 : i32
        %add3A_114 = arith.addi %scan3A_106, %add3A_113 : i32
        %lt3A = arith.constant 40 : i32
        %lt3A_115 = arith.cmpi slt, %add3A_114, %lt3A : i32
        %convert_element_type3A_116 = arith.extui %lt3A_115 : i1 to i32
        %cond3A_117 = arith.constant 0 : i32
        %cond3A_118 = arith.cmpi ne, %convert_element_type3A_116, %cond3A_117 : i32
        scf.if %cond3A_118 {
          %add3A_148 = arith.constant 1 : i32
          %add3A_149 = arith.addi %scan3A_106, %add3A_148 : i32
          %dma_start3A_150 = arith.constant 0 : i32
          %dma_start3A_151 = arith.constant 0 : i32
          %dma_start3A_152 = tpu.memref_slice %arg11[%sub3A_108, %dma_start3A_150, %dma_start3A_151] : memref<2x128x128xf32, #tpu.memory_space<vmem>> -> memref<1x128x128xf32, #tpu.memory_space<vmem>>
          %dma_start3A_153 = tpu.memref_squeeze %dma_start3A_152 : memref<1x128x128xf32, #tpu.memory_space<vmem>> -> memref<128x128xf32, #tpu.memory_space<vmem>>
          %dma_start3A_154 = arith.constant 0 : i32
          %dma_start3A_155 = tpu.memref_slice %arg9[%add3A_149, %dma_start3A_154] : memref<40x128xi32, #tpu.memory_space<vmem>> -> memref<1x128xi32, #tpu.memory_space<vmem>>
          %dma_start3A_156 = tpu.memref_squeeze %dma_start3A_155 : memref<1x128xi32, #tpu.memory_space<vmem>> -> memref<128xi32, #tpu.memory_space<vmem>>
          %dma_start3A_157 = arith.constant 0 : i32
          %dma_start3A_158 = arith.constant 0 : i32
          %dma_start3A_159 = tpu.memref_slice %arg3[%dma_start3A_157, %dma_start3A_158] : memref<10000x128xf32, #tpu.memory_space<hbm>> -> memref<10000x128xf32, #tpu.memory_space<hbm>>
          %dma_start3A_160 = tpu.memref_slice %arg13[%sub3A_108] : memref<2x!tpu.dma_semaphore, #tpu.memory_space<semaphore_mem>> -> memref<1x!tpu.dma_semaphore, #tpu.memory_space<semaphore_mem>>
          %dma_start3A_161 = tpu.memref_squeeze %dma_start3A_160 : memref<1x!tpu.dma_semaphore, #tpu.memory_space<semaphore_mem>> -> memref<!tpu.dma_semaphore, #tpu.memory_space<semaphore_mem>>
          tpu.enqueue_indirect_dma source(%dma_start3A_159 : memref<10000x128xf32, #tpu.memory_space<hbm>>) target(%dma_start3A_153 : memref<128x128xf32, #tpu.memory_space<vmem>>) offsets(%dma_start3A_156 : memref<128xi32, #tpu.memory_space<vmem>>) semaphore(%dma_start3A_161 : memref<!tpu.dma_semaphore, #tpu.memory_space<semaphore_mem>>)
        } else {
        }
        %dma_wait3A_119 = arith.constant 0 : i32
        %dma_wait3A_120 = arith.constant 0 : i32
        %dma_wait3A_121 = arith.constant 0 : i32
        %dma_wait3A_122 = tpu.memref_slice %arg11[%dma_wait3A_119, %dma_wait3A_120, %dma_wait3A_121] : memref<2x128x128xf32, #tpu.memory_space<vmem>> -> memref<1x128x128xf32, #tpu.memory_space<vmem>>
        %dma_wait3A_123 = tpu.memref_squeeze %dma_wait3A_122 : memref<1x128x128xf32, #tpu.memory_space<vmem>> -> memref<128x128xf32, #tpu.memory_space<vmem>>
        %dma_wait3A_124 = arith.constant 0 : i32
        %dma_wait3A_125 = arith.constant 0 : i32
        %dma_wait3A_126 = tpu.memref_slice %arg3[%dma_wait3A_124, %dma_wait3A_125] : memref<10000x128xf32, #tpu.memory_space<hbm>> -> memref<128x128xf32, #tpu.memory_space<hbm>>
        %dma_wait3A_127 = tpu.memref_slice %arg13[%rem3A_107] : memref<2x!tpu.dma_semaphore, #tpu.memory_space<semaphore_mem>> -> memref<1x!tpu.dma_semaphore, #tpu.memory_space<semaphore_mem>>
        %dma_wait3A_128 = tpu.memref_squeeze %dma_wait3A_127 : memref<1x!tpu.dma_semaphore, #tpu.memory_space<semaphore_mem>> -> memref<!tpu.dma_semaphore, #tpu.memory_space<semaphore_mem>>
        %dma_wait3A_129 = arith.constant 0 : i32
        %dma_wait3A_130 = arith.constant 0 : i32
        %dma_wait3A_131 = tpu.memref_slice %arg11[%dma_wait3A_119, %dma_wait3A_129, %dma_wait3A_130] : memref<2x128x128xf32, #tpu.memory_space<vmem>> -> memref<1x128x128xf32, #tpu.memory_space<vmem>>
        %dma_wait3A_132 = tpu.memref_squeeze %dma_wait3A_131 : memref<1x128x128xf32, #tpu.memory_space<vmem>> -> memref<128x128xf32, #tpu.memory_space<vmem>>
        %dma_wait3A_133 = arith.constant 0 : i32
        %dma_wait3A_134 = arith.constant 0 : i32
        %dma_wait3A_135 = tpu.memref_slice %arg3[%dma_wait3A_133, %dma_wait3A_134] : memref<10000x128xf32, #tpu.memory_space<hbm>> -> memref<128x128xf32, #tpu.memory_space<hbm>>
        tpu.wait_dma2 semaphore(%dma_wait3A_128 : memref<!tpu.dma_semaphore, #tpu.memory_space<semaphore_mem>>) src(%dma_wait3A_135 : memref<128x128xf32, #tpu.memory_space<hbm>>) dst(%dma_wait3A_132 : memref<128x128xf32, #tpu.memory_space<vmem>>)
        %dma_start3A_136 = arith.constant 0 : i32
        %dma_start3A_137 = arith.constant 0 : i32
        %dma_start3A_138 = tpu.memref_slice %arg11[%rem3A_107, %dma_start3A_136, %dma_start3A_137] : memref<2x128x128xf32, #tpu.memory_space<vmem>> -> memref<1x128x128xf32, #tpu.memory_space<vmem>>
        %dma_start3A_139 = tpu.memref_squeeze %dma_start3A_138 : memref<1x128x128xf32, #tpu.memory_space<vmem>> -> memref<128x128xf32, #tpu.memory_space<vmem>>
        %dma_start3A_140 = arith.constant 0 : i32
        %dma_start3A_141 = tpu.memref_slice %arg10[%scan3A_106, %dma_start3A_140] : memref<40x128xi32, #tpu.memory_space<vmem>> -> memref<1x128xi32, #tpu.memory_space<vmem>>
        %dma_start3A_142 = tpu.memref_squeeze %dma_start3A_141 : memref<1x128xi32, #tpu.memory_space<vmem>> -> memref<128xi32, #tpu.memory_space<vmem>>
        %dma_start3A_143 = arith.constant 0 : i32
        %dma_start3A_144 = arith.constant 0 : i32
        %dma_start3A_145 = tpu.memref_slice %arg12[%dma_start3A_143, %dma_start3A_144] : memref<10016x128xf32, #tpu.memory_space<vmem_shared>> -> memref<10016x128xf32, #tpu.memory_space<vmem_shared>>
        %dma_start3A_146 = tpu.memref_slice %arg14[%rem3A_107] : memref<2x!tpu.dma_semaphore, #tpu.memory_space<semaphore_mem>> -> memref<1x!tpu.dma_semaphore, #tpu.memory_space<semaphore_mem>>
        %dma_start3A_147 = tpu.memref_squeeze %dma_start3A_146 : memref<1x!tpu.dma_semaphore, #tpu.memory_space<semaphore_mem>> -> memref<!tpu.dma_semaphore, #tpu.memory_space<semaphore_mem>>
        tpu.enqueue_indirect_dma source(%dma_start3A_139 : memref<128x128xf32, #tpu.memory_space<vmem>>) target(%dma_start3A_145 : memref<10016x128xf32, #tpu.memory_space<vmem_shared>>) offsets(%dma_start3A_142 : memref<128xi32, #tpu.memory_space<vmem>>) semaphore(%dma_start3A_147 : memref<!tpu.dma_semaphore, #tpu.memory_space<semaphore_mem>>) {add = true}
      }
      %scan3A_45 = arith.constant 40 : i32
      %dma_wait3A = arith.constant 0 : i32
      %dma_wait3A_46 = arith.constant 1 : i32
      %dma_wait3A_47 = arith.constant 0 : i32
      %dma_wait3A_48 = arith.constant 0 : i32
      %dma_wait3A_49 = tpu.memref_slice %arg11[%dma_wait3A, %dma_wait3A_47, %dma_wait3A_48] : memref<2x128x128xf32, #tpu.memory_space<vmem>> -> memref<1x128x128xf32, #tpu.memory_space<vmem>>
      %dma_wait3A_50 = tpu.memref_squeeze %dma_wait3A_49 : memref<1x128x128xf32, #tpu.memory_space<vmem>> -> memref<128x128xf32, #tpu.memory_space<vmem>>
      %dma_wait3A_51 = arith.constant 0 : i32
      %dma_wait3A_52 = arith.constant 0 : i32
      %dma_wait3A_53 = tpu.memref_slice %arg12[%dma_wait3A_51, %dma_wait3A_52] : memref<10016x128xf32, #tpu.memory_space<vmem_shared>> -> memref<128x128xf32, #tpu.memory_space<vmem_shared>>
      %dma_wait3A_54 = tpu.memref_slice %arg14[%dma_wait3A_46] : memref<2x!tpu.dma_semaphore, #tpu.memory_space<semaphore_mem>> -> memref<1x!tpu.dma_semaphore, #tpu.memory_space<semaphore_mem>>
      %dma_wait3A_55 = tpu.memref_squeeze %dma_wait3A_54 : memref<1x!tpu.dma_semaphore, #tpu.memory_space<semaphore_mem>> -> memref<!tpu.dma_semaphore, #tpu.memory_space<semaphore_mem>>
      %dma_wait3A_56 = arith.constant 0 : i32
      %dma_wait3A_57 = arith.constant 0 : i32
      %dma_wait3A_58 = tpu.memref_slice %arg12[%dma_wait3A_56, %dma_wait3A_57] : memref<10016x128xf32, #tpu.memory_space<vmem_shared>> -> memref<128x128xf32, #tpu.memory_space<vmem_shared>>
      %dma_wait3A_59 = arith.constant 0 : i32
      %dma_wait3A_60 = arith.constant 0 : i32
      %dma_wait3A_61 = tpu.memref_slice %arg11[%dma_wait3A, %dma_wait3A_59, %dma_wait3A_60] : memref<2x128x128xf32, #tpu.memory_space<vmem>> -> memref<1x128x128xf32, #tpu.memory_space<vmem>>
      %dma_wait3A_62 = tpu.memref_squeeze %dma_wait3A_61 : memref<1x128x128xf32, #tpu.memory_space<vmem>> -> memref<128x128xf32, #tpu.memory_space<vmem>>
      tpu.wait_dma2 semaphore(%dma_wait3A_55 : memref<!tpu.dma_semaphore, #tpu.memory_space<semaphore_mem>>) src(%dma_wait3A_62 : memref<128x128xf32, #tpu.memory_space<vmem>>) dst(%dma_wait3A_58 : memref<128x128xf32, #tpu.memory_space<vmem_shared>>)
      %mul3A_63 = arith.constant 80 : i32
      %mul3A_64 = arith.muli %arg1, %mul3A_63 : i32
      %add3A_65 = arith.constant 40 : i32
      %add3A_66 = arith.addi %mul3A_64, %add3A_65 : i32
      "tpu.region"() ({
        %run_scoped3A = tpu.sem_alloc : memref<!tpu.dma_semaphore, #tpu.memory_space<semaphore_mem>>
        %dma_start3A_106 = arith.constant 0 : i32
        %dma_start3A_107 = tpu.memref_slice %arg4[%add3A_66, %dma_start3A_106] : memref<1280x128xi32, #tpu.memory_space<hbm>> -> memref<40x128xi32, #tpu.memory_space<hbm>>
        %dma_start3A_108 = arith.constant 0 : i32
        %dma_start3A_109 = tpu.memref_slice %arg4[%add3A_66, %dma_start3A_108] : memref<1280x128xi32, #tpu.memory_space<hbm>> -> memref<40x128xi32, #tpu.memory_space<hbm>>
        tpu.enqueue_dma source(%dma_start3A_109 : memref<40x128xi32, #tpu.memory_space<hbm>>) target(%arg9 : memref<40x128xi32, #tpu.memory_space<vmem>>) target_semaphore(%run_scoped3A : memref<!tpu.dma_semaphore, #tpu.memory_space<semaphore_mem>>)
        %dma_wait3A_110 = arith.constant 0 : i32
        %dma_wait3A_111 = tpu.memref_slice %arg4[%add3A_66, %dma_wait3A_110] : memref<1280x128xi32, #tpu.memory_space<hbm>> -> memref<40x128xi32, #tpu.memory_space<hbm>>
        %dma_wait3A_112 = arith.constant 0 : i32
        %dma_wait3A_113 = tpu.memref_slice %arg4[%add3A_66, %dma_wait3A_112] : memref<1280x128xi32, #tpu.memory_space<hbm>> -> memref<40x128xi32, #tpu.memory_space<hbm>>
        tpu.wait_dma2 semaphore(%run_scoped3A : memref<!tpu.dma_semaphore, #tpu.memory_space<semaphore_mem>>) src(%dma_wait3A_113 : memref<40x128xi32, #tpu.memory_space<hbm>>) dst(%arg9 : memref<40x128xi32, #tpu.memory_space<vmem>>)
        tpu.yield
      }) : () -> ()
      "tpu.region"() ({
        %run_scoped3A = tpu.sem_alloc : memref<!tpu.dma_semaphore, #tpu.memory_space<semaphore_mem>>
        %dma_start3A_106 = arith.constant 0 : i32
        %dma_start3A_107 = tpu.memref_slice %arg5[%add3A_66, %dma_start3A_106] : memref<1280x128xi32, #tpu.memory_space<hbm>> -> memref<40x128xi32, #tpu.memory_space<hbm>>
        %dma_start3A_108 = arith.constant 0 : i32
        %dma_start3A_109 = tpu.memref_slice %arg5[%add3A_66, %dma_start3A_108] : memref<1280x128xi32, #tpu.memory_space<hbm>> -> memref<40x128xi32, #tpu.memory_space<hbm>>
        tpu.enqueue_dma source(%dma_start3A_109 : memref<40x128xi32, #tpu.memory_space<hbm>>) target(%arg10 : memref<40x128xi32, #tpu.memory_space<vmem>>) target_semaphore(%run_scoped3A : memref<!tpu.dma_semaphore, #tpu.memory_space<semaphore_mem>>)
        %dma_wait3A_110 = arith.constant 0 : i32
        %dma_wait3A_111 = tpu.memref_slice %arg5[%add3A_66, %dma_wait3A_110] : memref<1280x128xi32, #tpu.memory_space<hbm>> -> memref<40x128xi32, #tpu.memory_space<hbm>>
        %dma_wait3A_112 = arith.constant 0 : i32
        %dma_wait3A_113 = tpu.memref_slice %arg5[%add3A_66, %dma_wait3A_112] : memref<1280x128xi32, #tpu.memory_space<hbm>> -> memref<40x128xi32, #tpu.memory_space<hbm>>
        tpu.wait_dma2 semaphore(%run_scoped3A : memref<!tpu.dma_semaphore, #tpu.memory_space<semaphore_mem>>) src(%dma_wait3A_113 : memref<40x128xi32, #tpu.memory_space<hbm>>) dst(%arg10 : memref<40x128xi32, #tpu.memory_space<vmem>>)
        tpu.yield
      }) : () -> ()
      %dma_start3A_67 = arith.constant 0 : i32
      %dma_start3A_68 = arith.constant 0 : i32
      %dma_start3A_69 = arith.constant 0 : i32
      %dma_start3A_70 = arith.constant 0 : i32
      %dma_start3A_71 = arith.constant 0 : i32
      %dma_start3A_72 = tpu.memref_slice %arg11[%dma_start3A_68, %dma_start3A_70, %dma_start3A_71] : memref<2x128x128xf32, #tpu.memory_space<vmem>> -> memref<1x128x128xf32, #tpu.memory_space<vmem>>
      %dma_start3A_73 = tpu.memref_squeeze %dma_start3A_72 : memref<1x128x128xf32, #tpu.memory_space<vmem>> -> memref<128x128xf32, #tpu.memory_space<vmem>>
      %dma_start3A_74 = arith.constant 0 : i32
      %dma_start3A_75 = tpu.memref_slice %arg9[%dma_start3A_67, %dma_start3A_74] : memref<40x128xi32, #tpu.memory_space<vmem>> -> memref<1x128xi32, #tpu.memory_space<vmem>>
      %dma_start3A_76 = tpu.memref_squeeze %dma_start3A_75 : memref<1x128xi32, #tpu.memory_space<vmem>> -> memref<128xi32, #tpu.memory_space<vmem>>
      %dma_start3A_77 = arith.constant 0 : i32
      %dma_start3A_78 = arith.constant 0 : i32
      %dma_start3A_79 = tpu.memref_slice %arg3[%dma_start3A_77, %dma_start3A_78] : memref<10000x128xf32, #tpu.memory_space<hbm>> -> memref<10000x128xf32, #tpu.memory_space<hbm>>
      %dma_start3A_80 = tpu.memref_slice %arg13[%dma_start3A_69] : memref<2x!tpu.dma_semaphore, #tpu.memory_space<semaphore_mem>> -> memref<1x!tpu.dma_semaphore, #tpu.memory_space<semaphore_mem>>
      %dma_start3A_81 = tpu.memref_squeeze %dma_start3A_80 : memref<1x!tpu.dma_semaphore, #tpu.memory_space<semaphore_mem>> -> memref<!tpu.dma_semaphore, #tpu.memory_space<semaphore_mem>>
      tpu.enqueue_indirect_dma source(%dma_start3A_79 : memref<10000x128xf32, #tpu.memory_space<hbm>>) target(%dma_start3A_73 : memref<128x128xf32, #tpu.memory_space<vmem>>) offsets(%dma_start3A_76 : memref<128xi32, #tpu.memory_space<vmem>>) semaphore(%dma_start3A_81 : memref<!tpu.dma_semaphore, #tpu.memory_space<semaphore_mem>>)
      %scan3A_82 = arith.constant 0 : i32
      %scan3A_83 = arith.constant 0 : i32
      %scan3A_84 = arith.constant 40 : i32
      %scan3A_85 = arith.addi %scan3A_83, %scan3A_84 : i32
      %scan3A_86 = arith.constant 1 : i32
      scf.for %scan3A_106 = %scan3A_83 to %scan3A_85 step %scan3A_86  : i32 {
        %rem3A = arith.constant 2 : i32
        %rem3A_107 = arith.remsi %scan3A_106, %rem3A : i32
        %sub3A = arith.constant 1 : i32
        %sub3A_108 = arith.subi %sub3A, %rem3A_107 : i32
        %ge3A = arith.constant 1 : i32
        %ge3A_109 = arith.cmpi sge, %scan3A_106, %ge3A : i32
        %convert_element_type3A_110 = arith.extui %ge3A_109 : i1 to i32
        %cond3A_111 = arith.constant 0 : i32
        %cond3A_112 = arith.cmpi ne, %convert_element_type3A_110, %cond3A_111 : i32
        scf.if %cond3A_112 {
          %dma_wait3A_148 = arith.constant 0 : i32
          %dma_wait3A_149 = arith.constant 0 : i32
          %dma_wait3A_150 = arith.constant 0 : i32
          %dma_wait3A_151 = tpu.memref_slice %arg11[%dma_wait3A_148, %dma_wait3A_149, %dma_wait3A_150] : memref<2x128x128xf32, #tpu.memory_space<vmem>> -> memref<1x128x128xf32, #tpu.memory_space<vmem>>
          %dma_wait3A_152 = tpu.memref_squeeze %dma_wait3A_151 : memref<1x128x128xf32, #tpu.memory_space<vmem>> -> memref<128x128xf32, #tpu.memory_space<vmem>>
          %dma_wait3A_153 = arith.constant 0 : i32
          %dma_wait3A_154 = arith.constant 0 : i32
          %dma_wait3A_155 = tpu.memref_slice %arg12[%dma_wait3A_153, %dma_wait3A_154] : memref<10016x128xf32, #tpu.memory_space<vmem_shared>> -> memref<128x128xf32, #tpu.memory_space<vmem_shared>>
          %dma_wait3A_156 = tpu.memref_slice %arg14[%sub3A_108] : memref<2x!tpu.dma_semaphore, #tpu.memory_space<semaphore_mem>> -> memref<1x!tpu.dma_semaphore, #tpu.memory_space<semaphore_mem>>
          %dma_wait3A_157 = tpu.memref_squeeze %dma_wait3A_156 : memref<1x!tpu.dma_semaphore, #tpu.memory_space<semaphore_mem>> -> memref<!tpu.dma_semaphore, #tpu.memory_space<semaphore_mem>>
          %dma_wait3A_158 = arith.constant 0 : i32
          %dma_wait3A_159 = arith.constant 0 : i32
          %dma_wait3A_160 = tpu.memref_slice %arg12[%dma_wait3A_158, %dma_wait3A_159] : memref<10016x128xf32, #tpu.memory_space<vmem_shared>> -> memref<128x128xf32, #tpu.memory_space<vmem_shared>>
          %dma_wait3A_161 = arith.constant 0 : i32
          %dma_wait3A_162 = arith.constant 0 : i32
          %dma_wait3A_163 = tpu.memref_slice %arg11[%dma_wait3A_148, %dma_wait3A_161, %dma_wait3A_162] : memref<2x128x128xf32, #tpu.memory_space<vmem>> -> memref<1x128x128xf32, #tpu.memory_space<vmem>>
          %dma_wait3A_164 = tpu.memref_squeeze %dma_wait3A_163 : memref<1x128x128xf32, #tpu.memory_space<vmem>> -> memref<128x128xf32, #tpu.memory_space<vmem>>
          tpu.wait_dma2 semaphore(%dma_wait3A_157 : memref<!tpu.dma_semaphore, #tpu.memory_space<semaphore_mem>>) src(%dma_wait3A_164 : memref<128x128xf32, #tpu.memory_space<vmem>>) dst(%dma_wait3A_160 : memref<128x128xf32, #tpu.memory_space<vmem_shared>>)
        } else {
        }
        %add3A_113 = arith.constant 1 : i32
        %add3A_114 = arith.addi %scan3A_106, %add3A_113 : i32
        %lt3A = arith.constant 40 : i32
        %lt3A_115 = arith.cmpi slt, %add3A_114, %lt3A : i32
        %convert_element_type3A_116 = arith.extui %lt3A_115 : i1 to i32
        %cond3A_117 = arith.constant 0 : i32
        %cond3A_118 = arith.cmpi ne, %convert_element_type3A_116, %cond3A_117 : i32
        scf.if %cond3A_118 {
          %add3A_148 = arith.constant 1 : i32
          %add3A_149 = arith.addi %scan3A_106, %add3A_148 : i32
          %dma_start3A_150 = arith.constant 0 : i32
          %dma_start3A_151 = arith.constant 0 : i32
          %dma_start3A_152 = tpu.memref_slice %arg11[%sub3A_108, %dma_start3A_150, %dma_start3A_151] : memref<2x128x128xf32, #tpu.memory_space<vmem>> -> memref<1x128x128xf32, #tpu.memory_space<vmem>>
          %dma_start3A_153 = tpu.memref_squeeze %dma_start3A_152 : memref<1x128x128xf32, #tpu.memory_space<vmem>> -> memref<128x128xf32, #tpu.memory_space<vmem>>
          %dma_start3A_154 = arith.constant 0 : i32
          %dma_start3A_155 = tpu.memref_slice %arg9[%add3A_149, %dma_start3A_154] : memref<40x128xi32, #tpu.memory_space<vmem>> -> memref<1x128xi32, #tpu.memory_space<vmem>>
          %dma_start3A_156 = tpu.memref_squeeze %dma_start3A_155 : memref<1x128xi32, #tpu.memory_space<vmem>> -> memref<128xi32, #tpu.memory_space<vmem>>
          %dma_start3A_157 = arith.constant 0 : i32
          %dma_start3A_158 = arith.constant 0 : i32
          %dma_start3A_159 = tpu.memref_slice %arg3[%dma_start3A_157, %dma_start3A_158] : memref<10000x128xf32, #tpu.memory_space<hbm>> -> memref<10000x128xf32, #tpu.memory_space<hbm>>
          %dma_start3A_160 = tpu.memref_slice %arg13[%sub3A_108] : memref<2x!tpu.dma_semaphore, #tpu.memory_space<semaphore_mem>> -> memref<1x!tpu.dma_semaphore, #tpu.memory_space<semaphore_mem>>
          %dma_start3A_161 = tpu.memref_squeeze %dma_start3A_160 : memref<1x!tpu.dma_semaphore, #tpu.memory_space<semaphore_mem>> -> memref<!tpu.dma_semaphore, #tpu.memory_space<semaphore_mem>>
          tpu.enqueue_indirect_dma source(%dma_start3A_159 : memref<10000x128xf32, #tpu.memory_space<hbm>>) target(%dma_start3A_153 : memref<128x128xf32, #tpu.memory_space<vmem>>) offsets(%dma_start3A_156 : memref<128xi32, #tpu.memory_space<vmem>>) semaphore(%dma_start3A_161 : memref<!tpu.dma_semaphore, #tpu.memory_space<semaphore_mem>>)
        } else {
        }
        %dma_wait3A_119 = arith.constant 0 : i32
        %dma_wait3A_120 = arith.constant 0 : i32
        %dma_wait3A_121 = arith.constant 0 : i32
        %dma_wait3A_122 = tpu.memref_slice %arg11[%dma_wait3A_119, %dma_wait3A_120, %dma_wait3A_121] : memref<2x128x128xf32, #tpu.memory_space<vmem>> -> memref<1x128x128xf32, #tpu.memory_space<vmem>>
        %dma_wait3A_123 = tpu.memref_squeeze %dma_wait3A_122 : memref<1x128x128xf32, #tpu.memory_space<vmem>> -> memref<128x128xf32, #tpu.memory_space<vmem>>
        %dma_wait3A_124 = arith.constant 0 : i32
        %dma_wait3A_125 = arith.constant 0 : i32
        %dma_wait3A_126 = tpu.memref_slice %arg3[%dma_wait3A_124, %dma_wait3A_125] : memref<10000x128xf32, #tpu.memory_space<hbm>> -> memref<128x128xf32, #tpu.memory_space<hbm>>
        %dma_wait3A_127 = tpu.memref_slice %arg13[%rem3A_107] : memref<2x!tpu.dma_semaphore, #tpu.memory_space<semaphore_mem>> -> memref<1x!tpu.dma_semaphore, #tpu.memory_space<semaphore_mem>>
        %dma_wait3A_128 = tpu.memref_squeeze %dma_wait3A_127 : memref<1x!tpu.dma_semaphore, #tpu.memory_space<semaphore_mem>> -> memref<!tpu.dma_semaphore, #tpu.memory_space<semaphore_mem>>
        %dma_wait3A_129 = arith.constant 0 : i32
        %dma_wait3A_130 = arith.constant 0 : i32
        %dma_wait3A_131 = tpu.memref_slice %arg11[%dma_wait3A_119, %dma_wait3A_129, %dma_wait3A_130] : memref<2x128x128xf32, #tpu.memory_space<vmem>> -> memref<1x128x128xf32, #tpu.memory_space<vmem>>
        %dma_wait3A_132 = tpu.memref_squeeze %dma_wait3A_131 : memref<1x128x128xf32, #tpu.memory_space<vmem>> -> memref<128x128xf32, #tpu.memory_space<vmem>>
        %dma_wait3A_133 = arith.constant 0 : i32
        %dma_wait3A_134 = arith.constant 0 : i32
        %dma_wait3A_135 = tpu.memref_slice %arg3[%dma_wait3A_133, %dma_wait3A_134] : memref<10000x128xf32, #tpu.memory_space<hbm>> -> memref<128x128xf32, #tpu.memory_space<hbm>>
        tpu.wait_dma2 semaphore(%dma_wait3A_128 : memref<!tpu.dma_semaphore, #tpu.memory_space<semaphore_mem>>) src(%dma_wait3A_135 : memref<128x128xf32, #tpu.memory_space<hbm>>) dst(%dma_wait3A_132 : memref<128x128xf32, #tpu.memory_space<vmem>>)
        %dma_start3A_136 = arith.constant 0 : i32
        %dma_start3A_137 = arith.constant 0 : i32
        %dma_start3A_138 = tpu.memref_slice %arg11[%rem3A_107, %dma_start3A_136, %dma_start3A_137] : memref<2x128x128xf32, #tpu.memory_space<vmem>> -> memref<1x128x128xf32, #tpu.memory_space<vmem>>
        %dma_start3A_139 = tpu.memref_squeeze %dma_start3A_138 : memref<1x128x128xf32, #tpu.memory_space<vmem>> -> memref<128x128xf32, #tpu.memory_space<vmem>>
        %dma_start3A_140 = arith.constant 0 : i32
        %dma_start3A_141 = tpu.memref_slice %arg10[%scan3A_106, %dma_start3A_140] : memref<40x128xi32, #tpu.memory_space<vmem>> -> memref<1x128xi32, #tpu.memory_space<vmem>>
        %dma_start3A_142 = tpu.memref_squeeze %dma_start3A_141 : memref<1x128xi32, #tpu.memory_space<vmem>> -> memref<128xi32, #tpu.memory_space<vmem>>
        %dma_start3A_143 = arith.constant 0 : i32
        %dma_start3A_144 = arith.constant 0 : i32
        %dma_start3A_145 = tpu.memref_slice %arg12[%dma_start3A_143, %dma_start3A_144] : memref<10016x128xf32, #tpu.memory_space<vmem_shared>> -> memref<10016x128xf32, #tpu.memory_space<vmem_shared>>
        %dma_start3A_146 = tpu.memref_slice %arg14[%rem3A_107] : memref<2x!tpu.dma_semaphore, #tpu.memory_space<semaphore_mem>> -> memref<1x!tpu.dma_semaphore, #tpu.memory_space<semaphore_mem>>
        %dma_start3A_147 = tpu.memref_squeeze %dma_start3A_146 : memref<1x!tpu.dma_semaphore, #tpu.memory_space<semaphore_mem>> -> memref<!tpu.dma_semaphore, #tpu.memory_space<semaphore_mem>>
        tpu.enqueue_indirect_dma source(%dma_start3A_139 : memref<128x128xf32, #tpu.memory_space<vmem>>) target(%dma_start3A_145 : memref<10016x128xf32, #tpu.memory_space<vmem_shared>>) offsets(%dma_start3A_142 : memref<128xi32, #tpu.memory_space<vmem>>) semaphore(%dma_start3A_147 : memref<!tpu.dma_semaphore, #tpu.memory_space<semaphore_mem>>) {add = true}
      }
      %scan3A_87 = arith.constant 40 : i32
      %dma_wait3A_88 = arith.constant 0 : i32
      %dma_wait3A_89 = arith.constant 1 : i32
      %dma_wait3A_90 = arith.constant 0 : i32
      %dma_wait3A_91 = arith.constant 0 : i32
      %dma_wait3A_92 = tpu.memref_slice %arg11[%dma_wait3A_88, %dma_wait3A_90, %dma_wait3A_91] : memref<2x128x128xf32, #tpu.memory_space<vmem>> -> memref<1x128x128xf32, #tpu.memory_space<vmem>>
      %dma_wait3A_93 = tpu.memref_squeeze %dma_wait3A_92 : memref<1x128x128xf32, #tpu.memory_space<vmem>> -> memref<128x128xf32, #tpu.memory_space<vmem>>
      %dma_wait3A_94 = arith.constant 0 : i32
      %dma_wait3A_95 = arith.constant 0 : i32
      %dma_wait3A_96 = tpu.memref_slice %arg12[%dma_wait3A_94, %dma_wait3A_95] : memref<10016x128xf32, #tpu.memory_space<vmem_shared>> -> memref<128x128xf32, #tpu.memory_space<vmem_shared>>
      %dma_wait3A_97 = tpu.memref_slice %arg14[%dma_wait3A_89] : memref<2x!tpu.dma_semaphore, #tpu.memory_space<semaphore_mem>> -> memref<1x!tpu.dma_semaphore, #tpu.memory_space<semaphore_mem>>
      %dma_wait3A_98 = tpu.memref_squeeze %dma_wait3A_97 : memref<1x!tpu.dma_semaphore, #tpu.memory_space<semaphore_mem>> -> memref<!tpu.dma_semaphore, #tpu.memory_space<semaphore_mem>>
      %dma_wait3A_99 = arith.constant 0 : i32
      %dma_wait3A_100 = arith.constant 0 : i32
      %dma_wait3A_101 = tpu.memref_slice %arg12[%dma_wait3A_99, %dma_wait3A_100] : memref<10016x128xf32, #tpu.memory_space<vmem_shared>> -> memref<128x128xf32, #tpu.memory_space<vmem_shared>>
      %dma_wait3A_102 = arith.constant 0 : i32
      %dma_wait3A_103 = arith.constant 0 : i32
      %dma_wait3A_104 = tpu.memref_slice %arg11[%dma_wait3A_88, %dma_wait3A_102, %dma_wait3A_103] : memref<2x128x128xf32, #tpu.memory_space<vmem>> -> memref<1x128x128xf32, #tpu.memory_space<vmem>>
      %dma_wait3A_105 = tpu.memref_squeeze %dma_wait3A_104 : memref<1x128x128xf32, #tpu.memory_space<vmem>> -> memref<128x128xf32, #tpu.memory_space<vmem>>
      tpu.wait_dma2 semaphore(%dma_wait3A_98 : memref<!tpu.dma_semaphore, #tpu.memory_space<semaphore_mem>>) src(%dma_wait3A_105 : memref<128x128xf32, #tpu.memory_space<vmem>>) dst(%dma_wait3A_101 : memref<128x128xf32, #tpu.memory_space<vmem_shared>>)
    } else {
    }
    %barrier3A_13 = arith.constant 0 : index
    tpu.barrier barrier_id(%barrier3A_13)
    %eq3A_14 = arith.constant 0 : i32
    %eq3A_15 = arith.cmpi eq, %arg0, %eq3A_14 : i32
    %convert_element_type3A_16 = arith.extui %eq3A_15 : i1 to i32
    %cond3A_17 = arith.constant 0 : i32
    %cond3A_18 = arith.cmpi ne, %convert_element_type3A_16, %cond3A_17 : i32
    scf.if %cond3A_18 {
      "tpu.region"() ({
        %run_scoped3A = tpu.sem_alloc : memref<!tpu.dma_semaphore, #tpu.memory_space<semaphore_mem>>
        %dma_start3A = arith.constant 0 : i32
        %dma_start3A_29 = tpu.memref_slice %arg7[%mul3A_0, %dma_start3A] : memref<10000x128xf32, #tpu.memory_space<hbm>> -> memref<624x128xf32, #tpu.memory_space<hbm>>
        %dma_start3A_30 = arith.constant 0 : i32
        %dma_start3A_31 = tpu.memref_slice %arg12[%mul3A_0, %dma_start3A_30] : memref<10016x128xf32, #tpu.memory_space<vmem_shared>> -> memref<624x128xf32, #tpu.memory_space<vmem_shared>>
        tpu.enqueue_dma source(%dma_start3A_31 : memref<624x128xf32, #tpu.memory_space<vmem_shared>>) target(%dma_start3A_29 : memref<624x128xf32, #tpu.memory_space<hbm>>) target_semaphore(%run_scoped3A : memref<!tpu.dma_semaphore, #tpu.memory_space<semaphore_mem>>)
        %dma_wait3A = arith.constant 0 : i32
        %dma_wait3A_32 = tpu.memref_slice %arg7[%mul3A_0, %dma_wait3A] : memref<10000x128xf32, #tpu.memory_space<hbm>> -> memref<624x128xf32, #tpu.memory_space<hbm>>
        %dma_wait3A_33 = arith.constant 0 : i32
        %dma_wait3A_34 = tpu.memref_slice %arg12[%mul3A_0, %dma_wait3A_33] : memref<10016x128xf32, #tpu.memory_space<vmem_shared>> -> memref<624x128xf32, #tpu.memory_space<vmem_shared>>
        tpu.wait_dma2 semaphore(%run_scoped3A : memref<!tpu.dma_semaphore, #tpu.memory_space<semaphore_mem>>) src(%dma_wait3A_34 : memref<624x128xf32, #tpu.memory_space<vmem_shared>>) dst(%dma_wait3A_32 : memref<624x128xf32, #tpu.memory_space<hbm>>)
        tpu.yield
      }) : () -> ()
      %eq3A_24 = arith.constant 15 : i32
      %eq3A_25 = arith.cmpi eq, %arg1, %eq3A_24 : i32
      %convert_element_type3A_26 = arith.extui %eq3A_25 : i1 to i32
      %cond3A_27 = arith.constant 0 : i32
      %cond3A_28 = arith.cmpi ne, %convert_element_type3A_26, %cond3A_27 : i32
      scf.if %cond3A_28 {
        "tpu.region"() ({
          %run_scoped3A = tpu.sem_alloc : memref<!tpu.dma_semaphore, #tpu.memory_space<semaphore_mem>>
          %dma_start3A = arith.constant 9984 : i32
          %dma_start3A_29 = arith.constant 0 : i32
          %dma_start3A_30 = tpu.memref_slice %arg7[%dma_start3A, %dma_start3A_29] : memref<10000x128xf32, #tpu.memory_space<hbm>> -> memref<16x128xf32, #tpu.memory_space<hbm>>
          %dma_start3A_31 = arith.constant 9984 : i32
          %dma_start3A_32 = arith.constant 0 : i32
          %dma_start3A_33 = tpu.memref_slice %arg12[%dma_start3A_31, %dma_start3A_32] : memref<10016x128xf32, #tpu.memory_space<vmem_shared>> -> memref<16x128xf32, #tpu.memory_space<vmem_shared>>
          tpu.enqueue_dma source(%dma_start3A_33 : memref<16x128xf32, #tpu.memory_space<vmem_shared>>) target(%dma_start3A_30 : memref<16x128xf32, #tpu.memory_space<hbm>>) target_semaphore(%run_scoped3A : memref<!tpu.dma_semaphore, #tpu.memory_space<semaphore_mem>>)
          %dma_wait3A = arith.constant 9984 : i32
          %dma_wait3A_34 = arith.constant 0 : i32
          %dma_wait3A_35 = tpu.memref_slice %arg7[%dma_wait3A, %dma_wait3A_34] : memref<10000x128xf32, #tpu.memory_space<hbm>> -> memref<16x128xf32, #tpu.memory_space<hbm>>
          %dma_wait3A_36 = arith.constant 9984 : i32
          %dma_wait3A_37 = arith.constant 0 : i32
          %dma_wait3A_38 = tpu.memref_slice %arg12[%dma_wait3A_36, %dma_wait3A_37] : memref<10016x128xf32, #tpu.memory_space<vmem_shared>> -> memref<16x128xf32, #tpu.memory_space<vmem_shared>>
          tpu.wait_dma2 semaphore(%run_scoped3A : memref<!tpu.dma_semaphore, #tpu.memory_space<semaphore_mem>>) src(%dma_wait3A_38 : memref<16x128xf32, #tpu.memory_space<vmem_shared>>) dst(%dma_wait3A_35 : memref<16x128xf32, #tpu.memory_space<hbm>>)
          tpu.yield
        }) : () -> ()
      } else {
      }
    } else {
    }
    %eq3A_19 = arith.constant 1 : i32
    %eq3A_20 = arith.cmpi eq, %arg0, %eq3A_19 : i32
    %convert_element_type3A_21 = arith.extui %eq3A_20 : i1 to i32
    %cond3A_22 = arith.constant 0 : i32
    %cond3A_23 = arith.cmpi ne, %convert_element_type3A_21, %cond3A_22 : i32
    scf.if %cond3A_23 {
      "tpu.region"() ({
        %run_scoped3A = tpu.sem_alloc : memref<!tpu.dma_semaphore, #tpu.memory_space<semaphore_mem>>
        %dma_start3A = arith.constant 0 : i32
        %dma_start3A_29 = tpu.memref_slice %arg8[%mul3A_0, %dma_start3A] : memref<10000x128xf32, #tpu.memory_space<hbm>> -> memref<624x128xf32, #tpu.memory_space<hbm>>
        %dma_start3A_30 = arith.constant 0 : i32
        %dma_start3A_31 = tpu.memref_slice %arg12[%mul3A_0, %dma_start3A_30] : memref<10016x128xf32, #tpu.memory_space<vmem_shared>> -> memref<624x128xf32, #tpu.memory_space<vmem_shared>>
        tpu.enqueue_dma source(%dma_start3A_31 : memref<624x128xf32, #tpu.memory_space<vmem_shared>>) target(%dma_start3A_29 : memref<624x128xf32, #tpu.memory_space<hbm>>) target_semaphore(%run_scoped3A : memref<!tpu.dma_semaphore, #tpu.memory_space<semaphore_mem>>)
        %dma_wait3A = arith.constant 0 : i32
        %dma_wait3A_32 = tpu.memref_slice %arg8[%mul3A_0, %dma_wait3A] : memref<10000x128xf32, #tpu.memory_space<hbm>> -> memref<624x128xf32, #tpu.memory_space<hbm>>
        %dma_wait3A_33 = arith.constant 0 : i32
        %dma_wait3A_34 = tpu.memref_slice %arg12[%mul3A_0, %dma_wait3A_33] : memref<10016x128xf32, #tpu.memory_space<vmem_shared>> -> memref<624x128xf32, #tpu.memory_space<vmem_shared>>
        tpu.wait_dma2 semaphore(%run_scoped3A : memref<!tpu.dma_semaphore, #tpu.memory_space<semaphore_mem>>) src(%dma_wait3A_34 : memref<624x128xf32, #tpu.memory_space<vmem_shared>>) dst(%dma_wait3A_32 : memref<624x128xf32, #tpu.memory_space<hbm>>)
        tpu.yield
      }) : () -> ()
      %eq3A_24 = arith.constant 15 : i32
      %eq3A_25 = arith.cmpi eq, %arg1, %eq3A_24 : i32
      %convert_element_type3A_26 = arith.extui %eq3A_25 : i1 to i32
      %cond3A_27 = arith.constant 0 : i32
      %cond3A_28 = arith.cmpi ne, %convert_element_type3A_26, %cond3A_27 : i32
      scf.if %cond3A_28 {
        "tpu.region"() ({
          %run_scoped3A = tpu.sem_alloc : memref<!tpu.dma_semaphore, #tpu.memory_space<semaphore_mem>>
          %dma_start3A = arith.constant 9984 : i32
          %dma_start3A_29 = arith.constant 0 : i32
          %dma_start3A_30 = tpu.memref_slice %arg8[%dma_start3A, %dma_start3A_29] : memref<10000x128xf32, #tpu.memory_space<hbm>> -> memref<16x128xf32, #tpu.memory_space<hbm>>
          %dma_start3A_31 = arith.constant 9984 : i32
          %dma_start3A_32 = arith.constant 0 : i32
          %dma_start3A_33 = tpu.memref_slice %arg12[%dma_start3A_31, %dma_start3A_32] : memref<10016x128xf32, #tpu.memory_space<vmem_shared>> -> memref<16x128xf32, #tpu.memory_space<vmem_shared>>
          tpu.enqueue_dma source(%dma_start3A_33 : memref<16x128xf32, #tpu.memory_space<vmem_shared>>) target(%dma_start3A_30 : memref<16x128xf32, #tpu.memory_space<hbm>>) target_semaphore(%run_scoped3A : memref<!tpu.dma_semaphore, #tpu.memory_space<semaphore_mem>>)
          %dma_wait3A = arith.constant 9984 : i32
          %dma_wait3A_34 = arith.constant 0 : i32
          %dma_wait3A_35 = tpu.memref_slice %arg8[%dma_wait3A, %dma_wait3A_34] : memref<10000x128xf32, #tpu.memory_space<hbm>> -> memref<16x128xf32, #tpu.memory_space<hbm>>
          %dma_wait3A_36 = arith.constant 9984 : i32
          %dma_wait3A_37 = arith.constant 0 : i32
          %dma_wait3A_38 = tpu.memref_slice %arg12[%dma_wait3A_36, %dma_wait3A_37] : memref<10016x128xf32, #tpu.memory_space<vmem_shared>> -> memref<16x128xf32, #tpu.memory_space<vmem_shared>>
          tpu.wait_dma2 semaphore(%run_scoped3A : memref<!tpu.dma_semaphore, #tpu.memory_space<semaphore_mem>>) src(%dma_wait3A_38 : memref<16x128xf32, #tpu.memory_space<vmem_shared>>) dst(%dma_wait3A_35 : memref<16x128xf32, #tpu.memory_space<hbm>>)
          tpu.yield
        }) : () -> ()
      } else {
      }
    } else {
    }
    return
  }
}

#map = affine_map<(d0, d1) -> (0, 0)>
module attributes {stable_mosaic.version = 14 : i64} {
  func.func @k(%arg0: i32, %arg1: i32, %arg2: memref<10000x128xf32, #tpu.memory_space<hbm>>, %arg3: memref<10000x128xf32, #tpu.memory_space<hbm>>, %arg4: memref<1280x128xi32, #tpu.memory_space<hbm>>, %arg5: memref<1280x128xi32, #tpu.memory_space<hbm>>, %arg6: memref<624x128xf32, #tpu.memory_space<hbm>>, %arg7: memref<10000x128xf32, #tpu.memory_space<hbm>>, %arg8: memref<10000x128xf32, #tpu.memory_space<hbm>>, %arg9: memref<40x128xi32, #tpu.memory_space<vmem>>, %arg10: memref<40x128xi32, #tpu.memory_space<vmem>>, %arg11: memref<2x128x128xf32, #tpu.memory_space<vmem>>, %arg12: memref<10016x128xf32, #tpu.memory_space<vmem_shared>>, %arg13: memref<2x!tpu.dma_semaphore, #tpu.memory_space<semaphore_mem>>, %arg14: memref<2x!tpu.dma_semaphore, #tpu.memory_space<semaphore_mem>>) attributes {dimension_semantics = [#tpu.dimension_semantics<core_parallel>, #tpu.dimension_semantics<subcore_parallel>], iteration_bounds = array<i64: 2, 16>, scalar_prefetch = 0 : i64, scratch_operands = 6 : i64, tpu.core_type = #tpu.core_type<sc_vector_subcore>, window_params = [{transform_indices = #map}, {transform_indices = #map}, {transform_indices = #map}, {transform_indices = #map}, {transform_indices = #map}, {transform_indices = #map}, {transform_indices = #map}]} {
    %mul3A = arith.constant 624 : i32
    %mul3A_0 = arith.muli %arg1, %mul3A : i32
    "tpu.region"() ({
      %run_scoped3A = tpu.sem_alloc : memref<!tpu.dma_semaphore, #tpu.memory_space<semaphore_mem>>
      %dma_start3A = arith.constant 0 : i32
      %dma_start3A_24 = tpu.memref_slice %arg12[%mul3A_0, %dma_start3A] : memref<10016x128xf32, #tpu.memory_space<vmem_shared>> -> memref<624x128xf32, #tpu.memory_space<vmem_shared>>
      %dma_start3A_25 = arith.constant 0 : i32
      %dma_start3A_26 = arith.constant 0 : i32
      %dma_start3A_27 = tpu.memref_slice %arg6[%dma_start3A_25, %dma_start3A_26] : memref<624x128xf32, #tpu.memory_space<hbm>> -> memref<624x128xf32, #tpu.memory_space<hbm>>
      tpu.enqueue_dma source(%dma_start3A_27 : memref<624x128xf32, #tpu.memory_space<hbm>>) target(%dma_start3A_24 : memref<624x128xf32, #tpu.memory_space<vmem_shared>>) target_semaphore(%run_scoped3A : memref<!tpu.dma_semaphore, #tpu.memory_space<semaphore_mem>>)
      %dma_wait3A = arith.constant 0 : i32
      %dma_wait3A_28 = tpu.memref_slice %arg12[%mul3A_0, %dma_wait3A] : memref<10016x128xf32, #tpu.memory_space<vmem_shared>> -> memref<624x128xf32, #tpu.memory_space<vmem_shared>>
      %dma_wait3A_29 = arith.constant 0 : i32
      %dma_wait3A_30 = arith.constant 0 : i32
      %dma_wait3A_31 = tpu.memref_slice %arg6[%dma_wait3A_29, %dma_wait3A_30] : memref<624x128xf32, #tpu.memory_space<hbm>> -> memref<624x128xf32, #tpu.memory_space<hbm>>
      tpu.wait_dma2 semaphore(%run_scoped3A : memref<!tpu.dma_semaphore, #tpu.memory_space<semaphore_mem>>) src(%dma_wait3A_31 : memref<624x128xf32, #tpu.memory_space<hbm>>) dst(%dma_wait3A_28 : memref<624x128xf32, #tpu.memory_space<vmem_shared>>)
      tpu.yield
    }) : () -> ()
    %eq3A = arith.constant 15 : i32
    %eq3A_1 = arith.cmpi eq, %arg1, %eq3A : i32
    %convert_element_type3A = arith.extui %eq3A_1 : i1 to i32
    %cond3A = arith.constant 0 : i32
    %cond3A_2 = arith.cmpi ne, %convert_element_type3A, %cond3A : i32
    scf.if %cond3A_2 {
      "tpu.region"() ({
        %run_scoped3A = tpu.sem_alloc : memref<!tpu.dma_semaphore, #tpu.memory_space<semaphore_mem>>
        %dma_start3A = arith.constant 9984 : i32
        %dma_start3A_24 = arith.constant 0 : i32
        %dma_start3A_25 = tpu.memref_slice %arg12[%dma_start3A, %dma_start3A_24] : memref<10016x128xf32, #tpu.memory_space<vmem_shared>> -> memref<32x128xf32, #tpu.memory_space<vmem_shared>>
        %dma_start3A_26 = arith.constant 0 : i32
        %dma_start3A_27 = arith.constant 0 : i32
        %dma_start3A_28 = tpu.memref_slice %arg6[%dma_start3A_26, %dma_start3A_27] : memref<624x128xf32, #tpu.memory_space<hbm>> -> memref<32x128xf32, #tpu.memory_space<hbm>>
        tpu.enqueue_dma source(%dma_start3A_28 : memref<32x128xf32, #tpu.memory_space<hbm>>) target(%dma_start3A_25 : memref<32x128xf32, #tpu.memory_space<vmem_shared>>) target_semaphore(%run_scoped3A : memref<!tpu.dma_semaphore, #tpu.memory_space<semaphore_mem>>)
        %dma_wait3A = arith.constant 9984 : i32
        %dma_wait3A_29 = arith.constant 0 : i32
        %dma_wait3A_30 = tpu.memref_slice %arg12[%dma_wait3A, %dma_wait3A_29] : memref<10016x128xf32, #tpu.memory_space<vmem_shared>> -> memref<32x128xf32, #tpu.memory_space<vmem_shared>>
        %dma_wait3A_31 = arith.constant 0 : i32
        %dma_wait3A_32 = arith.constant 0 : i32
        %dma_wait3A_33 = tpu.memref_slice %arg6[%dma_wait3A_31, %dma_wait3A_32] : memref<624x128xf32, #tpu.memory_space<hbm>> -> memref<32x128xf32, #tpu.memory_space<hbm>>
        tpu.wait_dma2 semaphore(%run_scoped3A : memref<!tpu.dma_semaphore, #tpu.memory_space<semaphore_mem>>) src(%dma_wait3A_33 : memref<32x128xf32, #tpu.memory_space<hbm>>) dst(%dma_wait3A_30 : memref<32x128xf32, #tpu.memory_space<vmem_shared>>)
        tpu.yield
      }) : () -> ()
    } else {
    }
    %barrier3A = arith.constant 0 : index
    tpu.barrier barrier_id(%barrier3A)
    %eq3A_3 = arith.constant 0 : i32
    %eq3A_4 = arith.cmpi eq, %arg0, %eq3A_3 : i32
    %convert_element_type3A_5 = arith.extui %eq3A_4 : i1 to i32
    %cond3A_6 = arith.constant 0 : i32
    %cond3A_7 = arith.cmpi ne, %convert_element_type3A_5, %cond3A_6 : i32
    scf.if %cond3A_7 {
      %mul3A_24 = arith.constant 80 : i32
      %mul3A_25 = arith.muli %arg1, %mul3A_24 : i32
      %add3A = arith.constant 0 : i32
      %add3A_26 = arith.addi %mul3A_25, %add3A : i32
      "tpu.region"() ({
        %run_scoped3A = tpu.sem_alloc : memref<!tpu.dma_semaphore, #tpu.memory_space<semaphore_mem>>
        %dma_start3A_106 = arith.constant 0 : i32
        %dma_start3A_107 = tpu.memref_slice %arg4[%add3A_26, %dma_start3A_106] : memref<1280x128xi32, #tpu.memory_space<hbm>> -> memref<40x128xi32, #tpu.memory_space<hbm>>
        %dma_start3A_108 = arith.constant 0 : i32
        %dma_start3A_109 = tpu.memref_slice %arg4[%add3A_26, %dma_start3A_108] : memref<1280x128xi32, #tpu.memory_space<hbm>> -> memref<40x128xi32, #tpu.memory_space<hbm>>
        tpu.enqueue_dma source(%dma_start3A_109 : memref<40x128xi32, #tpu.memory_space<hbm>>) target(%arg9 : memref<40x128xi32, #tpu.memory_space<vmem>>) target_semaphore(%run_scoped3A : memref<!tpu.dma_semaphore, #tpu.memory_space<semaphore_mem>>)
        %dma_wait3A_110 = arith.constant 0 : i32
        %dma_wait3A_111 = tpu.memref_slice %arg4[%add3A_26, %dma_wait3A_110] : memref<1280x128xi32, #tpu.memory_space<hbm>> -> memref<40x128xi32, #tpu.memory_space<hbm>>
        %dma_wait3A_112 = arith.constant 0 : i32
        %dma_wait3A_113 = tpu.memref_slice %arg4[%add3A_26, %dma_wait3A_112] : memref<1280x128xi32, #tpu.memory_space<hbm>> -> memref<40x128xi32, #tpu.memory_space<hbm>>
        tpu.wait_dma2 semaphore(%run_scoped3A : memref<!tpu.dma_semaphore, #tpu.memory_space<semaphore_mem>>) src(%dma_wait3A_113 : memref<40x128xi32, #tpu.memory_space<hbm>>) dst(%arg9 : memref<40x128xi32, #tpu.memory_space<vmem>>)
        tpu.yield
      }) : () -> ()
      "tpu.region"() ({
        %run_scoped3A = tpu.sem_alloc : memref<!tpu.dma_semaphore, #tpu.memory_space<semaphore_mem>>
        %dma_start3A_106 = arith.constant 0 : i32
        %dma_start3A_107 = tpu.memref_slice %arg5[%add3A_26, %dma_start3A_106] : memref<1280x128xi32, #tpu.memory_space<hbm>> -> memref<40x128xi32, #tpu.memory_space<hbm>>
        %dma_start3A_108 = arith.constant 0 : i32
        %dma_start3A_109 = tpu.memref_slice %arg5[%add3A_26, %dma_start3A_108] : memref<1280x128xi32, #tpu.memory_space<hbm>> -> memref<40x128xi32, #tpu.memory_space<hbm>>
        tpu.enqueue_dma source(%dma_start3A_109 : memref<40x128xi32, #tpu.memory_space<hbm>>) target(%arg10 : memref<40x128xi32, #tpu.memory_space<vmem>>) target_semaphore(%run_scoped3A : memref<!tpu.dma_semaphore, #tpu.memory_space<semaphore_mem>>)
        %dma_wait3A_110 = arith.constant 0 : i32
        %dma_wait3A_111 = tpu.memref_slice %arg5[%add3A_26, %dma_wait3A_110] : memref<1280x128xi32, #tpu.memory_space<hbm>> -> memref<40x128xi32, #tpu.memory_space<hbm>>
        %dma_wait3A_112 = arith.constant 0 : i32
        %dma_wait3A_113 = tpu.memref_slice %arg5[%add3A_26, %dma_wait3A_112] : memref<1280x128xi32, #tpu.memory_space<hbm>> -> memref<40x128xi32, #tpu.memory_space<hbm>>
        tpu.wait_dma2 semaphore(%run_scoped3A : memref<!tpu.dma_semaphore, #tpu.memory_space<semaphore_mem>>) src(%dma_wait3A_113 : memref<40x128xi32, #tpu.memory_space<hbm>>) dst(%arg10 : memref<40x128xi32, #tpu.memory_space<vmem>>)
        tpu.yield
      }) : () -> ()
      %dma_start3A = arith.constant 0 : i32
      %dma_start3A_27 = arith.constant 0 : i32
      %dma_start3A_28 = arith.constant 0 : i32
      %dma_start3A_29 = arith.constant 0 : i32
      %dma_start3A_30 = arith.constant 0 : i32
      %dma_start3A_31 = tpu.memref_slice %arg11[%dma_start3A_27, %dma_start3A_29, %dma_start3A_30] : memref<2x128x128xf32, #tpu.memory_space<vmem>> -> memref<1x128x128xf32, #tpu.memory_space<vmem>>
      %dma_start3A_32 = tpu.memref_squeeze %dma_start3A_31 : memref<1x128x128xf32, #tpu.memory_space<vmem>> -> memref<128x128xf32, #tpu.memory_space<vmem>>
      %dma_start3A_33 = arith.constant 0 : i32
      %dma_start3A_34 = tpu.memref_slice %arg9[%dma_start3A, %dma_start3A_33] : memref<40x128xi32, #tpu.memory_space<vmem>> -> memref<1x128xi32, #tpu.memory_space<vmem>>
      %dma_start3A_35 = tpu.memref_squeeze %dma_start3A_34 : memref<1x128xi32, #tpu.memory_space<vmem>> -> memref<128xi32, #tpu.memory_space<vmem>>
      %dma_start3A_36 = arith.constant 0 : i32
      %dma_start3A_37 = arith.constant 0 : i32
      %dma_start3A_38 = tpu.memref_slice %arg2[%dma_start3A_36, %dma_start3A_37] : memref<10000x128xf32, #tpu.memory_space<hbm>> -> memref<10000x128xf32, #tpu.memory_space<hbm>>
      %dma_start3A_39 = tpu.memref_slice %arg13[%dma_start3A_28] : memref<2x!tpu.dma_semaphore, #tpu.memory_space<semaphore_mem>> -> memref<1x!tpu.dma_semaphore, #tpu.memory_space<semaphore_mem>>
      %dma_start3A_40 = tpu.memref_squeeze %dma_start3A_39 : memref<1x!tpu.dma_semaphore, #tpu.memory_space<semaphore_mem>> -> memref<!tpu.dma_semaphore, #tpu.memory_space<semaphore_mem>>
      tpu.enqueue_indirect_dma source(%dma_start3A_38 : memref<10000x128xf32, #tpu.memory_space<hbm>>) target(%dma_start3A_32 : memref<128x128xf32, #tpu.memory_space<vmem>>) offsets(%dma_start3A_35 : memref<128xi32, #tpu.memory_space<vmem>>) semaphore(%dma_start3A_40 : memref<!tpu.dma_semaphore, #tpu.memory_space<semaphore_mem>>)
      %scan3A = arith.constant 0 : i32
      %scan3A_41 = arith.constant 0 : i32
      %scan3A_42 = arith.constant 40 : i32
      %scan3A_43 = arith.addi %scan3A_41, %scan3A_42 : i32
      %scan3A_44 = arith.constant 1 : i32
      scf.for %scan3A_106 = %scan3A_41 to %scan3A_43 step %scan3A_44  : i32 {
        %rem3A = arith.constant 2 : i32
        %rem3A_107 = arith.remsi %scan3A_106, %rem3A : i32
        %sub3A = arith.constant 1 : i32
        %sub3A_108 = arith.subi %sub3A, %rem3A_107 : i32
        %ge3A = arith.constant 1 : i32
        %ge3A_109 = arith.cmpi sge, %scan3A_106, %ge3A : i32
        %convert_element_type3A_110 = arith.extui %ge3A_109 : i1 to i32
        %cond3A_111 = arith.constant 0 : i32
        %cond3A_112 = arith.cmpi ne, %convert_element_type3A_110, %cond3A_111 : i32
        scf.if %cond3A_112 {
          %dma_wait3A_148 = arith.constant 0 : i32
          %dma_wait3A_149 = arith.constant 0 : i32
          %dma_wait3A_150 = arith.constant 0 : i32
          %dma_wait3A_151 = tpu.memref_slice %arg11[%dma_wait3A_148, %dma_wait3A_149, %dma_wait3A_150] : memref<2x128x128xf32, #tpu.memory_space<vmem>> -> memref<1x128x128xf32, #tpu.memory_space<vmem>>
          %dma_wait3A_152 = tpu.memref_squeeze %dma_wait3A_151 : memref<1x128x128xf32, #tpu.memory_space<vmem>> -> memref<128x128xf32, #tpu.memory_space<vmem>>
          %dma_wait3A_153 = arith.constant 0 : i32
          %dma_wait3A_154 = arith.constant 0 : i32
          %dma_wait3A_155 = tpu.memref_slice %arg12[%dma_wait3A_153, %dma_wait3A_154] : memref<10016x128xf32, #tpu.memory_space<vmem_shared>> -> memref<128x128xf32, #tpu.memory_space<vmem_shared>>
          %dma_wait3A_156 = tpu.memref_slice %arg14[%sub3A_108] : memref<2x!tpu.dma_semaphore, #tpu.memory_space<semaphore_mem>> -> memref<1x!tpu.dma_semaphore, #tpu.memory_space<semaphore_mem>>
          %dma_wait3A_157 = tpu.memref_squeeze %dma_wait3A_156 : memref<1x!tpu.dma_semaphore, #tpu.memory_space<semaphore_mem>> -> memref<!tpu.dma_semaphore, #tpu.memory_space<semaphore_mem>>
          %dma_wait3A_158 = arith.constant 0 : i32
          %dma_wait3A_159 = arith.constant 0 : i32
          %dma_wait3A_160 = tpu.memref_slice %arg12[%dma_wait3A_158, %dma_wait3A_159] : memref<10016x128xf32, #tpu.memory_space<vmem_shared>> -> memref<128x128xf32, #tpu.memory_space<vmem_shared>>
          %dma_wait3A_161 = arith.constant 0 : i32
          %dma_wait3A_162 = arith.constant 0 : i32
          %dma_wait3A_163 = tpu.memref_slice %arg11[%dma_wait3A_148, %dma_wait3A_161, %dma_wait3A_162] : memref<2x128x128xf32, #tpu.memory_space<vmem>> -> memref<1x128x128xf32, #tpu.memory_space<vmem>>
          %dma_wait3A_164 = tpu.memref_squeeze %dma_wait3A_163 : memref<1x128x128xf32, #tpu.memory_space<vmem>> -> memref<128x128xf32, #tpu.memory_space<vmem>>
          tpu.wait_dma2 semaphore(%dma_wait3A_157 : memref<!tpu.dma_semaphore, #tpu.memory_space<semaphore_mem>>) src(%dma_wait3A_164 : memref<128x128xf32, #tpu.memory_space<vmem>>) dst(%dma_wait3A_160 : memref<128x128xf32, #tpu.memory_space<vmem_shared>>)
        } else {
        }
        %add3A_113 = arith.constant 1 : i32
        %add3A_114 = arith.addi %scan3A_106, %add3A_113 : i32
        %lt3A = arith.constant 40 : i32
        %lt3A_115 = arith.cmpi slt, %add3A_114, %lt3A : i32
        %convert_element_type3A_116 = arith.extui %lt3A_115 : i1 to i32
        %cond3A_117 = arith.constant 0 : i32
        %cond3A_118 = arith.cmpi ne, %convert_element_type3A_116, %cond3A_117 : i32
        scf.if %cond3A_118 {
          %add3A_148 = arith.constant 1 : i32
          %add3A_149 = arith.addi %scan3A_106, %add3A_148 : i32
          %dma_start3A_150 = arith.constant 0 : i32
          %dma_start3A_151 = arith.constant 0 : i32
          %dma_start3A_152 = tpu.memref_slice %arg11[%sub3A_108, %dma_start3A_150, %dma_start3A_151] : memref<2x128x128xf32, #tpu.memory_space<vmem>> -> memref<1x128x128xf32, #tpu.memory_space<vmem>>
          %dma_start3A_153 = tpu.memref_squeeze %dma_start3A_152 : memref<1x128x128xf32, #tpu.memory_space<vmem>> -> memref<128x128xf32, #tpu.memory_space<vmem>>
          %dma_start3A_154 = arith.constant 0 : i32
          %dma_start3A_155 = tpu.memref_slice %arg9[%add3A_149, %dma_start3A_154] : memref<40x128xi32, #tpu.memory_space<vmem>> -> memref<1x128xi32, #tpu.memory_space<vmem>>
          %dma_start3A_156 = tpu.memref_squeeze %dma_start3A_155 : memref<1x128xi32, #tpu.memory_space<vmem>> -> memref<128xi32, #tpu.memory_space<vmem>>
          %dma_start3A_157 = arith.constant 0 : i32
          %dma_start3A_158 = arith.constant 0 : i32
          %dma_start3A_159 = tpu.memref_slice %arg2[%dma_start3A_157, %dma_start3A_158] : memref<10000x128xf32, #tpu.memory_space<hbm>> -> memref<10000x128xf32, #tpu.memory_space<hbm>>
          %dma_start3A_160 = tpu.memref_slice %arg13[%sub3A_108] : memref<2x!tpu.dma_semaphore, #tpu.memory_space<semaphore_mem>> -> memref<1x!tpu.dma_semaphore, #tpu.memory_space<semaphore_mem>>
          %dma_start3A_161 = tpu.memref_squeeze %dma_start3A_160 : memref<1x!tpu.dma_semaphore, #tpu.memory_space<semaphore_mem>> -> memref<!tpu.dma_semaphore, #tpu.memory_space<semaphore_mem>>
          tpu.enqueue_indirect_dma source(%dma_start3A_159 : memref<10000x128xf32, #tpu.memory_space<hbm>>) target(%dma_start3A_153 : memref<128x128xf32, #tpu.memory_space<vmem>>) offsets(%dma_start3A_156 : memref<128xi32, #tpu.memory_space<vmem>>) semaphore(%dma_start3A_161 : memref<!tpu.dma_semaphore, #tpu.memory_space<semaphore_mem>>)
        } else {
        }
        %dma_wait3A_119 = arith.constant 0 : i32
        %dma_wait3A_120 = arith.constant 0 : i32
        %dma_wait3A_121 = arith.constant 0 : i32
        %dma_wait3A_122 = tpu.memref_slice %arg11[%dma_wait3A_119, %dma_wait3A_120, %dma_wait3A_121] : memref<2x128x128xf32, #tpu.memory_space<vmem>> -> memref<1x128x128xf32, #tpu.memory_space<vmem>>
        %dma_wait3A_123 = tpu.memref_squeeze %dma_wait3A_122 : memref<1x128x128xf32, #tpu.memory_space<vmem>> -> memref<128x128xf32, #tpu.memory_space<vmem>>
        %dma_wait3A_124 = arith.constant 0 : i32
        %dma_wait3A_125 = arith.constant 0 : i32
        %dma_wait3A_126 = tpu.memref_slice %arg2[%dma_wait3A_124, %dma_wait3A_125] : memref<10000x128xf32, #tpu.memory_space<hbm>> -> memref<128x128xf32, #tpu.memory_space<hbm>>
        %dma_wait3A_127 = tpu.memref_slice %arg13[%rem3A_107] : memref<2x!tpu.dma_semaphore, #tpu.memory_space<semaphore_mem>> -> memref<1x!tpu.dma_semaphore, #tpu.memory_space<semaphore_mem>>
        %dma_wait3A_128 = tpu.memref_squeeze %dma_wait3A_127 : memref<1x!tpu.dma_semaphore, #tpu.memory_space<semaphore_mem>> -> memref<!tpu.dma_semaphore, #tpu.memory_space<semaphore_mem>>
        %dma_wait3A_129 = arith.constant 0 : i32
        %dma_wait3A_130 = arith.constant 0 : i32
        %dma_wait3A_131 = tpu.memref_slice %arg11[%dma_wait3A_119, %dma_wait3A_129, %dma_wait3A_130] : memref<2x128x128xf32, #tpu.memory_space<vmem>> -> memref<1x128x128xf32, #tpu.memory_space<vmem>>
        %dma_wait3A_132 = tpu.memref_squeeze %dma_wait3A_131 : memref<1x128x128xf32, #tpu.memory_space<vmem>> -> memref<128x128xf32, #tpu.memory_space<vmem>>
        %dma_wait3A_133 = arith.constant 0 : i32
        %dma_wait3A_134 = arith.constant 0 : i32
        %dma_wait3A_135 = tpu.memref_slice %arg2[%dma_wait3A_133, %dma_wait3A_134] : memref<10000x128xf32, #tpu.memory_space<hbm>> -> memref<128x128xf32, #tpu.memory_space<hbm>>
        tpu.wait_dma2 semaphore(%dma_wait3A_128 : memref<!tpu.dma_semaphore, #tpu.memory_space<semaphore_mem>>) src(%dma_wait3A_135 : memref<128x128xf32, #tpu.memory_space<hbm>>) dst(%dma_wait3A_132 : memref<128x128xf32, #tpu.memory_space<vmem>>)
        %dma_start3A_136 = arith.constant 0 : i32
        %dma_start3A_137 = arith.constant 0 : i32
        %dma_start3A_138 = tpu.memref_slice %arg11[%rem3A_107, %dma_start3A_136, %dma_start3A_137] : memref<2x128x128xf32, #tpu.memory_space<vmem>> -> memref<1x128x128xf32, #tpu.memory_space<vmem>>
        %dma_start3A_139 = tpu.memref_squeeze %dma_start3A_138 : memref<1x128x128xf32, #tpu.memory_space<vmem>> -> memref<128x128xf32, #tpu.memory_space<vmem>>
        %dma_start3A_140 = arith.constant 0 : i32
        %dma_start3A_141 = tpu.memref_slice %arg10[%scan3A_106, %dma_start3A_140] : memref<40x128xi32, #tpu.memory_space<vmem>> -> memref<1x128xi32, #tpu.memory_space<vmem>>
        %dma_start3A_142 = tpu.memref_squeeze %dma_start3A_141 : memref<1x128xi32, #tpu.memory_space<vmem>> -> memref<128xi32, #tpu.memory_space<vmem>>
        %dma_start3A_143 = arith.constant 0 : i32
        %dma_start3A_144 = arith.constant 0 : i32
        %dma_start3A_145 = tpu.memref_slice %arg12[%dma_start3A_143, %dma_start3A_144] : memref<10016x128xf32, #tpu.memory_space<vmem_shared>> -> memref<10016x128xf32, #tpu.memory_space<vmem_shared>>
        %dma_start3A_146 = tpu.memref_slice %arg14[%rem3A_107] : memref<2x!tpu.dma_semaphore, #tpu.memory_space<semaphore_mem>> -> memref<1x!tpu.dma_semaphore, #tpu.memory_space<semaphore_mem>>
        %dma_start3A_147 = tpu.memref_squeeze %dma_start3A_146 : memref<1x!tpu.dma_semaphore, #tpu.memory_space<semaphore_mem>> -> memref<!tpu.dma_semaphore, #tpu.memory_space<semaphore_mem>>
        tpu.enqueue_indirect_dma source(%dma_start3A_139 : memref<128x128xf32, #tpu.memory_space<vmem>>) target(%dma_start3A_145 : memref<10016x128xf32, #tpu.memory_space<vmem_shared>>) offsets(%dma_start3A_142 : memref<128xi32, #tpu.memory_space<vmem>>) semaphore(%dma_start3A_147 : memref<!tpu.dma_semaphore, #tpu.memory_space<semaphore_mem>>) {add = true}
      }
      %scan3A_45 = arith.constant 40 : i32
      %dma_wait3A = arith.constant 0 : i32
      %dma_wait3A_46 = arith.constant 1 : i32
      %dma_wait3A_47 = arith.constant 0 : i32
      %dma_wait3A_48 = arith.constant 0 : i32
      %dma_wait3A_49 = tpu.memref_slice %arg11[%dma_wait3A, %dma_wait3A_47, %dma_wait3A_48] : memref<2x128x128xf32, #tpu.memory_space<vmem>> -> memref<1x128x128xf32, #tpu.memory_space<vmem>>
      %dma_wait3A_50 = tpu.memref_squeeze %dma_wait3A_49 : memref<1x128x128xf32, #tpu.memory_space<vmem>> -> memref<128x128xf32, #tpu.memory_space<vmem>>
      %dma_wait3A_51 = arith.constant 0 : i32
      %dma_wait3A_52 = arith.constant 0 : i32
      %dma_wait3A_53 = tpu.memref_slice %arg12[%dma_wait3A_51, %dma_wait3A_52] : memref<10016x128xf32, #tpu.memory_space<vmem_shared>> -> memref<128x128xf32, #tpu.memory_space<vmem_shared>>
      %dma_wait3A_54 = tpu.memref_slice %arg14[%dma_wait3A_46] : memref<2x!tpu.dma_semaphore, #tpu.memory_space<semaphore_mem>> -> memref<1x!tpu.dma_semaphore, #tpu.memory_space<semaphore_mem>>
      %dma_wait3A_55 = tpu.memref_squeeze %dma_wait3A_54 : memref<1x!tpu.dma_semaphore, #tpu.memory_space<semaphore_mem>> -> memref<!tpu.dma_semaphore, #tpu.memory_space<semaphore_mem>>
      %dma_wait3A_56 = arith.constant 0 : i32
      %dma_wait3A_57 = arith.constant 0 : i32
      %dma_wait3A_58 = tpu.memref_slice %arg12[%dma_wait3A_56, %dma_wait3A_57] : memref<10016x128xf32, #tpu.memory_space<vmem_shared>> -> memref<128x128xf32, #tpu.memory_space<vmem_shared>>
      %dma_wait3A_59 = arith.constant 0 : i32
      %dma_wait3A_60 = arith.constant 0 : i32
      %dma_wait3A_61 = tpu.memref_slice %arg11[%dma_wait3A, %dma_wait3A_59, %dma_wait3A_60] : memref<2x128x128xf32, #tpu.memory_space<vmem>> -> memref<1x128x128xf32, #tpu.memory_space<vmem>>
      %dma_wait3A_62 = tpu.memref_squeeze %dma_wait3A_61 : memref<1x128x128xf32, #tpu.memory_space<vmem>> -> memref<128x128xf32, #tpu.memory_space<vmem>>
      tpu.wait_dma2 semaphore(%dma_wait3A_55 : memref<!tpu.dma_semaphore, #tpu.memory_space<semaphore_mem>>) src(%dma_wait3A_62 : memref<128x128xf32, #tpu.memory_space<vmem>>) dst(%dma_wait3A_58 : memref<128x128xf32, #tpu.memory_space<vmem_shared>>)
      %mul3A_63 = arith.constant 80 : i32
      %mul3A_64 = arith.muli %arg1, %mul3A_63 : i32
      %add3A_65 = arith.constant 40 : i32
      %add3A_66 = arith.addi %mul3A_64, %add3A_65 : i32
      "tpu.region"() ({
        %run_scoped3A = tpu.sem_alloc : memref<!tpu.dma_semaphore, #tpu.memory_space<semaphore_mem>>
        %dma_start3A_106 = arith.constant 0 : i32
        %dma_start3A_107 = tpu.memref_slice %arg4[%add3A_66, %dma_start3A_106] : memref<1280x128xi32, #tpu.memory_space<hbm>> -> memref<40x128xi32, #tpu.memory_space<hbm>>
        %dma_start3A_108 = arith.constant 0 : i32
        %dma_start3A_109 = tpu.memref_slice %arg4[%add3A_66, %dma_start3A_108] : memref<1280x128xi32, #tpu.memory_space<hbm>> -> memref<40x128xi32, #tpu.memory_space<hbm>>
        tpu.enqueue_dma source(%dma_start3A_109 : memref<40x128xi32, #tpu.memory_space<hbm>>) target(%arg9 : memref<40x128xi32, #tpu.memory_space<vmem>>) target_semaphore(%run_scoped3A : memref<!tpu.dma_semaphore, #tpu.memory_space<semaphore_mem>>)
        %dma_wait3A_110 = arith.constant 0 : i32
        %dma_wait3A_111 = tpu.memref_slice %arg4[%add3A_66, %dma_wait3A_110] : memref<1280x128xi32, #tpu.memory_space<hbm>> -> memref<40x128xi32, #tpu.memory_space<hbm>>
        %dma_wait3A_112 = arith.constant 0 : i32
        %dma_wait3A_113 = tpu.memref_slice %arg4[%add3A_66, %dma_wait3A_112] : memref<1280x128xi32, #tpu.memory_space<hbm>> -> memref<40x128xi32, #tpu.memory_space<hbm>>
        tpu.wait_dma2 semaphore(%run_scoped3A : memref<!tpu.dma_semaphore, #tpu.memory_space<semaphore_mem>>) src(%dma_wait3A_113 : memref<40x128xi32, #tpu.memory_space<hbm>>) dst(%arg9 : memref<40x128xi32, #tpu.memory_space<vmem>>)
        tpu.yield
      }) : () -> ()
      "tpu.region"() ({
        %run_scoped3A = tpu.sem_alloc : memref<!tpu.dma_semaphore, #tpu.memory_space<semaphore_mem>>
        %dma_start3A_106 = arith.constant 0 : i32
        %dma_start3A_107 = tpu.memref_slice %arg5[%add3A_66, %dma_start3A_106] : memref<1280x128xi32, #tpu.memory_space<hbm>> -> memref<40x128xi32, #tpu.memory_space<hbm>>
        %dma_start3A_108 = arith.constant 0 : i32
        %dma_start3A_109 = tpu.memref_slice %arg5[%add3A_66, %dma_start3A_108] : memref<1280x128xi32, #tpu.memory_space<hbm>> -> memref<40x128xi32, #tpu.memory_space<hbm>>
        tpu.enqueue_dma source(%dma_start3A_109 : memref<40x128xi32, #tpu.memory_space<hbm>>) target(%arg10 : memref<40x128xi32, #tpu.memory_space<vmem>>) target_semaphore(%run_scoped3A : memref<!tpu.dma_semaphore, #tpu.memory_space<semaphore_mem>>)
        %dma_wait3A_110 = arith.constant 0 : i32
        %dma_wait3A_111 = tpu.memref_slice %arg5[%add3A_66, %dma_wait3A_110] : memref<1280x128xi32, #tpu.memory_space<hbm>> -> memref<40x128xi32, #tpu.memory_space<hbm>>
        %dma_wait3A_112 = arith.constant 0 : i32
        %dma_wait3A_113 = tpu.memref_slice %arg5[%add3A_66, %dma_wait3A_112] : memref<1280x128xi32, #tpu.memory_space<hbm>> -> memref<40x128xi32, #tpu.memory_space<hbm>>
        tpu.wait_dma2 semaphore(%run_scoped3A : memref<!tpu.dma_semaphore, #tpu.memory_space<semaphore_mem>>) src(%dma_wait3A_113 : memref<40x128xi32, #tpu.memory_space<hbm>>) dst(%arg10 : memref<40x128xi32, #tpu.memory_space<vmem>>)
        tpu.yield
      }) : () -> ()
      %dma_start3A_67 = arith.constant 0 : i32
      %dma_start3A_68 = arith.constant 0 : i32
      %dma_start3A_69 = arith.constant 0 : i32
      %dma_start3A_70 = arith.constant 0 : i32
      %dma_start3A_71 = arith.constant 0 : i32
      %dma_start3A_72 = tpu.memref_slice %arg11[%dma_start3A_68, %dma_start3A_70, %dma_start3A_71] : memref<2x128x128xf32, #tpu.memory_space<vmem>> -> memref<1x128x128xf32, #tpu.memory_space<vmem>>
      %dma_start3A_73 = tpu.memref_squeeze %dma_start3A_72 : memref<1x128x128xf32, #tpu.memory_space<vmem>> -> memref<128x128xf32, #tpu.memory_space<vmem>>
      %dma_start3A_74 = arith.constant 0 : i32
      %dma_start3A_75 = tpu.memref_slice %arg9[%dma_start3A_67, %dma_start3A_74] : memref<40x128xi32, #tpu.memory_space<vmem>> -> memref<1x128xi32, #tpu.memory_space<vmem>>
      %dma_start3A_76 = tpu.memref_squeeze %dma_start3A_75 : memref<1x128xi32, #tpu.memory_space<vmem>> -> memref<128xi32, #tpu.memory_space<vmem>>
      %dma_start3A_77 = arith.constant 0 : i32
      %dma_start3A_78 = arith.constant 0 : i32
      %dma_start3A_79 = tpu.memref_slice %arg2[%dma_start3A_77, %dma_start3A_78] : memref<10000x128xf32, #tpu.memory_space<hbm>> -> memref<10000x128xf32, #tpu.memory_space<hbm>>
      %dma_start3A_80 = tpu.memref_slice %arg13[%dma_start3A_69] : memref<2x!tpu.dma_semaphore, #tpu.memory_space<semaphore_mem>> -> memref<1x!tpu.dma_semaphore, #tpu.memory_space<semaphore_mem>>
      %dma_start3A_81 = tpu.memref_squeeze %dma_start3A_80 : memref<1x!tpu.dma_semaphore, #tpu.memory_space<semaphore_mem>> -> memref<!tpu.dma_semaphore, #tpu.memory_space<semaphore_mem>>
      tpu.enqueue_indirect_dma source(%dma_start3A_79 : memref<10000x128xf32, #tpu.memory_space<hbm>>) target(%dma_start3A_73 : memref<128x128xf32, #tpu.memory_space<vmem>>) offsets(%dma_start3A_76 : memref<128xi32, #tpu.memory_space<vmem>>) semaphore(%dma_start3A_81 : memref<!tpu.dma_semaphore, #tpu.memory_space<semaphore_mem>>)
      %scan3A_82 = arith.constant 0 : i32
      %scan3A_83 = arith.constant 0 : i32
      %scan3A_84 = arith.constant 40 : i32
      %scan3A_85 = arith.addi %scan3A_83, %scan3A_84 : i32
      %scan3A_86 = arith.constant 1 : i32
      scf.for %scan3A_106 = %scan3A_83 to %scan3A_85 step %scan3A_86  : i32 {
        %rem3A = arith.constant 2 : i32
        %rem3A_107 = arith.remsi %scan3A_106, %rem3A : i32
        %sub3A = arith.constant 1 : i32
        %sub3A_108 = arith.subi %sub3A, %rem3A_107 : i32
        %ge3A = arith.constant 1 : i32
        %ge3A_109 = arith.cmpi sge, %scan3A_106, %ge3A : i32
        %convert_element_type3A_110 = arith.extui %ge3A_109 : i1 to i32
        %cond3A_111 = arith.constant 0 : i32
        %cond3A_112 = arith.cmpi ne, %convert_element_type3A_110, %cond3A_111 : i32
        scf.if %cond3A_112 {
          %dma_wait3A_148 = arith.constant 0 : i32
          %dma_wait3A_149 = arith.constant 0 : i32
          %dma_wait3A_150 = arith.constant 0 : i32
          %dma_wait3A_151 = tpu.memref_slice %arg11[%dma_wait3A_148, %dma_wait3A_149, %dma_wait3A_150] : memref<2x128x128xf32, #tpu.memory_space<vmem>> -> memref<1x128x128xf32, #tpu.memory_space<vmem>>
          %dma_wait3A_152 = tpu.memref_squeeze %dma_wait3A_151 : memref<1x128x128xf32, #tpu.memory_space<vmem>> -> memref<128x128xf32, #tpu.memory_space<vmem>>
          %dma_wait3A_153 = arith.constant 0 : i32
          %dma_wait3A_154 = arith.constant 0 : i32
          %dma_wait3A_155 = tpu.memref_slice %arg12[%dma_wait3A_153, %dma_wait3A_154] : memref<10016x128xf32, #tpu.memory_space<vmem_shared>> -> memref<128x128xf32, #tpu.memory_space<vmem_shared>>
          %dma_wait3A_156 = tpu.memref_slice %arg14[%sub3A_108] : memref<2x!tpu.dma_semaphore, #tpu.memory_space<semaphore_mem>> -> memref<1x!tpu.dma_semaphore, #tpu.memory_space<semaphore_mem>>
          %dma_wait3A_157 = tpu.memref_squeeze %dma_wait3A_156 : memref<1x!tpu.dma_semaphore, #tpu.memory_space<semaphore_mem>> -> memref<!tpu.dma_semaphore, #tpu.memory_space<semaphore_mem>>
          %dma_wait3A_158 = arith.constant 0 : i32
          %dma_wait3A_159 = arith.constant 0 : i32
          %dma_wait3A_160 = tpu.memref_slice %arg12[%dma_wait3A_158, %dma_wait3A_159] : memref<10016x128xf32, #tpu.memory_space<vmem_shared>> -> memref<128x128xf32, #tpu.memory_space<vmem_shared>>
          %dma_wait3A_161 = arith.constant 0 : i32
          %dma_wait3A_162 = arith.constant 0 : i32
          %dma_wait3A_163 = tpu.memref_slice %arg11[%dma_wait3A_148, %dma_wait3A_161, %dma_wait3A_162] : memref<2x128x128xf32, #tpu.memory_space<vmem>> -> memref<1x128x128xf32, #tpu.memory_space<vmem>>
          %dma_wait3A_164 = tpu.memref_squeeze %dma_wait3A_163 : memref<1x128x128xf32, #tpu.memory_space<vmem>> -> memref<128x128xf32, #tpu.memory_space<vmem>>
          tpu.wait_dma2 semaphore(%dma_wait3A_157 : memref<!tpu.dma_semaphore, #tpu.memory_space<semaphore_mem>>) src(%dma_wait3A_164 : memref<128x128xf32, #tpu.memory_space<vmem>>) dst(%dma_wait3A_160 : memref<128x128xf32, #tpu.memory_space<vmem_shared>>)
        } else {
        }
        %add3A_113 = arith.constant 1 : i32
        %add3A_114 = arith.addi %scan3A_106, %add3A_113 : i32
        %lt3A = arith.constant 40 : i32
        %lt3A_115 = arith.cmpi slt, %add3A_114, %lt3A : i32
        %convert_element_type3A_116 = arith.extui %lt3A_115 : i1 to i32
        %cond3A_117 = arith.constant 0 : i32
        %cond3A_118 = arith.cmpi ne, %convert_element_type3A_116, %cond3A_117 : i32
        scf.if %cond3A_118 {
          %add3A_148 = arith.constant 1 : i32
          %add3A_149 = arith.addi %scan3A_106, %add3A_148 : i32
          %dma_start3A_150 = arith.constant 0 : i32
          %dma_start3A_151 = arith.constant 0 : i32
          %dma_start3A_152 = tpu.memref_slice %arg11[%sub3A_108, %dma_start3A_150, %dma_start3A_151] : memref<2x128x128xf32, #tpu.memory_space<vmem>> -> memref<1x128x128xf32, #tpu.memory_space<vmem>>
          %dma_start3A_153 = tpu.memref_squeeze %dma_start3A_152 : memref<1x128x128xf32, #tpu.memory_space<vmem>> -> memref<128x128xf32, #tpu.memory_space<vmem>>
          %dma_start3A_154 = arith.constant 0 : i32
          %dma_start3A_155 = tpu.memref_slice %arg9[%add3A_149, %dma_start3A_154] : memref<40x128xi32, #tpu.memory_space<vmem>> -> memref<1x128xi32, #tpu.memory_space<vmem>>
          %dma_start3A_156 = tpu.memref_squeeze %dma_start3A_155 : memref<1x128xi32, #tpu.memory_space<vmem>> -> memref<128xi32, #tpu.memory_space<vmem>>
          %dma_start3A_157 = arith.constant 0 : i32
          %dma_start3A_158 = arith.constant 0 : i32
          %dma_start3A_159 = tpu.memref_slice %arg2[%dma_start3A_157, %dma_start3A_158] : memref<10000x128xf32, #tpu.memory_space<hbm>> -> memref<10000x128xf32, #tpu.memory_space<hbm>>
          %dma_start3A_160 = tpu.memref_slice %arg13[%sub3A_108] : memref<2x!tpu.dma_semaphore, #tpu.memory_space<semaphore_mem>> -> memref<1x!tpu.dma_semaphore, #tpu.memory_space<semaphore_mem>>
          %dma_start3A_161 = tpu.memref_squeeze %dma_start3A_160 : memref<1x!tpu.dma_semaphore, #tpu.memory_space<semaphore_mem>> -> memref<!tpu.dma_semaphore, #tpu.memory_space<semaphore_mem>>
          tpu.enqueue_indirect_dma source(%dma_start3A_159 : memref<10000x128xf32, #tpu.memory_space<hbm>>) target(%dma_start3A_153 : memref<128x128xf32, #tpu.memory_space<vmem>>) offsets(%dma_start3A_156 : memref<128xi32, #tpu.memory_space<vmem>>) semaphore(%dma_start3A_161 : memref<!tpu.dma_semaphore, #tpu.memory_space<semaphore_mem>>)
        } else {
        }
        %dma_wait3A_119 = arith.constant 0 : i32
        %dma_wait3A_120 = arith.constant 0 : i32
        %dma_wait3A_121 = arith.constant 0 : i32
        %dma_wait3A_122 = tpu.memref_slice %arg11[%dma_wait3A_119, %dma_wait3A_120, %dma_wait3A_121] : memref<2x128x128xf32, #tpu.memory_space<vmem>> -> memref<1x128x128xf32, #tpu.memory_space<vmem>>
        %dma_wait3A_123 = tpu.memref_squeeze %dma_wait3A_122 : memref<1x128x128xf32, #tpu.memory_space<vmem>> -> memref<128x128xf32, #tpu.memory_space<vmem>>
        %dma_wait3A_124 = arith.constant 0 : i32
        %dma_wait3A_125 = arith.constant 0 : i32
        %dma_wait3A_126 = tpu.memref_slice %arg2[%dma_wait3A_124, %dma_wait3A_125] : memref<10000x128xf32, #tpu.memory_space<hbm>> -> memref<128x128xf32, #tpu.memory_space<hbm>>
        %dma_wait3A_127 = tpu.memref_slice %arg13[%rem3A_107] : memref<2x!tpu.dma_semaphore, #tpu.memory_space<semaphore_mem>> -> memref<1x!tpu.dma_semaphore, #tpu.memory_space<semaphore_mem>>
        %dma_wait3A_128 = tpu.memref_squeeze %dma_wait3A_127 : memref<1x!tpu.dma_semaphore, #tpu.memory_space<semaphore_mem>> -> memref<!tpu.dma_semaphore, #tpu.memory_space<semaphore_mem>>
        %dma_wait3A_129 = arith.constant 0 : i32
        %dma_wait3A_130 = arith.constant 0 : i32
        %dma_wait3A_131 = tpu.memref_slice %arg11[%dma_wait3A_119, %dma_wait3A_129, %dma_wait3A_130] : memref<2x128x128xf32, #tpu.memory_space<vmem>> -> memref<1x128x128xf32, #tpu.memory_space<vmem>>
        %dma_wait3A_132 = tpu.memref_squeeze %dma_wait3A_131 : memref<1x128x128xf32, #tpu.memory_space<vmem>> -> memref<128x128xf32, #tpu.memory_space<vmem>>
        %dma_wait3A_133 = arith.constant 0 : i32
        %dma_wait3A_134 = arith.constant 0 : i32
        %dma_wait3A_135 = tpu.memref_slice %arg2[%dma_wait3A_133, %dma_wait3A_134] : memref<10000x128xf32, #tpu.memory_space<hbm>> -> memref<128x128xf32, #tpu.memory_space<hbm>>
        tpu.wait_dma2 semaphore(%dma_wait3A_128 : memref<!tpu.dma_semaphore, #tpu.memory_space<semaphore_mem>>) src(%dma_wait3A_135 : memref<128x128xf32, #tpu.memory_space<hbm>>) dst(%dma_wait3A_132 : memref<128x128xf32, #tpu.memory_space<vmem>>)
        %dma_start3A_136 = arith.constant 0 : i32
        %dma_start3A_137 = arith.constant 0 : i32
        %dma_start3A_138 = tpu.memref_slice %arg11[%rem3A_107, %dma_start3A_136, %dma_start3A_137] : memref<2x128x128xf32, #tpu.memory_space<vmem>> -> memref<1x128x128xf32, #tpu.memory_space<vmem>>
        %dma_start3A_139 = tpu.memref_squeeze %dma_start3A_138 : memref<1x128x128xf32, #tpu.memory_space<vmem>> -> memref<128x128xf32, #tpu.memory_space<vmem>>
        %dma_start3A_140 = arith.constant 0 : i32
        %dma_start3A_141 = tpu.memref_slice %arg10[%scan3A_106, %dma_start3A_140] : memref<40x128xi32, #tpu.memory_space<vmem>> -> memref<1x128xi32, #tpu.memory_space<vmem>>
        %dma_start3A_142 = tpu.memref_squeeze %dma_start3A_141 : memref<1x128xi32, #tpu.memory_space<vmem>> -> memref<128xi32, #tpu.memory_space<vmem>>
        %dma_start3A_143 = arith.constant 0 : i32
        %dma_start3A_144 = arith.constant 0 : i32
        %dma_start3A_145 = tpu.memref_slice %arg12[%dma_start3A_143, %dma_start3A_144] : memref<10016x128xf32, #tpu.memory_space<vmem_shared>> -> memref<10016x128xf32, #tpu.memory_space<vmem_shared>>
        %dma_start3A_146 = tpu.memref_slice %arg14[%rem3A_107] : memref<2x!tpu.dma_semaphore, #tpu.memory_space<semaphore_mem>> -> memref<1x!tpu.dma_semaphore, #tpu.memory_space<semaphore_mem>>
        %dma_start3A_147 = tpu.memref_squeeze %dma_start3A_146 : memref<1x!tpu.dma_semaphore, #tpu.memory_space<semaphore_mem>> -> memref<!tpu.dma_semaphore, #tpu.memory_space<semaphore_mem>>
        tpu.enqueue_indirect_dma source(%dma_start3A_139 : memref<128x128xf32, #tpu.memory_space<vmem>>) target(%dma_start3A_145 : memref<10016x128xf32, #tpu.memory_space<vmem_shared>>) offsets(%dma_start3A_142 : memref<128xi32, #tpu.memory_space<vmem>>) semaphore(%dma_start3A_147 : memref<!tpu.dma_semaphore, #tpu.memory_space<semaphore_mem>>) {add = true}
      }
      %scan3A_87 = arith.constant 40 : i32
      %dma_wait3A_88 = arith.constant 0 : i32
      %dma_wait3A_89 = arith.constant 1 : i32
      %dma_wait3A_90 = arith.constant 0 : i32
      %dma_wait3A_91 = arith.constant 0 : i32
      %dma_wait3A_92 = tpu.memref_slice %arg11[%dma_wait3A_88, %dma_wait3A_90, %dma_wait3A_91] : memref<2x128x128xf32, #tpu.memory_space<vmem>> -> memref<1x128x128xf32, #tpu.memory_space<vmem>>
      %dma_wait3A_93 = tpu.memref_squeeze %dma_wait3A_92 : memref<1x128x128xf32, #tpu.memory_space<vmem>> -> memref<128x128xf32, #tpu.memory_space<vmem>>
      %dma_wait3A_94 = arith.constant 0 : i32
      %dma_wait3A_95 = arith.constant 0 : i32
      %dma_wait3A_96 = tpu.memref_slice %arg12[%dma_wait3A_94, %dma_wait3A_95] : memref<10016x128xf32, #tpu.memory_space<vmem_shared>> -> memref<128x128xf32, #tpu.memory_space<vmem_shared>>
      %dma_wait3A_97 = tpu.memref_slice %arg14[%dma_wait3A_89] : memref<2x!tpu.dma_semaphore, #tpu.memory_space<semaphore_mem>> -> memref<1x!tpu.dma_semaphore, #tpu.memory_space<semaphore_mem>>
      %dma_wait3A_98 = tpu.memref_squeeze %dma_wait3A_97 : memref<1x!tpu.dma_semaphore, #tpu.memory_space<semaphore_mem>> -> memref<!tpu.dma_semaphore, #tpu.memory_space<semaphore_mem>>
      %dma_wait3A_99 = arith.constant 0 : i32
      %dma_wait3A_100 = arith.constant 0 : i32
      %dma_wait3A_101 = tpu.memref_slice %arg12[%dma_wait3A_99, %dma_wait3A_100] : memref<10016x128xf32, #tpu.memory_space<vmem_shared>> -> memref<128x128xf32, #tpu.memory_space<vmem_shared>>
      %dma_wait3A_102 = arith.constant 0 : i32
      %dma_wait3A_103 = arith.constant 0 : i32
      %dma_wait3A_104 = tpu.memref_slice %arg11[%dma_wait3A_88, %dma_wait3A_102, %dma_wait3A_103] : memref<2x128x128xf32, #tpu.memory_space<vmem>> -> memref<1x128x128xf32, #tpu.memory_space<vmem>>
      %dma_wait3A_105 = tpu.memref_squeeze %dma_wait3A_104 : memref<1x128x128xf32, #tpu.memory_space<vmem>> -> memref<128x128xf32, #tpu.memory_space<vmem>>
      tpu.wait_dma2 semaphore(%dma_wait3A_98 : memref<!tpu.dma_semaphore, #tpu.memory_space<semaphore_mem>>) src(%dma_wait3A_105 : memref<128x128xf32, #tpu.memory_space<vmem>>) dst(%dma_wait3A_101 : memref<128x128xf32, #tpu.memory_space<vmem_shared>>)
    } else {
    }
    %eq3A_8 = arith.constant 1 : i32
    %eq3A_9 = arith.cmpi eq, %arg0, %eq3A_8 : i32
    %convert_element_type3A_10 = arith.extui %eq3A_9 : i1 to i32
    %cond3A_11 = arith.constant 0 : i32
    %cond3A_12 = arith.cmpi ne, %convert_element_type3A_10, %cond3A_11 : i32
    scf.if %cond3A_12 {
      %mul3A_24 = arith.constant 80 : i32
      %mul3A_25 = arith.muli %arg1, %mul3A_24 : i32
      %add3A = arith.constant 0 : i32
      %add3A_26 = arith.addi %mul3A_25, %add3A : i32
      "tpu.region"() ({
        %run_scoped3A = tpu.sem_alloc : memref<!tpu.dma_semaphore, #tpu.memory_space<semaphore_mem>>
        %dma_start3A_106 = arith.constant 0 : i32
        %dma_start3A_107 = tpu.memref_slice %arg4[%add3A_26, %dma_start3A_106] : memref<1280x128xi32, #tpu.memory_space<hbm>> -> memref<40x128xi32, #tpu.memory_space<hbm>>
        %dma_start3A_108 = arith.constant 0 : i32
        %dma_start3A_109 = tpu.memref_slice %arg4[%add3A_26, %dma_start3A_108] : memref<1280x128xi32, #tpu.memory_space<hbm>> -> memref<40x128xi32, #tpu.memory_space<hbm>>
        tpu.enqueue_dma source(%dma_start3A_109 : memref<40x128xi32, #tpu.memory_space<hbm>>) target(%arg9 : memref<40x128xi32, #tpu.memory_space<vmem>>) target_semaphore(%run_scoped3A : memref<!tpu.dma_semaphore, #tpu.memory_space<semaphore_mem>>)
        %dma_wait3A_110 = arith.constant 0 : i32
        %dma_wait3A_111 = tpu.memref_slice %arg4[%add3A_26, %dma_wait3A_110] : memref<1280x128xi32, #tpu.memory_space<hbm>> -> memref<40x128xi32, #tpu.memory_space<hbm>>
        %dma_wait3A_112 = arith.constant 0 : i32
        %dma_wait3A_113 = tpu.memref_slice %arg4[%add3A_26, %dma_wait3A_112] : memref<1280x128xi32, #tpu.memory_space<hbm>> -> memref<40x128xi32, #tpu.memory_space<hbm>>
        tpu.wait_dma2 semaphore(%run_scoped3A : memref<!tpu.dma_semaphore, #tpu.memory_space<semaphore_mem>>) src(%dma_wait3A_113 : memref<40x128xi32, #tpu.memory_space<hbm>>) dst(%arg9 : memref<40x128xi32, #tpu.memory_space<vmem>>)
        tpu.yield
      }) : () -> ()
      "tpu.region"() ({
        %run_scoped3A = tpu.sem_alloc : memref<!tpu.dma_semaphore, #tpu.memory_space<semaphore_mem>>
        %dma_start3A_106 = arith.constant 0 : i32
        %dma_start3A_107 = tpu.memref_slice %arg5[%add3A_26, %dma_start3A_106] : memref<1280x128xi32, #tpu.memory_space<hbm>> -> memref<40x128xi32, #tpu.memory_space<hbm>>
        %dma_start3A_108 = arith.constant 0 : i32
        %dma_start3A_109 = tpu.memref_slice %arg5[%add3A_26, %dma_start3A_108] : memref<1280x128xi32, #tpu.memory_space<hbm>> -> memref<40x128xi32, #tpu.memory_space<hbm>>
        tpu.enqueue_dma source(%dma_start3A_109 : memref<40x128xi32, #tpu.memory_space<hbm>>) target(%arg10 : memref<40x128xi32, #tpu.memory_space<vmem>>) target_semaphore(%run_scoped3A : memref<!tpu.dma_semaphore, #tpu.memory_space<semaphore_mem>>)
        %dma_wait3A_110 = arith.constant 0 : i32
        %dma_wait3A_111 = tpu.memref_slice %arg5[%add3A_26, %dma_wait3A_110] : memref<1280x128xi32, #tpu.memory_space<hbm>> -> memref<40x128xi32, #tpu.memory_space<hbm>>
        %dma_wait3A_112 = arith.constant 0 : i32
        %dma_wait3A_113 = tpu.memref_slice %arg5[%add3A_26, %dma_wait3A_112] : memref<1280x128xi32, #tpu.memory_space<hbm>> -> memref<40x128xi32, #tpu.memory_space<hbm>>
        tpu.wait_dma2 semaphore(%run_scoped3A : memref<!tpu.dma_semaphore, #tpu.memory_space<semaphore_mem>>) src(%dma_wait3A_113 : memref<40x128xi32, #tpu.memory_space<hbm>>) dst(%arg10 : memref<40x128xi32, #tpu.memory_space<vmem>>)
        tpu.yield
      }) : () -> ()
      %dma_start3A = arith.constant 0 : i32
      %dma_start3A_27 = arith.constant 0 : i32
      %dma_start3A_28 = arith.constant 0 : i32
      %dma_start3A_29 = arith.constant 0 : i32
      %dma_start3A_30 = arith.constant 0 : i32
      %dma_start3A_31 = tpu.memref_slice %arg11[%dma_start3A_27, %dma_start3A_29, %dma_start3A_30] : memref<2x128x128xf32, #tpu.memory_space<vmem>> -> memref<1x128x128xf32, #tpu.memory_space<vmem>>
      %dma_start3A_32 = tpu.memref_squeeze %dma_start3A_31 : memref<1x128x128xf32, #tpu.memory_space<vmem>> -> memref<128x128xf32, #tpu.memory_space<vmem>>
      %dma_start3A_33 = arith.constant 0 : i32
      %dma_start3A_34 = tpu.memref_slice %arg9[%dma_start3A, %dma_start3A_33] : memref<40x128xi32, #tpu.memory_space<vmem>> -> memref<1x128xi32, #tpu.memory_space<vmem>>
      %dma_start3A_35 = tpu.memref_squeeze %dma_start3A_34 : memref<1x128xi32, #tpu.memory_space<vmem>> -> memref<128xi32, #tpu.memory_space<vmem>>
      %dma_start3A_36 = arith.constant 0 : i32
      %dma_start3A_37 = arith.constant 0 : i32
      %dma_start3A_38 = tpu.memref_slice %arg3[%dma_start3A_36, %dma_start3A_37] : memref<10000x128xf32, #tpu.memory_space<hbm>> -> memref<10000x128xf32, #tpu.memory_space<hbm>>
      %dma_start3A_39 = tpu.memref_slice %arg13[%dma_start3A_28] : memref<2x!tpu.dma_semaphore, #tpu.memory_space<semaphore_mem>> -> memref<1x!tpu.dma_semaphore, #tpu.memory_space<semaphore_mem>>
      %dma_start3A_40 = tpu.memref_squeeze %dma_start3A_39 : memref<1x!tpu.dma_semaphore, #tpu.memory_space<semaphore_mem>> -> memref<!tpu.dma_semaphore, #tpu.memory_space<semaphore_mem>>
      tpu.enqueue_indirect_dma source(%dma_start3A_38 : memref<10000x128xf32, #tpu.memory_space<hbm>>) target(%dma_start3A_32 : memref<128x128xf32, #tpu.memory_space<vmem>>) offsets(%dma_start3A_35 : memref<128xi32, #tpu.memory_space<vmem>>) semaphore(%dma_start3A_40 : memref<!tpu.dma_semaphore, #tpu.memory_space<semaphore_mem>>)
      %scan3A = arith.constant 0 : i32
      %scan3A_41 = arith.constant 0 : i32
      %scan3A_42 = arith.constant 40 : i32
      %scan3A_43 = arith.addi %scan3A_41, %scan3A_42 : i32
      %scan3A_44 = arith.constant 1 : i32
      scf.for %scan3A_106 = %scan3A_41 to %scan3A_43 step %scan3A_44  : i32 {
        %rem3A = arith.constant 2 : i32
        %rem3A_107 = arith.remsi %scan3A_106, %rem3A : i32
        %sub3A = arith.constant 1 : i32
        %sub3A_108 = arith.subi %sub3A, %rem3A_107 : i32
        %ge3A = arith.constant 1 : i32
        %ge3A_109 = arith.cmpi sge, %scan3A_106, %ge3A : i32
        %convert_element_type3A_110 = arith.extui %ge3A_109 : i1 to i32
        %cond3A_111 = arith.constant 0 : i32
        %cond3A_112 = arith.cmpi ne, %convert_element_type3A_110, %cond3A_111 : i32
        scf.if %cond3A_112 {
          %dma_wait3A_148 = arith.constant 0 : i32
          %dma_wait3A_149 = arith.constant 0 : i32
          %dma_wait3A_150 = arith.constant 0 : i32
          %dma_wait3A_151 = tpu.memref_slice %arg11[%dma_wait3A_148, %dma_wait3A_149, %dma_wait3A_150] : memref<2x128x128xf32, #tpu.memory_space<vmem>> -> memref<1x128x128xf32, #tpu.memory_space<vmem>>
          %dma_wait3A_152 = tpu.memref_squeeze %dma_wait3A_151 : memref<1x128x128xf32, #tpu.memory_space<vmem>> -> memref<128x128xf32, #tpu.memory_space<vmem>>
          %dma_wait3A_153 = arith.constant 0 : i32
          %dma_wait3A_154 = arith.constant 0 : i32
          %dma_wait3A_155 = tpu.memref_slice %arg12[%dma_wait3A_153, %dma_wait3A_154] : memref<10016x128xf32, #tpu.memory_space<vmem_shared>> -> memref<128x128xf32, #tpu.memory_space<vmem_shared>>
          %dma_wait3A_156 = tpu.memref_slice %arg14[%sub3A_108] : memref<2x!tpu.dma_semaphore, #tpu.memory_space<semaphore_mem>> -> memref<1x!tpu.dma_semaphore, #tpu.memory_space<semaphore_mem>>
          %dma_wait3A_157 = tpu.memref_squeeze %dma_wait3A_156 : memref<1x!tpu.dma_semaphore, #tpu.memory_space<semaphore_mem>> -> memref<!tpu.dma_semaphore, #tpu.memory_space<semaphore_mem>>
          %dma_wait3A_158 = arith.constant 0 : i32
          %dma_wait3A_159 = arith.constant 0 : i32
          %dma_wait3A_160 = tpu.memref_slice %arg12[%dma_wait3A_158, %dma_wait3A_159] : memref<10016x128xf32, #tpu.memory_space<vmem_shared>> -> memref<128x128xf32, #tpu.memory_space<vmem_shared>>
          %dma_wait3A_161 = arith.constant 0 : i32
          %dma_wait3A_162 = arith.constant 0 : i32
          %dma_wait3A_163 = tpu.memref_slice %arg11[%dma_wait3A_148, %dma_wait3A_161, %dma_wait3A_162] : memref<2x128x128xf32, #tpu.memory_space<vmem>> -> memref<1x128x128xf32, #tpu.memory_space<vmem>>
          %dma_wait3A_164 = tpu.memref_squeeze %dma_wait3A_163 : memref<1x128x128xf32, #tpu.memory_space<vmem>> -> memref<128x128xf32, #tpu.memory_space<vmem>>
          tpu.wait_dma2 semaphore(%dma_wait3A_157 : memref<!tpu.dma_semaphore, #tpu.memory_space<semaphore_mem>>) src(%dma_wait3A_164 : memref<128x128xf32, #tpu.memory_space<vmem>>) dst(%dma_wait3A_160 : memref<128x128xf32, #tpu.memory_space<vmem_shared>>)
        } else {
        }
        %add3A_113 = arith.constant 1 : i32
        %add3A_114 = arith.addi %scan3A_106, %add3A_113 : i32
        %lt3A = arith.constant 40 : i32
        %lt3A_115 = arith.cmpi slt, %add3A_114, %lt3A : i32
        %convert_element_type3A_116 = arith.extui %lt3A_115 : i1 to i32
        %cond3A_117 = arith.constant 0 : i32
        %cond3A_118 = arith.cmpi ne, %convert_element_type3A_116, %cond3A_117 : i32
        scf.if %cond3A_118 {
          %add3A_148 = arith.constant 1 : i32
          %add3A_149 = arith.addi %scan3A_106, %add3A_148 : i32
          %dma_start3A_150 = arith.constant 0 : i32
          %dma_start3A_151 = arith.constant 0 : i32
          %dma_start3A_152 = tpu.memref_slice %arg11[%sub3A_108, %dma_start3A_150, %dma_start3A_151] : memref<2x128x128xf32, #tpu.memory_space<vmem>> -> memref<1x128x128xf32, #tpu.memory_space<vmem>>
          %dma_start3A_153 = tpu.memref_squeeze %dma_start3A_152 : memref<1x128x128xf32, #tpu.memory_space<vmem>> -> memref<128x128xf32, #tpu.memory_space<vmem>>
          %dma_start3A_154 = arith.constant 0 : i32
          %dma_start3A_155 = tpu.memref_slice %arg9[%add3A_149, %dma_start3A_154] : memref<40x128xi32, #tpu.memory_space<vmem>> -> memref<1x128xi32, #tpu.memory_space<vmem>>
          %dma_start3A_156 = tpu.memref_squeeze %dma_start3A_155 : memref<1x128xi32, #tpu.memory_space<vmem>> -> memref<128xi32, #tpu.memory_space<vmem>>
          %dma_start3A_157 = arith.constant 0 : i32
          %dma_start3A_158 = arith.constant 0 : i32
          %dma_start3A_159 = tpu.memref_slice %arg3[%dma_start3A_157, %dma_start3A_158] : memref<10000x128xf32, #tpu.memory_space<hbm>> -> memref<10000x128xf32, #tpu.memory_space<hbm>>
          %dma_start3A_160 = tpu.memref_slice %arg13[%sub3A_108] : memref<2x!tpu.dma_semaphore, #tpu.memory_space<semaphore_mem>> -> memref<1x!tpu.dma_semaphore, #tpu.memory_space<semaphore_mem>>
          %dma_start3A_161 = tpu.memref_squeeze %dma_start3A_160 : memref<1x!tpu.dma_semaphore, #tpu.memory_space<semaphore_mem>> -> memref<!tpu.dma_semaphore, #tpu.memory_space<semaphore_mem>>
          tpu.enqueue_indirect_dma source(%dma_start3A_159 : memref<10000x128xf32, #tpu.memory_space<hbm>>) target(%dma_start3A_153 : memref<128x128xf32, #tpu.memory_space<vmem>>) offsets(%dma_start3A_156 : memref<128xi32, #tpu.memory_space<vmem>>) semaphore(%dma_start3A_161 : memref<!tpu.dma_semaphore, #tpu.memory_space<semaphore_mem>>)
        } else {
        }
        %dma_wait3A_119 = arith.constant 0 : i32
        %dma_wait3A_120 = arith.constant 0 : i32
        %dma_wait3A_121 = arith.constant 0 : i32
        %dma_wait3A_122 = tpu.memref_slice %arg11[%dma_wait3A_119, %dma_wait3A_120, %dma_wait3A_121] : memref<2x128x128xf32, #tpu.memory_space<vmem>> -> memref<1x128x128xf32, #tpu.memory_space<vmem>>
        %dma_wait3A_123 = tpu.memref_squeeze %dma_wait3A_122 : memref<1x128x128xf32, #tpu.memory_space<vmem>> -> memref<128x128xf32, #tpu.memory_space<vmem>>
        %dma_wait3A_124 = arith.constant 0 : i32
        %dma_wait3A_125 = arith.constant 0 : i32
        %dma_wait3A_126 = tpu.memref_slice %arg3[%dma_wait3A_124, %dma_wait3A_125] : memref<10000x128xf32, #tpu.memory_space<hbm>> -> memref<128x128xf32, #tpu.memory_space<hbm>>
        %dma_wait3A_127 = tpu.memref_slice %arg13[%rem3A_107] : memref<2x!tpu.dma_semaphore, #tpu.memory_space<semaphore_mem>> -> memref<1x!tpu.dma_semaphore, #tpu.memory_space<semaphore_mem>>
        %dma_wait3A_128 = tpu.memref_squeeze %dma_wait3A_127 : memref<1x!tpu.dma_semaphore, #tpu.memory_space<semaphore_mem>> -> memref<!tpu.dma_semaphore, #tpu.memory_space<semaphore_mem>>
        %dma_wait3A_129 = arith.constant 0 : i32
        %dma_wait3A_130 = arith.constant 0 : i32
        %dma_wait3A_131 = tpu.memref_slice %arg11[%dma_wait3A_119, %dma_wait3A_129, %dma_wait3A_130] : memref<2x128x128xf32, #tpu.memory_space<vmem>> -> memref<1x128x128xf32, #tpu.memory_space<vmem>>
        %dma_wait3A_132 = tpu.memref_squeeze %dma_wait3A_131 : memref<1x128x128xf32, #tpu.memory_space<vmem>> -> memref<128x128xf32, #tpu.memory_space<vmem>>
        %dma_wait3A_133 = arith.constant 0 : i32
        %dma_wait3A_134 = arith.constant 0 : i32
        %dma_wait3A_135 = tpu.memref_slice %arg3[%dma_wait3A_133, %dma_wait3A_134] : memref<10000x128xf32, #tpu.memory_space<hbm>> -> memref<128x128xf32, #tpu.memory_space<hbm>>
        tpu.wait_dma2 semaphore(%dma_wait3A_128 : memref<!tpu.dma_semaphore, #tpu.memory_space<semaphore_mem>>) src(%dma_wait3A_135 : memref<128x128xf32, #tpu.memory_space<hbm>>) dst(%dma_wait3A_132 : memref<128x128xf32, #tpu.memory_space<vmem>>)
        %dma_start3A_136 = arith.constant 0 : i32
        %dma_start3A_137 = arith.constant 0 : i32
        %dma_start3A_138 = tpu.memref_slice %arg11[%rem3A_107, %dma_start3A_136, %dma_start3A_137] : memref<2x128x128xf32, #tpu.memory_space<vmem>> -> memref<1x128x128xf32, #tpu.memory_space<vmem>>
        %dma_start3A_139 = tpu.memref_squeeze %dma_start3A_138 : memref<1x128x128xf32, #tpu.memory_space<vmem>> -> memref<128x128xf32, #tpu.memory_space<vmem>>
        %dma_start3A_140 = arith.constant 0 : i32
        %dma_start3A_141 = tpu.memref_slice %arg10[%scan3A_106, %dma_start3A_140] : memref<40x128xi32, #tpu.memory_space<vmem>> -> memref<1x128xi32, #tpu.memory_space<vmem>>
        %dma_start3A_142 = tpu.memref_squeeze %dma_start3A_141 : memref<1x128xi32, #tpu.memory_space<vmem>> -> memref<128xi32, #tpu.memory_space<vmem>>
        %dma_start3A_143 = arith.constant 0 : i32
        %dma_start3A_144 = arith.constant 0 : i32
        %dma_start3A_145 = tpu.memref_slice %arg12[%dma_start3A_143, %dma_start3A_144] : memref<10016x128xf32, #tpu.memory_space<vmem_shared>> -> memref<10016x128xf32, #tpu.memory_space<vmem_shared>>
        %dma_start3A_146 = tpu.memref_slice %arg14[%rem3A_107] : memref<2x!tpu.dma_semaphore, #tpu.memory_space<semaphore_mem>> -> memref<1x!tpu.dma_semaphore, #tpu.memory_space<semaphore_mem>>
        %dma_start3A_147 = tpu.memref_squeeze %dma_start3A_146 : memref<1x!tpu.dma_semaphore, #tpu.memory_space<semaphore_mem>> -> memref<!tpu.dma_semaphore, #tpu.memory_space<semaphore_mem>>
        tpu.enqueue_indirect_dma source(%dma_start3A_139 : memref<128x128xf32, #tpu.memory_space<vmem>>) target(%dma_start3A_145 : memref<10016x128xf32, #tpu.memory_space<vmem_shared>>) offsets(%dma_start3A_142 : memref<128xi32, #tpu.memory_space<vmem>>) semaphore(%dma_start3A_147 : memref<!tpu.dma_semaphore, #tpu.memory_space<semaphore_mem>>) {add = true}
      }
      %scan3A_45 = arith.constant 40 : i32
      %dma_wait3A = arith.constant 0 : i32
      %dma_wait3A_46 = arith.constant 1 : i32
      %dma_wait3A_47 = arith.constant 0 : i32
      %dma_wait3A_48 = arith.constant 0 : i32
      %dma_wait3A_49 = tpu.memref_slice %arg11[%dma_wait3A, %dma_wait3A_47, %dma_wait3A_48] : memref<2x128x128xf32, #tpu.memory_space<vmem>> -> memref<1x128x128xf32, #tpu.memory_space<vmem>>
      %dma_wait3A_50 = tpu.memref_squeeze %dma_wait3A_49 : memref<1x128x128xf32, #tpu.memory_space<vmem>> -> memref<128x128xf32, #tpu.memory_space<vmem>>
      %dma_wait3A_51 = arith.constant 0 : i32
      %dma_wait3A_52 = arith.constant 0 : i32
      %dma_wait3A_53 = tpu.memref_slice %arg12[%dma_wait3A_51, %dma_wait3A_52] : memref<10016x128xf32, #tpu.memory_space<vmem_shared>> -> memref<128x128xf32, #tpu.memory_space<vmem_shared>>
      %dma_wait3A_54 = tpu.memref_slice %arg14[%dma_wait3A_46] : memref<2x!tpu.dma_semaphore, #tpu.memory_space<semaphore_mem>> -> memref<1x!tpu.dma_semaphore, #tpu.memory_space<semaphore_mem>>
      %dma_wait3A_55 = tpu.memref_squeeze %dma_wait3A_54 : memref<1x!tpu.dma_semaphore, #tpu.memory_space<semaphore_mem>> -> memref<!tpu.dma_semaphore, #tpu.memory_space<semaphore_mem>>
      %dma_wait3A_56 = arith.constant 0 : i32
      %dma_wait3A_57 = arith.constant 0 : i32
      %dma_wait3A_58 = tpu.memref_slice %arg12[%dma_wait3A_56, %dma_wait3A_57] : memref<10016x128xf32, #tpu.memory_space<vmem_shared>> -> memref<128x128xf32, #tpu.memory_space<vmem_shared>>
      %dma_wait3A_59 = arith.constant 0 : i32
      %dma_wait3A_60 = arith.constant 0 : i32
      %dma_wait3A_61 = tpu.memref_slice %arg11[%dma_wait3A, %dma_wait3A_59, %dma_wait3A_60] : memref<2x128x128xf32, #tpu.memory_space<vmem>> -> memref<1x128x128xf32, #tpu.memory_space<vmem>>
      %dma_wait3A_62 = tpu.memref_squeeze %dma_wait3A_61 : memref<1x128x128xf32, #tpu.memory_space<vmem>> -> memref<128x128xf32, #tpu.memory_space<vmem>>
      tpu.wait_dma2 semaphore(%dma_wait3A_55 : memref<!tpu.dma_semaphore, #tpu.memory_space<semaphore_mem>>) src(%dma_wait3A_62 : memref<128x128xf32, #tpu.memory_space<vmem>>) dst(%dma_wait3A_58 : memref<128x128xf32, #tpu.memory_space<vmem_shared>>)
      %mul3A_63 = arith.constant 80 : i32
      %mul3A_64 = arith.muli %arg1, %mul3A_63 : i32
      %add3A_65 = arith.constant 40 : i32
      %add3A_66 = arith.addi %mul3A_64, %add3A_65 : i32
      "tpu.region"() ({
        %run_scoped3A = tpu.sem_alloc : memref<!tpu.dma_semaphore, #tpu.memory_space<semaphore_mem>>
        %dma_start3A_106 = arith.constant 0 : i32
        %dma_start3A_107 = tpu.memref_slice %arg4[%add3A_66, %dma_start3A_106] : memref<1280x128xi32, #tpu.memory_space<hbm>> -> memref<40x128xi32, #tpu.memory_space<hbm>>
        %dma_start3A_108 = arith.constant 0 : i32
        %dma_start3A_109 = tpu.memref_slice %arg4[%add3A_66, %dma_start3A_108] : memref<1280x128xi32, #tpu.memory_space<hbm>> -> memref<40x128xi32, #tpu.memory_space<hbm>>
        tpu.enqueue_dma source(%dma_start3A_109 : memref<40x128xi32, #tpu.memory_space<hbm>>) target(%arg9 : memref<40x128xi32, #tpu.memory_space<vmem>>) target_semaphore(%run_scoped3A : memref<!tpu.dma_semaphore, #tpu.memory_space<semaphore_mem>>)
        %dma_wait3A_110 = arith.constant 0 : i32
        %dma_wait3A_111 = tpu.memref_slice %arg4[%add3A_66, %dma_wait3A_110] : memref<1280x128xi32, #tpu.memory_space<hbm>> -> memref<40x128xi32, #tpu.memory_space<hbm>>
        %dma_wait3A_112 = arith.constant 0 : i32
        %dma_wait3A_113 = tpu.memref_slice %arg4[%add3A_66, %dma_wait3A_112] : memref<1280x128xi32, #tpu.memory_space<hbm>> -> memref<40x128xi32, #tpu.memory_space<hbm>>
        tpu.wait_dma2 semaphore(%run_scoped3A : memref<!tpu.dma_semaphore, #tpu.memory_space<semaphore_mem>>) src(%dma_wait3A_113 : memref<40x128xi32, #tpu.memory_space<hbm>>) dst(%arg9 : memref<40x128xi32, #tpu.memory_space<vmem>>)
        tpu.yield
      }) : () -> ()
      "tpu.region"() ({
        %run_scoped3A = tpu.sem_alloc : memref<!tpu.dma_semaphore, #tpu.memory_space<semaphore_mem>>
        %dma_start3A_106 = arith.constant 0 : i32
        %dma_start3A_107 = tpu.memref_slice %arg5[%add3A_66, %dma_start3A_106] : memref<1280x128xi32, #tpu.memory_space<hbm>> -> memref<40x128xi32, #tpu.memory_space<hbm>>
        %dma_start3A_108 = arith.constant 0 : i32
        %dma_start3A_109 = tpu.memref_slice %arg5[%add3A_66, %dma_start3A_108] : memref<1280x128xi32, #tpu.memory_space<hbm>> -> memref<40x128xi32, #tpu.memory_space<hbm>>
        tpu.enqueue_dma source(%dma_start3A_109 : memref<40x128xi32, #tpu.memory_space<hbm>>) target(%arg10 : memref<40x128xi32, #tpu.memory_space<vmem>>) target_semaphore(%run_scoped3A : memref<!tpu.dma_semaphore, #tpu.memory_space<semaphore_mem>>)
        %dma_wait3A_110 = arith.constant 0 : i32
        %dma_wait3A_111 = tpu.memref_slice %arg5[%add3A_66, %dma_wait3A_110] : memref<1280x128xi32, #tpu.memory_space<hbm>> -> memref<40x128xi32, #tpu.memory_space<hbm>>
        %dma_wait3A_112 = arith.constant 0 : i32
        %dma_wait3A_113 = tpu.memref_slice %arg5[%add3A_66, %dma_wait3A_112] : memref<1280x128xi32, #tpu.memory_space<hbm>> -> memref<40x128xi32, #tpu.memory_space<hbm>>
        tpu.wait_dma2 semaphore(%run_scoped3A : memref<!tpu.dma_semaphore, #tpu.memory_space<semaphore_mem>>) src(%dma_wait3A_113 : memref<40x128xi32, #tpu.memory_space<hbm>>) dst(%arg10 : memref<40x128xi32, #tpu.memory_space<vmem>>)
        tpu.yield
      }) : () -> ()
      %dma_start3A_67 = arith.constant 0 : i32
      %dma_start3A_68 = arith.constant 0 : i32
      %dma_start3A_69 = arith.constant 0 : i32
      %dma_start3A_70 = arith.constant 0 : i32
      %dma_start3A_71 = arith.constant 0 : i32
      %dma_start3A_72 = tpu.memref_slice %arg11[%dma_start3A_68, %dma_start3A_70, %dma_start3A_71] : memref<2x128x128xf32, #tpu.memory_space<vmem>> -> memref<1x128x128xf32, #tpu.memory_space<vmem>>
      %dma_start3A_73 = tpu.memref_squeeze %dma_start3A_72 : memref<1x128x128xf32, #tpu.memory_space<vmem>> -> memref<128x128xf32, #tpu.memory_space<vmem>>
      %dma_start3A_74 = arith.constant 0 : i32
      %dma_start3A_75 = tpu.memref_slice %arg9[%dma_start3A_67, %dma_start3A_74] : memref<40x128xi32, #tpu.memory_space<vmem>> -> memref<1x128xi32, #tpu.memory_space<vmem>>
      %dma_start3A_76 = tpu.memref_squeeze %dma_start3A_75 : memref<1x128xi32, #tpu.memory_space<vmem>> -> memref<128xi32, #tpu.memory_space<vmem>>
      %dma_start3A_77 = arith.constant 0 : i32
      %dma_start3A_78 = arith.constant 0 : i32
      %dma_start3A_79 = tpu.memref_slice %arg3[%dma_start3A_77, %dma_start3A_78] : memref<10000x128xf32, #tpu.memory_space<hbm>> -> memref<10000x128xf32, #tpu.memory_space<hbm>>
      %dma_start3A_80 = tpu.memref_slice %arg13[%dma_start3A_69] : memref<2x!tpu.dma_semaphore, #tpu.memory_space<semaphore_mem>> -> memref<1x!tpu.dma_semaphore, #tpu.memory_space<semaphore_mem>>
      %dma_start3A_81 = tpu.memref_squeeze %dma_start3A_80 : memref<1x!tpu.dma_semaphore, #tpu.memory_space<semaphore_mem>> -> memref<!tpu.dma_semaphore, #tpu.memory_space<semaphore_mem>>
      tpu.enqueue_indirect_dma source(%dma_start3A_79 : memref<10000x128xf32, #tpu.memory_space<hbm>>) target(%dma_start3A_73 : memref<128x128xf32, #tpu.memory_space<vmem>>) offsets(%dma_start3A_76 : memref<128xi32, #tpu.memory_space<vmem>>) semaphore(%dma_start3A_81 : memref<!tpu.dma_semaphore, #tpu.memory_space<semaphore_mem>>)
      %scan3A_82 = arith.constant 0 : i32
      %scan3A_83 = arith.constant 0 : i32
      %scan3A_84 = arith.constant 40 : i32
      %scan3A_85 = arith.addi %scan3A_83, %scan3A_84 : i32
      %scan3A_86 = arith.constant 1 : i32
      scf.for %scan3A_106 = %scan3A_83 to %scan3A_85 step %scan3A_86  : i32 {
        %rem3A = arith.constant 2 : i32
        %rem3A_107 = arith.remsi %scan3A_106, %rem3A : i32
        %sub3A = arith.constant 1 : i32
        %sub3A_108 = arith.subi %sub3A, %rem3A_107 : i32
        %ge3A = arith.constant 1 : i32
        %ge3A_109 = arith.cmpi sge, %scan3A_106, %ge3A : i32
        %convert_element_type3A_110 = arith.extui %ge3A_109 : i1 to i32
        %cond3A_111 = arith.constant 0 : i32
        %cond3A_112 = arith.cmpi ne, %convert_element_type3A_110, %cond3A_111 : i32
        scf.if %cond3A_112 {
          %dma_wait3A_148 = arith.constant 0 : i32
          %dma_wait3A_149 = arith.constant 0 : i32
          %dma_wait3A_150 = arith.constant 0 : i32
          %dma_wait3A_151 = tpu.memref_slice %arg11[%dma_wait3A_148, %dma_wait3A_149, %dma_wait3A_150] : memref<2x128x128xf32, #tpu.memory_space<vmem>> -> memref<1x128x128xf32, #tpu.memory_space<vmem>>
          %dma_wait3A_152 = tpu.memref_squeeze %dma_wait3A_151 : memref<1x128x128xf32, #tpu.memory_space<vmem>> -> memref<128x128xf32, #tpu.memory_space<vmem>>
          %dma_wait3A_153 = arith.constant 0 : i32
          %dma_wait3A_154 = arith.constant 0 : i32
          %dma_wait3A_155 = tpu.memref_slice %arg12[%dma_wait3A_153, %dma_wait3A_154] : memref<10016x128xf32, #tpu.memory_space<vmem_shared>> -> memref<128x128xf32, #tpu.memory_space<vmem_shared>>
          %dma_wait3A_156 = tpu.memref_slice %arg14[%sub3A_108] : memref<2x!tpu.dma_semaphore, #tpu.memory_space<semaphore_mem>> -> memref<1x!tpu.dma_semaphore, #tpu.memory_space<semaphore_mem>>
          %dma_wait3A_157 = tpu.memref_squeeze %dma_wait3A_156 : memref<1x!tpu.dma_semaphore, #tpu.memory_space<semaphore_mem>> -> memref<!tpu.dma_semaphore, #tpu.memory_space<semaphore_mem>>
          %dma_wait3A_158 = arith.constant 0 : i32
          %dma_wait3A_159 = arith.constant 0 : i32
          %dma_wait3A_160 = tpu.memref_slice %arg12[%dma_wait3A_158, %dma_wait3A_159] : memref<10016x128xf32, #tpu.memory_space<vmem_shared>> -> memref<128x128xf32, #tpu.memory_space<vmem_shared>>
          %dma_wait3A_161 = arith.constant 0 : i32
          %dma_wait3A_162 = arith.constant 0 : i32
          %dma_wait3A_163 = tpu.memref_slice %arg11[%dma_wait3A_148, %dma_wait3A_161, %dma_wait3A_162] : memref<2x128x128xf32, #tpu.memory_space<vmem>> -> memref<1x128x128xf32, #tpu.memory_space<vmem>>
          %dma_wait3A_164 = tpu.memref_squeeze %dma_wait3A_163 : memref<1x128x128xf32, #tpu.memory_space<vmem>> -> memref<128x128xf32, #tpu.memory_space<vmem>>
          tpu.wait_dma2 semaphore(%dma_wait3A_157 : memref<!tpu.dma_semaphore, #tpu.memory_space<semaphore_mem>>) src(%dma_wait3A_164 : memref<128x128xf32, #tpu.memory_space<vmem>>) dst(%dma_wait3A_160 : memref<128x128xf32, #tpu.memory_space<vmem_shared>>)
        } else {
        }
        %add3A_113 = arith.constant 1 : i32
        %add3A_114 = arith.addi %scan3A_106, %add3A_113 : i32
        %lt3A = arith.constant 40 : i32
        %lt3A_115 = arith.cmpi slt, %add3A_114, %lt3A : i32
        %convert_element_type3A_116 = arith.extui %lt3A_115 : i1 to i32
        %cond3A_117 = arith.constant 0 : i32
        %cond3A_118 = arith.cmpi ne, %convert_element_type3A_116, %cond3A_117 : i32
        scf.if %cond3A_118 {
          %add3A_148 = arith.constant 1 : i32
          %add3A_149 = arith.addi %scan3A_106, %add3A_148 : i32
          %dma_start3A_150 = arith.constant 0 : i32
          %dma_start3A_151 = arith.constant 0 : i32
          %dma_start3A_152 = tpu.memref_slice %arg11[%sub3A_108, %dma_start3A_150, %dma_start3A_151] : memref<2x128x128xf32, #tpu.memory_space<vmem>> -> memref<1x128x128xf32, #tpu.memory_space<vmem>>
          %dma_start3A_153 = tpu.memref_squeeze %dma_start3A_152 : memref<1x128x128xf32, #tpu.memory_space<vmem>> -> memref<128x128xf32, #tpu.memory_space<vmem>>
          %dma_start3A_154 = arith.constant 0 : i32
          %dma_start3A_155 = tpu.memref_slice %arg9[%add3A_149, %dma_start3A_154] : memref<40x128xi32, #tpu.memory_space<vmem>> -> memref<1x128xi32, #tpu.memory_space<vmem>>
          %dma_start3A_156 = tpu.memref_squeeze %dma_start3A_155 : memref<1x128xi32, #tpu.memory_space<vmem>> -> memref<128xi32, #tpu.memory_space<vmem>>
          %dma_start3A_157 = arith.constant 0 : i32
          %dma_start3A_158 = arith.constant 0 : i32
          %dma_start3A_159 = tpu.memref_slice %arg3[%dma_start3A_157, %dma_start3A_158] : memref<10000x128xf32, #tpu.memory_space<hbm>> -> memref<10000x128xf32, #tpu.memory_space<hbm>>
          %dma_start3A_160 = tpu.memref_slice %arg13[%sub3A_108] : memref<2x!tpu.dma_semaphore, #tpu.memory_space<semaphore_mem>> -> memref<1x!tpu.dma_semaphore, #tpu.memory_space<semaphore_mem>>
          %dma_start3A_161 = tpu.memref_squeeze %dma_start3A_160 : memref<1x!tpu.dma_semaphore, #tpu.memory_space<semaphore_mem>> -> memref<!tpu.dma_semaphore, #tpu.memory_space<semaphore_mem>>
          tpu.enqueue_indirect_dma source(%dma_start3A_159 : memref<10000x128xf32, #tpu.memory_space<hbm>>) target(%dma_start3A_153 : memref<128x128xf32, #tpu.memory_space<vmem>>) offsets(%dma_start3A_156 : memref<128xi32, #tpu.memory_space<vmem>>) semaphore(%dma_start3A_161 : memref<!tpu.dma_semaphore, #tpu.memory_space<semaphore_mem>>)
        } else {
        }
        %dma_wait3A_119 = arith.constant 0 : i32
        %dma_wait3A_120 = arith.constant 0 : i32
        %dma_wait3A_121 = arith.constant 0 : i32
        %dma_wait3A_122 = tpu.memref_slice %arg11[%dma_wait3A_119, %dma_wait3A_120, %dma_wait3A_121] : memref<2x128x128xf32, #tpu.memory_space<vmem>> -> memref<1x128x128xf32, #tpu.memory_space<vmem>>
        %dma_wait3A_123 = tpu.memref_squeeze %dma_wait3A_122 : memref<1x128x128xf32, #tpu.memory_space<vmem>> -> memref<128x128xf32, #tpu.memory_space<vmem>>
        %dma_wait3A_124 = arith.constant 0 : i32
        %dma_wait3A_125 = arith.constant 0 : i32
        %dma_wait3A_126 = tpu.memref_slice %arg3[%dma_wait3A_124, %dma_wait3A_125] : memref<10000x128xf32, #tpu.memory_space<hbm>> -> memref<128x128xf32, #tpu.memory_space<hbm>>
        %dma_wait3A_127 = tpu.memref_slice %arg13[%rem3A_107] : memref<2x!tpu.dma_semaphore, #tpu.memory_space<semaphore_mem>> -> memref<1x!tpu.dma_semaphore, #tpu.memory_space<semaphore_mem>>
        %dma_wait3A_128 = tpu.memref_squeeze %dma_wait3A_127 : memref<1x!tpu.dma_semaphore, #tpu.memory_space<semaphore_mem>> -> memref<!tpu.dma_semaphore, #tpu.memory_space<semaphore_mem>>
        %dma_wait3A_129 = arith.constant 0 : i32
        %dma_wait3A_130 = arith.constant 0 : i32
        %dma_wait3A_131 = tpu.memref_slice %arg11[%dma_wait3A_119, %dma_wait3A_129, %dma_wait3A_130] : memref<2x128x128xf32, #tpu.memory_space<vmem>> -> memref<1x128x128xf32, #tpu.memory_space<vmem>>
        %dma_wait3A_132 = tpu.memref_squeeze %dma_wait3A_131 : memref<1x128x128xf32, #tpu.memory_space<vmem>> -> memref<128x128xf32, #tpu.memory_space<vmem>>
        %dma_wait3A_133 = arith.constant 0 : i32
        %dma_wait3A_134 = arith.constant 0 : i32
        %dma_wait3A_135 = tpu.memref_slice %arg3[%dma_wait3A_133, %dma_wait3A_134] : memref<10000x128xf32, #tpu.memory_space<hbm>> -> memref<128x128xf32, #tpu.memory_space<hbm>>
        tpu.wait_dma2 semaphore(%dma_wait3A_128 : memref<!tpu.dma_semaphore, #tpu.memory_space<semaphore_mem>>) src(%dma_wait3A_135 : memref<128x128xf32, #tpu.memory_space<hbm>>) dst(%dma_wait3A_132 : memref<128x128xf32, #tpu.memory_space<vmem>>)
        %dma_start3A_136 = arith.constant 0 : i32
        %dma_start3A_137 = arith.constant 0 : i32
        %dma_start3A_138 = tpu.memref_slice %arg11[%rem3A_107, %dma_start3A_136, %dma_start3A_137] : memref<2x128x128xf32, #tpu.memory_space<vmem>> -> memref<1x128x128xf32, #tpu.memory_space<vmem>>
        %dma_start3A_139 = tpu.memref_squeeze %dma_start3A_138 : memref<1x128x128xf32, #tpu.memory_space<vmem>> -> memref<128x128xf32, #tpu.memory_space<vmem>>
        %dma_start3A_140 = arith.constant 0 : i32
        %dma_start3A_141 = tpu.memref_slice %arg10[%scan3A_106, %dma_start3A_140] : memref<40x128xi32, #tpu.memory_space<vmem>> -> memref<1x128xi32, #tpu.memory_space<vmem>>
        %dma_start3A_142 = tpu.memref_squeeze %dma_start3A_141 : memref<1x128xi32, #tpu.memory_space<vmem>> -> memref<128xi32, #tpu.memory_space<vmem>>
        %dma_start3A_143 = arith.constant 0 : i32
        %dma_start3A_144 = arith.constant 0 : i32
        %dma_start3A_145 = tpu.memref_slice %arg12[%dma_start3A_143, %dma_start3A_144] : memref<10016x128xf32, #tpu.memory_space<vmem_shared>> -> memref<10016x128xf32, #tpu.memory_space<vmem_shared>>
        %dma_start3A_146 = tpu.memref_slice %arg14[%rem3A_107] : memref<2x!tpu.dma_semaphore, #tpu.memory_space<semaphore_mem>> -> memref<1x!tpu.dma_semaphore, #tpu.memory_space<semaphore_mem>>
        %dma_start3A_147 = tpu.memref_squeeze %dma_start3A_146 : memref<1x!tpu.dma_semaphore, #tpu.memory_space<semaphore_mem>> -> memref<!tpu.dma_semaphore, #tpu.memory_space<semaphore_mem>>
        tpu.enqueue_indirect_dma source(%dma_start3A_139 : memref<128x128xf32, #tpu.memory_space<vmem>>) target(%dma_start3A_145 : memref<10016x128xf32, #tpu.memory_space<vmem_shared>>) offsets(%dma_start3A_142 : memref<128xi32, #tpu.memory_space<vmem>>) semaphore(%dma_start3A_147 : memref<!tpu.dma_semaphore, #tpu.memory_space<semaphore_mem>>) {add = true}
      }
      %scan3A_87 = arith.constant 40 : i32
      %dma_wait3A_88 = arith.constant 0 : i32
      %dma_wait3A_89 = arith.constant 1 : i32
      %dma_wait3A_90 = arith.constant 0 : i32
      %dma_wait3A_91 = arith.constant 0 : i32
      %dma_wait3A_92 = tpu.memref_slice %arg11[%dma_wait3A_88, %dma_wait3A_90, %dma_wait3A_91] : memref<2x128x128xf32, #tpu.memory_space<vmem>> -> memref<1x128x128xf32, #tpu.memory_space<vmem>>
      %dma_wait3A_93 = tpu.memref_squeeze %dma_wait3A_92 : memref<1x128x128xf32, #tpu.memory_space<vmem>> -> memref<128x128xf32, #tpu.memory_space<vmem>>
      %dma_wait3A_94 = arith.constant 0 : i32
      %dma_wait3A_95 = arith.constant 0 : i32
      %dma_wait3A_96 = tpu.memref_slice %arg12[%dma_wait3A_94, %dma_wait3A_95] : memref<10016x128xf32, #tpu.memory_space<vmem_shared>> -> memref<128x128xf32, #tpu.memory_space<vmem_shared>>
      %dma_wait3A_97 = tpu.memref_slice %arg14[%dma_wait3A_89] : memref<2x!tpu.dma_semaphore, #tpu.memory_space<semaphore_mem>> -> memref<1x!tpu.dma_semaphore, #tpu.memory_space<semaphore_mem>>
      %dma_wait3A_98 = tpu.memref_squeeze %dma_wait3A_97 : memref<1x!tpu.dma_semaphore, #tpu.memory_space<semaphore_mem>> -> memref<!tpu.dma_semaphore, #tpu.memory_space<semaphore_mem>>
      %dma_wait3A_99 = arith.constant 0 : i32
      %dma_wait3A_100 = arith.constant 0 : i32
      %dma_wait3A_101 = tpu.memref_slice %arg12[%dma_wait3A_99, %dma_wait3A_100] : memref<10016x128xf32, #tpu.memory_space<vmem_shared>> -> memref<128x128xf32, #tpu.memory_space<vmem_shared>>
      %dma_wait3A_102 = arith.constant 0 : i32
      %dma_wait3A_103 = arith.constant 0 : i32
      %dma_wait3A_104 = tpu.memref_slice %arg11[%dma_wait3A_88, %dma_wait3A_102, %dma_wait3A_103] : memref<2x128x128xf32, #tpu.memory_space<vmem>> -> memref<1x128x128xf32, #tpu.memory_space<vmem>>
      %dma_wait3A_105 = tpu.memref_squeeze %dma_wait3A_104 : memref<1x128x128xf32, #tpu.memory_space<vmem>> -> memref<128x128xf32, #tpu.memory_space<vmem>>
      tpu.wait_dma2 semaphore(%dma_wait3A_98 : memref<!tpu.dma_semaphore, #tpu.memory_space<semaphore_mem>>) src(%dma_wait3A_105 : memref<128x128xf32, #tpu.memory_space<vmem>>) dst(%dma_wait3A_101 : memref<128x128xf32, #tpu.memory_space<vmem_shared>>)
    } else {
    }
    %barrier3A_13 = arith.constant 0 : index
    tpu.barrier barrier_id(%barrier3A_13)
    %eq3A_14 = arith.constant 0 : i32
    %eq3A_15 = arith.cmpi eq, %arg0, %eq3A_14 : i32
    %convert_element_type3A_16 = arith.extui %eq3A_15 : i1 to i32
    %cond3A_17 = arith.constant 0 : i32
    %cond3A_18 = arith.cmpi ne, %convert_element_type3A_16, %cond3A_17 : i32
    scf.if %cond3A_18 {
      "tpu.region"() ({
        %run_scoped3A = tpu.sem_alloc : memref<!tpu.dma_semaphore, #tpu.memory_space<semaphore_mem>>
        %dma_start3A = arith.constant 0 : i32
        %dma_start3A_29 = tpu.memref_slice %arg7[%mul3A_0, %dma_start3A] : memref<10000x128xf32, #tpu.memory_space<hbm>> -> memref<624x128xf32, #tpu.memory_space<hbm>>
        %dma_start3A_30 = arith.constant 0 : i32
        %dma_start3A_31 = tpu.memref_slice %arg12[%mul3A_0, %dma_start3A_30] : memref<10016x128xf32, #tpu.memory_space<vmem_shared>> -> memref<624x128xf32, #tpu.memory_space<vmem_shared>>
        tpu.enqueue_dma source(%dma_start3A_31 : memref<624x128xf32, #tpu.memory_space<vmem_shared>>) target(%dma_start3A_29 : memref<624x128xf32, #tpu.memory_space<hbm>>) target_semaphore(%run_scoped3A : memref<!tpu.dma_semaphore, #tpu.memory_space<semaphore_mem>>)
        %dma_wait3A = arith.constant 0 : i32
        %dma_wait3A_32 = tpu.memref_slice %arg7[%mul3A_0, %dma_wait3A] : memref<10000x128xf32, #tpu.memory_space<hbm>> -> memref<624x128xf32, #tpu.memory_space<hbm>>
        %dma_wait3A_33 = arith.constant 0 : i32
        %dma_wait3A_34 = tpu.memref_slice %arg12[%mul3A_0, %dma_wait3A_33] : memref<10016x128xf32, #tpu.memory_space<vmem_shared>> -> memref<624x128xf32, #tpu.memory_space<vmem_shared>>
        tpu.wait_dma2 semaphore(%run_scoped3A : memref<!tpu.dma_semaphore, #tpu.memory_space<semaphore_mem>>) src(%dma_wait3A_34 : memref<624x128xf32, #tpu.memory_space<vmem_shared>>) dst(%dma_wait3A_32 : memref<624x128xf32, #tpu.memory_space<hbm>>)
        tpu.yield
      }) : () -> ()
      %eq3A_24 = arith.constant 15 : i32
      %eq3A_25 = arith.cmpi eq, %arg1, %eq3A_24 : i32
      %convert_element_type3A_26 = arith.extui %eq3A_25 : i1 to i32
      %cond3A_27 = arith.constant 0 : i32
      %cond3A_28 = arith.cmpi ne, %convert_element_type3A_26, %cond3A_27 : i32
      scf.if %cond3A_28 {
        "tpu.region"() ({
          %run_scoped3A = tpu.sem_alloc : memref<!tpu.dma_semaphore, #tpu.memory_space<semaphore_mem>>
          %dma_start3A = arith.constant 9984 : i32
          %dma_start3A_29 = arith.constant 0 : i32
          %dma_start3A_30 = tpu.memref_slice %arg7[%dma_start3A, %dma_start3A_29] : memref<10000x128xf32, #tpu.memory_space<hbm>> -> memref<16x128xf32, #tpu.memory_space<hbm>>
          %dma_start3A_31 = arith.constant 9984 : i32
          %dma_start3A_32 = arith.constant 0 : i32
          %dma_start3A_33 = tpu.memref_slice %arg12[%dma_start3A_31, %dma_start3A_32] : memref<10016x128xf32, #tpu.memory_space<vmem_shared>> -> memref<16x128xf32, #tpu.memory_space<vmem_shared>>
          tpu.enqueue_dma source(%dma_start3A_33 : memref<16x128xf32, #tpu.memory_space<vmem_shared>>) target(%dma_start3A_30 : memref<16x128xf32, #tpu.memory_space<hbm>>) target_semaphore(%run_scoped3A : memref<!tpu.dma_semaphore, #tpu.memory_space<semaphore_mem>>)
          %dma_wait3A = arith.constant 9984 : i32
          %dma_wait3A_34 = arith.constant 0 : i32
          %dma_wait3A_35 = tpu.memref_slice %arg7[%dma_wait3A, %dma_wait3A_34] : memref<10000x128xf32, #tpu.memory_space<hbm>> -> memref<16x128xf32, #tpu.memory_space<hbm>>
          %dma_wait3A_36 = arith.constant 9984 : i32
          %dma_wait3A_37 = arith.constant 0 : i32
          %dma_wait3A_38 = tpu.memref_slice %arg12[%dma_wait3A_36, %dma_wait3A_37] : memref<10016x128xf32, #tpu.memory_space<vmem_shared>> -> memref<16x128xf32, #tpu.memory_space<vmem_shared>>
          tpu.wait_dma2 semaphore(%run_scoped3A : memref<!tpu.dma_semaphore, #tpu.memory_space<semaphore_mem>>) src(%dma_wait3A_38 : memref<16x128xf32, #tpu.memory_space<vmem_shared>>) dst(%dma_wait3A_35 : memref<16x128xf32, #tpu.memory_space<hbm>>)
          tpu.yield
        }) : () -> ()
      } else {
      }
    } else {
    }
    %eq3A_19 = arith.constant 1 : i32
    %eq3A_20 = arith.cmpi eq, %arg0, %eq3A_19 : i32
    %convert_element_type3A_21 = arith.extui %eq3A_20 : i1 to i32
    %cond3A_22 = arith.constant 0 : i32
    %cond3A_23 = arith.cmpi ne, %convert_element_type3A_21, %cond3A_22 : i32
    scf.if %cond3A_23 {
      "tpu.region"() ({
        %run_scoped3A = tpu.sem_alloc : memref<!tpu.dma_semaphore, #tpu.memory_space<semaphore_mem>>
        %dma_start3A = arith.constant 0 : i32
        %dma_start3A_29 = tpu.memref_slice %arg8[%mul3A_0, %dma_start3A] : memref<10000x128xf32, #tpu.memory_space<hbm>> -> memref<624x128xf32, #tpu.memory_space<hbm>>
        %dma_start3A_30 = arith.constant 0 : i32
        %dma_start3A_31 = tpu.memref_slice %arg12[%mul3A_0, %dma_start3A_30] : memref<10016x128xf32, #tpu.memory_space<vmem_shared>> -> memref<624x128xf32, #tpu.memory_space<vmem_shared>>
        tpu.enqueue_dma source(%dma_start3A_31 : memref<624x128xf32, #tpu.memory_space<vmem_shared>>) target(%dma_start3A_29 : memref<624x128xf32, #tpu.memory_space<hbm>>) target_semaphore(%run_scoped3A : memref<!tpu.dma_semaphore, #tpu.memory_space<semaphore_mem>>)
        %dma_wait3A = arith.constant 0 : i32
        %dma_wait3A_32 = tpu.memref_slice %arg8[%mul3A_0, %dma_wait3A] : memref<10000x128xf32, #tpu.memory_space<hbm>> -> memref<624x128xf32, #tpu.memory_space<hbm>>
        %dma_wait3A_33 = arith.constant 0 : i32
        %dma_wait3A_34 = tpu.memref_slice %arg12[%mul3A_0, %dma_wait3A_33] : memref<10016x128xf32, #tpu.memory_space<vmem_shared>> -> memref<624x128xf32, #tpu.memory_space<vmem_shared>>
        tpu.wait_dma2 semaphore(%run_scoped3A : memref<!tpu.dma_semaphore, #tpu.memory_space<semaphore_mem>>) src(%dma_wait3A_34 : memref<624x128xf32, #tpu.memory_space<vmem_shared>>) dst(%dma_wait3A_32 : memref<624x128xf32, #tpu.memory_space<hbm>>)
        tpu.yield
      }) : () -> ()
      %eq3A_24 = arith.constant 15 : i32
      %eq3A_25 = arith.cmpi eq, %arg1, %eq3A_24 : i32
      %convert_element_type3A_26 = arith.extui %eq3A_25 : i1 to i32
      %cond3A_27 = arith.constant 0 : i32
      %cond3A_28 = arith.cmpi ne, %convert_element_type3A_26, %cond3A_27 : i32
      scf.if %cond3A_28 {
        "tpu.region"() ({
          %run_scoped3A = tpu.sem_alloc : memref<!tpu.dma_semaphore, #tpu.memory_space<semaphore_mem>>
          %dma_start3A = arith.constant 9984 : i32
          %dma_start3A_29 = arith.constant 0 : i32
          %dma_start3A_30 = tpu.memref_slice %arg8[%dma_start3A, %dma_start3A_29] : memref<10000x128xf32, #tpu.memory_space<hbm>> -> memref<16x128xf32, #tpu.memory_space<hbm>>
          %dma_start3A_31 = arith.constant 9984 : i32
          %dma_start3A_32 = arith.constant 0 : i32
          %dma_start3A_33 = tpu.memref_slice %arg12[%dma_start3A_31, %dma_start3A_32] : memref<10016x128xf32, #tpu.memory_space<vmem_shared>> -> memref<16x128xf32, #tpu.memory_space<vmem_shared>>
          tpu.enqueue_dma source(%dma_start3A_33 : memref<16x128xf32, #tpu.memory_space<vmem_shared>>) target(%dma_start3A_30 : memref<16x128xf32, #tpu.memory_space<hbm>>) target_semaphore(%run_scoped3A : memref<!tpu.dma_semaphore, #tpu.memory_space<semaphore_mem>>)
          %dma_wait3A = arith.constant 9984 : i32
          %dma_wait3A_34 = arith.constant 0 : i32
          %dma_wait3A_35 = tpu.memref_slice %arg8[%dma_wait3A, %dma_wait3A_34] : memref<10000x128xf32, #tpu.memory_space<hbm>> -> memref<16x128xf32, #tpu.memory_space<hbm>>
          %dma_wait3A_36 = arith.constant 9984 : i32
          %dma_wait3A_37 = arith.constant 0 : i32
          %dma_wait3A_38 = tpu.memref_slice %arg12[%dma_wait3A_36, %dma_wait3A_37] : memref<10016x128xf32, #tpu.memory_space<vmem_shared>> -> memref<16x128xf32, #tpu.memory_space<vmem_shared>>
          tpu.wait_dma2 semaphore(%run_scoped3A : memref<!tpu.dma_semaphore, #tpu.memory_space<semaphore_mem>>) src(%dma_wait3A_38 : memref<16x128xf32, #tpu.memory_space<vmem_shared>>) dst(%dma_wait3A_35 : memref<16x128xf32, #tpu.memory_space<hbm>>)
          tpu.yield
        }) : () -> ()
      } else {
      }
    } else {
    }
    return
  }
}

module attributes {stable_mosaic.version = 14 : i64} {
  func.func @_tc_scale_matmul_body(%arg0: i32, %arg1: memref<1000x256xf32, #tpu.memory_space<vmem>>, %arg2: memref<256x256xf32, #tpu.memory_space<vmem>>, %arg3: memref<1000x1xf32, #tpu.memory_space<vmem>>, %arg4: memref<1000x128xf32, #tpu.memory_space<vmem>>, %arg5: memref<1000x128xf32, #tpu.memory_space<vmem>>, %arg6: memref<1000x1xf32, #tpu.memory_space<vmem>>) attributes {dimension_semantics = [#tpu.dimension_semantics<arbitrary>], iteration_bounds = array<i64: 10>, scalar_prefetch = 0 : i64, scratch_operands = 0 : i64, tpu.core_type = #tpu.core_type<tc>, window_params = [{transform_indices = @transform_0, window_bounds = array<i64: 1000, 256>}, {pipeline_mode = #tpu.pipeline_mode<synchronous>, transform_indices = @transform_1, window_bounds = array<i64: 256, 256>}, {transform_indices = @transform_2, window_bounds = array<i64: 1000, 1>}, {transform_indices = @transform_3, window_bounds = array<i64: 1000, 128>}, {transform_indices = @transform_4, window_bounds = array<i64: 1000, 128>}, {transform_indices = @transform_5, window_bounds = array<i64: 1000, 1>}]} {
    %get3A = arith.constant 0 : index
    %get3A_0 = arith.constant 0 : index
    %get3A_1 = vector.load %arg1[%get3A, %get3A_0] : memref<1000x256xf32, #tpu.memory_space<vmem>>, vector<1000x256xf32>
    %get3A_2 = arith.constant 0 : index
    %get3A_3 = arith.constant 0 : index
    %get3A_4 = vector.load %arg2[%get3A_2, %get3A_3] : memref<256x256xf32, #tpu.memory_space<vmem>>, vector<256x256xf32>
    %dot_general3A = arith.constant dense<0.000000e+00> : vector<1000x256xf32>
    %dot_general3A_5 = tpu.matmul %get3A_1, %get3A_4, %dot_general3A {dimension_numbers = #tpu.dot_dimension_numbers<[1], [0], [0], [1], [0, 0, 1, 1], [], []>, transpose_lhs_hint = false} : vector<1000x256xf32>, vector<256x256xf32>, vector<1000x256xf32> -> vector<1000x256xf32>
    %get3A_6 = arith.constant 0 : index
    %get3A_7 = arith.constant 0 : index
    %get3A_8 = vector.load %arg3[%get3A_6, %get3A_7] : memref<1000x1xf32, #tpu.memory_space<vmem>>, vector<1000x1xf32>
    %add3A = arith.constant 1.000000e+00 : f32
    %add3A_9 = vector.broadcast %add3A : f32 to vector<1000x1xf32>
    %add3A_10 = arith.addf %get3A_8, %add3A_9 : vector<1000x1xf32>
    %rsqrt3A = math.rsqrt %add3A_10 : vector<1000x1xf32>
    %mul3A = vector.broadcast %rsqrt3A : vector<1000x1xf32> to vector<1000x256xf32>
    %mul3A_11 = arith.mulf %dot_general3A_5, %mul3A : vector<1000x256xf32>
    %slice3A = vector.extract_strided_slice %mul3A_11 {offsets = [0, 0], sizes = [1000, 128], strides = [1, 1]} : vector<1000x256xf32> to vector<1000x128xf32>
    %swap3A = arith.constant 0 : index
    %swap3A_12 = arith.constant 0 : index
    %swap3A_13 = vector.load %arg4[%swap3A, %swap3A_12] : memref<1000x128xf32, #tpu.memory_space<vmem>>, vector<1000x128xf32>
    tpu.vector_store %arg4[%swap3A, %swap3A_12], %slice3A {strides = array<i32>} : memref<1000x128xf32, #tpu.memory_space<vmem>>, vector<1000x128xf32>,
    %slice3A_14 = vector.extract_strided_slice %mul3A_11 {offsets = [0, 128], sizes = [1000, 128], strides = [1, 1]} : vector<1000x256xf32> to vector<1000x128xf32>
    %swap3A_15 = arith.constant 0 : index
    %swap3A_16 = arith.constant 0 : index
    %swap3A_17 = vector.load %arg5[%swap3A_15, %swap3A_16] : memref<1000x128xf32, #tpu.memory_space<vmem>>, vector<1000x128xf32>
    tpu.vector_store %arg5[%swap3A_15, %swap3A_16], %slice3A_14 {strides = array<i32>} : memref<1000x128xf32, #tpu.memory_space<vmem>>, vector<1000x128xf32>,
    %swap3A_18 = arith.constant 0 : index
    %swap3A_19 = arith.constant 0 : index
    %swap3A_20 = vector.load %arg6[%swap3A_18, %swap3A_19] : memref<1000x1xf32, #tpu.memory_space<vmem>>, vector<1000x1xf32>
    tpu.vector_store %arg6[%swap3A_18, %swap3A_19], %rsqrt3A {strides = array<i32>} : memref<1000x1xf32, #tpu.memory_space<vmem>>, vector<1000x1xf32>,
    return
  }
  func.func @transform_0(%arg0: i32) -> (i32, i32) {
    %c0_i32 = arith.constant 0 : i32
    %c0_i32_0 = arith.constant 0 : i32
    return %arg0, %c0_i32 : i32, i32
  }
  func.func @transform_1(%arg0: i32) -> (i32, i32) {
    %c0_i32 = arith.constant 0 : i32
    %c0_i32_0 = arith.constant 0 : i32
    %c0_i32_1 = arith.constant 0 : i32
    return %c0_i32, %c0_i32_0 : i32, i32
  }
  func.func @transform_2(%arg0: i32) -> (i32, i32) {
    %c0_i32 = arith.constant 0 : i32
    %c0_i32_0 = arith.constant 0 : i32
    return %arg0, %c0_i32 : i32, i32
  }
  func.func @transform_3(%arg0: i32) -> (i32, i32) {
    %c0_i32 = arith.constant 0 : i32
    %c0_i32_0 = arith.constant 0 : i32
    return %arg0, %c0_i32 : i32, i32
  }
  func.func @transform_4(%arg0: i32) -> (i32, i32) {
    %c0_i32 = arith.constant 0 : i32
    %c0_i32_0 = arith.constant 0 : i32
    return %arg0, %c0_i32 : i32, i32
  }
  func.func @transform_5(%arg0: i32) -> (i32, i32) {
    %c0_i32 = arith.constant 0 : i32
    %c0_i32_0 = arith.constant 0 : i32
    return %arg0, %c0_i32 : i32, i32
  }
}

module attributes {stable_mosaic.version = 14 : i64} {
  func.func @_tc_mid_body(%arg0: i32, %arg1: memref<1000x128xf32, #tpu.memory_space<vmem>>, %arg2: memref<1000x128xf32, #tpu.memory_space<vmem>>, %arg3: memref<1000x128xf32, #tpu.memory_space<vmem>>, %arg4: memref<1000x128xf32, #tpu.memory_space<vmem>>, %arg5: memref<1000x256xf32, #tpu.memory_space<vmem>>, %arg6: memref<1000x1xf32, #tpu.memory_space<vmem>>, %arg7: memref<1x256xf32, #tpu.memory_space<vmem>>, %arg8: memref<1x256xf32, #tpu.memory_space<vmem>>, %arg9: memref<1x256xf32, #tpu.memory_space<vmem>>, %arg10: memref<256x256xf32, #tpu.memory_space<vmem>>, %arg11: memref<1000x256xf32, #tpu.memory_space<vmem>>, %arg12: memref<1000x128xf32, #tpu.memory_space<vmem>>, %arg13: memref<1000x128xf32, #tpu.memory_space<vmem>>) attributes {dimension_semantics = [#tpu.dimension_semantics<arbitrary>], iteration_bounds = array<i64: 10>, scalar_prefetch = 0 : i64, scratch_operands = 0 : i64, tpu.core_type = #tpu.core_type<tc>, window_params = [{transform_indices = @transform_0, window_bounds = array<i64: 1000, 128>}, {transform_indices = @transform_1, window_bounds = array<i64: 1000, 128>}, {transform_indices = @transform_2, window_bounds = array<i64: 1000, 128>}, {transform_indices = @transform_3, window_bounds = array<i64: 1000, 128>}, {transform_indices = @transform_4, window_bounds = array<i64: 1000, 256>}, {transform_indices = @transform_5, window_bounds = array<i64: 1000, 1>}, {pipeline_mode = #tpu.pipeline_mode<synchronous>, transform_indices = @transform_6, window_bounds = array<i64: 1, 256>}, {pipeline_mode = #tpu.pipeline_mode<synchronous>, transform_indices = @transform_7, window_bounds = array<i64: 1, 256>}, {pipeline_mode = #tpu.pipeline_mode<synchronous>, transform_indices = @transform_8, window_bounds = array<i64: 1, 256>}, {pipeline_mode = #tpu.pipeline_mode<synchronous>, transform_indices = @transform_9, window_bounds = array<i64: 256, 256>}, {transform_indices = @transform_10, window_bounds = array<i64: 1000, 256>}, {transform_indices = @transform_11, window_bounds = array<i64: 1000, 128>}, {transform_indices = @transform_12, window_bounds = array<i64: 1000, 128>}]} {
    %get3A = arith.constant 0 : index
    %get3A_0 = arith.constant 0 : index
    %get3A_1 = vector.load %arg6[%get3A, %get3A_0] : memref<1000x1xf32, #tpu.memory_space<vmem>>, vector<1000x1xf32>
    %get3A_2 = arith.constant 0 : index
    %get3A_3 = arith.constant 0 : index
    %get3A_4 = vector.load %arg1[%get3A_2, %get3A_3] : memref<1000x128xf32, #tpu.memory_space<vmem>>, vector<1000x128xf32>
    %get3A_5 = arith.constant 0 : index
    %get3A_6 = arith.constant 0 : index
    %get3A_7 = vector.load %arg2[%get3A_5, %get3A_6] : memref<1000x128xf32, #tpu.memory_space<vmem>>, vector<1000x128xf32>
    %get3A_8 = arith.constant 0 : index
    %get3A_9 = arith.constant 0 : index
    %get3A_10 = vector.load %arg3[%get3A_8, %get3A_9] : memref<1000x128xf32, #tpu.memory_space<vmem>>, vector<1000x128xf32>
    %get3A_11 = arith.constant 0 : index
    %get3A_12 = arith.constant 0 : index
    %get3A_13 = vector.load %arg4[%get3A_11, %get3A_12] : memref<1000x128xf32, #tpu.memory_space<vmem>>, vector<1000x128xf32>
    %get3A_14 = arith.constant 0 : index
    %get3A_15 = arith.constant 0 : index
    %get3A_16 = vector.load %arg5[%get3A_14, %get3A_15] : memref<1000x256xf32, #tpu.memory_space<vmem>>, vector<1000x256xf32>
    %get3A_17 = arith.constant 0 : index
    %get3A_18 = arith.constant 0 : index
    %get3A_19 = vector.load %arg7[%get3A_17, %get3A_18] : memref<1x256xf32, #tpu.memory_space<vmem>>, vector<1x256xf32>
    %get3A_20 = arith.constant 0 : index
    %get3A_21 = arith.constant 0 : index
    %get3A_22 = vector.load %arg8[%get3A_20, %get3A_21] : memref<1x256xf32, #tpu.memory_space<vmem>>, vector<1x256xf32>
    %get3A_23 = arith.constant 0 : index
    %get3A_24 = arith.constant 0 : index
    %get3A_25 = vector.load %arg9[%get3A_23, %get3A_24] : memref<1x256xf32, #tpu.memory_space<vmem>>, vector<1x256xf32>
    %concatenate3A = tpu.concatenate %get3A_4, %get3A_7 in 1 : vector<1000x128xf32>, vector<1000x128xf32> -> vector<1000x256xf32>
    %concatenate3A_26 = tpu.concatenate %get3A_10, %get3A_13 in 1 : vector<1000x128xf32>, vector<1000x128xf32> -> vector<1000x256xf32>
    %add3A = arith.addf %concatenate3A, %concatenate3A_26 : vector<1000x256xf32>
    %mul3A = vector.broadcast %get3A_1 : vector<1000x1xf32> to vector<1000x256xf32>
    %mul3A_27 = arith.mulf %mul3A, %add3A : vector<1000x256xf32>
    %add3A_28 = vector.broadcast %get3A_19 : vector<1x256xf32> to vector<1000x256xf32>
    %add3A_29 = arith.addf %mul3A_27, %add3A_28 : vector<1000x256xf32>
    %max3A = arith.constant 0.000000e+00 : f32
    %max3A_30 = vector.broadcast %max3A : f32 to vector<1000x256xf32>
    %max3A_31 = arith.maximumf %add3A_29, %max3A_30 : vector<1000x256xf32>
    %add3A_32 = arith.addf %max3A_31, %get3A_16 : vector<1000x256xf32>
    %reduce_sum3A = arith.constant dense<0.000000e+00> : vector<1000xf32>
    %reduce_sum3A_33 = vector.multi_reduction <add>, %add3A_32, %reduce_sum3A [1] : vector<1000x256xf32> to vector<1000xf32>
    %broadcast_in_dim3A = vector.shape_cast %reduce_sum3A_33 : vector<1000xf32> to vector<1000x1xf32>
    %div3A = arith.constant 2.560000e+02 : f32
    %div3A_34 = vector.broadcast %div3A : f32 to vector<1000x1xf32>
    %div3A_35 = arith.divf %broadcast_in_dim3A, %div3A_34 : vector<1000x1xf32>
    %sub3A = vector.broadcast %div3A_35 : vector<1000x1xf32> to vector<1000x256xf32>
    %sub3A_36 = arith.subf %add3A_32, %sub3A : vector<1000x256xf32>
    %integer_pow3A = arith.mulf %sub3A_36, %sub3A_36 : vector<1000x256xf32>
    %reduce_sum3A_37 = arith.constant dense<0.000000e+00> : vector<1000xf32>
    %reduce_sum3A_38 = vector.multi_reduction <add>, %integer_pow3A, %reduce_sum3A_37 [1] : vector<1000x256xf32> to vector<1000xf32>
    %broadcast_in_dim3A_39 = vector.shape_cast %reduce_sum3A_38 : vector<1000xf32> to vector<1000x1xf32>
    %div3A_40 = arith.constant 2.560000e+02 : f32
    %div3A_41 = vector.broadcast %div3A_40 : f32 to vector<1000x1xf32>
    %div3A_42 = arith.divf %broadcast_in_dim3A_39, %div3A_41 : vector<1000x1xf32>
    %sub3A_43 = vector.broadcast %div3A_35 : vector<1000x1xf32> to vector<1000x256xf32>
    %sub3A_44 = arith.subf %add3A_32, %sub3A_43 : vector<1000x256xf32>
    %add3A_45 = arith.constant 9.99999974E-6 : f32
    %add3A_46 = vector.broadcast %add3A_45 : f32 to vector<1000x1xf32>
    %add3A_47 = arith.addf %div3A_42, %add3A_46 : vector<1000x1xf32>
    %rsqrt3A = math.rsqrt %add3A_47 : vector<1000x1xf32>
    %mul3A_48 = vector.broadcast %rsqrt3A : vector<1000x1xf32> to vector<1000x256xf32>
    %mul3A_49 = arith.mulf %sub3A_44, %mul3A_48 : vector<1000x256xf32>
    %mul3A_50 = vector.broadcast %get3A_22 : vector<1x256xf32> to vector<1000x256xf32>
    %mul3A_51 = arith.mulf %mul3A_49, %mul3A_50 : vector<1000x256xf32>
    %add3A_52 = vector.broadcast %get3A_25 : vector<1x256xf32> to vector<1000x256xf32>
    %add3A_53 = arith.addf %mul3A_51, %add3A_52 : vector<1000x256xf32>
    %swap3A = arith.constant 0 : index
    %swap3A_54 = arith.constant 0 : index
    %swap3A_55 = vector.load %arg11[%swap3A, %swap3A_54] : memref<1000x256xf32, #tpu.memory_space<vmem>>, vector<1000x256xf32>
    tpu.vector_store %arg11[%swap3A, %swap3A_54], %add3A_53 {strides = array<i32>} : memref<1000x256xf32, #tpu.memory_space<vmem>>, vector<1000x256xf32>,
    %get3A_56 = arith.constant 0 : index
    %get3A_57 = arith.constant 0 : index
    %get3A_58 = vector.load %arg10[%get3A_56, %get3A_57] : memref<256x256xf32, #tpu.memory_space<vmem>>, vector<256x256xf32>
    %dot_general3A = arith.constant dense<0.000000e+00> : vector<1000x256xf32>
    %dot_general3A_59 = tpu.matmul %add3A_53, %get3A_58, %dot_general3A {dimension_numbers = #tpu.dot_dimension_numbers<[1], [0], [0], [1], [0, 0, 1, 1], [], []>, transpose_lhs_hint = false} : vector<1000x256xf32>, vector<256x256xf32>, vector<1000x256xf32> -> vector<1000x256xf32>
    %mul3A_60 = vector.broadcast %get3A_1 : vector<1000x1xf32> to vector<1000x256xf32>
    %mul3A_61 = arith.mulf %dot_general3A_59, %mul3A_60 : vector<1000x256xf32>
    %slice3A = vector.extract_strided_slice %mul3A_61 {offsets = [0, 0], sizes = [1000, 128], strides = [1, 1]} : vector<1000x256xf32> to vector<1000x128xf32>
    %swap3A_62 = arith.constant 0 : index
    %swap3A_63 = arith.constant 0 : index
    %swap3A_64 = vector.load %arg12[%swap3A_62, %swap3A_63] : memref<1000x128xf32, #tpu.memory_space<vmem>>, vector<1000x128xf32>
    tpu.vector_store %arg12[%swap3A_62, %swap3A_63], %slice3A {strides = array<i32>} : memref<1000x128xf32, #tpu.memory_space<vmem>>, vector<1000x128xf32>,
    %slice3A_65 = vector.extract_strided_slice %mul3A_61 {offsets = [0, 128], sizes = [1000, 128], strides = [1, 1]} : vector<1000x256xf32> to vector<1000x128xf32>
    %swap3A_66 = arith.constant 0 : index
    %swap3A_67 = arith.constant 0 : index
    %swap3A_68 = vector.load %arg13[%swap3A_66, %swap3A_67] : memref<1000x128xf32, #tpu.memory_space<vmem>>, vector<1000x128xf32>
    tpu.vector_store %arg13[%swap3A_66, %swap3A_67], %slice3A_65 {strides = array<i32>} : memref<1000x128xf32, #tpu.memory_space<vmem>>, vector<1000x128xf32>,
    return
  }
  func.func @transform_0(%arg0: i32) -> (i32, i32) {
    %c0_i32 = arith.constant 0 : i32
    %c0_i32_0 = arith.constant 0 : i32
    return %arg0, %c0_i32 : i32, i32
  }
  func.func @transform_1(%arg0: i32) -> (i32, i32) {
    %c0_i32 = arith.constant 0 : i32
    %c0_i32_0 = arith.constant 0 : i32
    return %arg0, %c0_i32 : i32, i32
  }
  func.func @transform_2(%arg0: i32) -> (i32, i32) {
    %c0_i32 = arith.constant 0 : i32
    %c0_i32_0 = arith.constant 0 : i32
    return %arg0, %c0_i32 : i32, i32
  }
  func.func @transform_3(%arg0: i32) -> (i32, i32) {
    %c0_i32 = arith.constant 0 : i32
    %c0_i32_0 = arith.constant 0 : i32
    return %arg0, %c0_i32 : i32, i32
  }
  func.func @transform_4(%arg0: i32) -> (i32, i32) {
    %c0_i32 = arith.constant 0 : i32
    %c0_i32_0 = arith.constant 0 : i32
    return %arg0, %c0_i32 : i32, i32
  }
  func.func @transform_5(%arg0: i32) -> (i32, i32) {
    %c0_i32 = arith.constant 0 : i32
    %c0_i32_0 = arith.constant 0 : i32
    return %arg0, %c0_i32 : i32, i32
  }
  func.func @transform_6(%arg0: i32) -> (i32, i32) {
    %c0_i32 = arith.constant 0 : i32
    %c0_i32_0 = arith.constant 0 : i32
    %c0_i32_1 = arith.constant 0 : i32
    return %c0_i32, %c0_i32_0 : i32, i32
  }
  func.func @transform_7(%arg0: i32) -> (i32, i32) {
    %c0_i32 = arith.constant 0 : i32
    %c0_i32_0 = arith.constant 0 : i32
    %c0_i32_1 = arith.constant 0 : i32
    return %c0_i32, %c0_i32_0 : i32, i32
  }
  func.func @transform_8(%arg0: i32) -> (i32, i32) {
    %c0_i32 = arith.constant 0 : i32
    %c0_i32_0 = arith.constant 0 : i32
    %c0_i32_1 = arith.constant 0 : i32
    return %c0_i32, %c0_i32_0 : i32, i32
  }
  func.func @transform_9(%arg0: i32) -> (i32, i32) {
    %c0_i32 = arith.constant 0 : i32
    %c0_i32_0 = arith.constant 0 : i32
    %c0_i32_1 = arith.constant 0 : i32
    return %c0_i32, %c0_i32_0 : i32, i32
  }
  func.func @transform_10(%arg0: i32) -> (i32, i32) {
    %c0_i32 = arith.constant 0 : i32
    %c0_i32_0 = arith.constant 0 : i32
    return %arg0, %c0_i32 : i32, i32
  }
  func.func @transform_11(%arg0: i32) -> (i32, i32) {
    %c0_i32 = arith.constant 0 : i32
    %c0_i32_0 = arith.constant 0 : i32
    return %arg0, %c0_i32 : i32, i32
  }
  func.func @transform_12(%arg0: i32) -> (i32, i32) {
    %c0_i32 = arith.constant 0 : i32
    %c0_i32_0 = arith.constant 0 : i32
    return %arg0, %c0_i32 : i32, i32
  }
}

module attributes {stable_mosaic.version = 14 : i64} {
  func.func @_tc_final_body(%arg0: i32, %arg1: memref<1000x128xf32, #tpu.memory_space<vmem>>, %arg2: memref<1000x128xf32, #tpu.memory_space<vmem>>, %arg3: memref<1000x128xf32, #tpu.memory_space<vmem>>, %arg4: memref<1000x128xf32, #tpu.memory_space<vmem>>, %arg5: memref<1000x256xf32, #tpu.memory_space<vmem>>, %arg6: memref<1000x1xf32, #tpu.memory_space<vmem>>, %arg7: memref<1x256xf32, #tpu.memory_space<vmem>>, %arg8: memref<1x256xf32, #tpu.memory_space<vmem>>, %arg9: memref<1x256xf32, #tpu.memory_space<vmem>>, %arg10: memref<1000x256xf32, #tpu.memory_space<vmem>>) attributes {dimension_semantics = [#tpu.dimension_semantics<arbitrary>], iteration_bounds = array<i64: 10>, scalar_prefetch = 0 : i64, scratch_operands = 0 : i64, tpu.core_type = #tpu.core_type<tc>, window_params = [{transform_indices = @transform_0, window_bounds = array<i64: 1000, 128>}, {transform_indices = @transform_1, window_bounds = array<i64: 1000, 128>}, {transform_indices = @transform_2, window_bounds = array<i64: 1000, 128>}, {transform_indices = @transform_3, window_bounds = array<i64: 1000, 128>}, {transform_indices = @transform_4, window_bounds = array<i64: 1000, 256>}, {transform_indices = @transform_5, window_bounds = array<i64: 1000, 1>}, {pipeline_mode = #tpu.pipeline_mode<synchronous>, transform_indices = @transform_6, window_bounds = array<i64: 1, 256>}, {pipeline_mode = #tpu.pipeline_mode<synchronous>, transform_indices = @transform_7, window_bounds = array<i64: 1, 256>}, {pipeline_mode = #tpu.pipeline_mode<synchronous>, transform_indices = @transform_8, window_bounds = array<i64: 1, 256>}, {transform_indices = @transform_9, window_bounds = array<i64: 1000, 256>}]} {
    %get3A = arith.constant 0 : index
    %get3A_0 = arith.constant 0 : index
    %get3A_1 = vector.load %arg1[%get3A, %get3A_0] : memref<1000x128xf32, #tpu.memory_space<vmem>>, vector<1000x128xf32>
    %get3A_2 = arith.constant 0 : index
    %get3A_3 = arith.constant 0 : index
    %get3A_4 = vector.load %arg2[%get3A_2, %get3A_3] : memref<1000x128xf32, #tpu.memory_space<vmem>>, vector<1000x128xf32>
    %get3A_5 = arith.constant 0 : index
    %get3A_6 = arith.constant 0 : index
    %get3A_7 = vector.load %arg3[%get3A_5, %get3A_6] : memref<1000x128xf32, #tpu.memory_space<vmem>>, vector<1000x128xf32>
    %get3A_8 = arith.constant 0 : index
    %get3A_9 = arith.constant 0 : index
    %get3A_10 = vector.load %arg4[%get3A_8, %get3A_9] : memref<1000x128xf32, #tpu.memory_space<vmem>>, vector<1000x128xf32>
    %get3A_11 = arith.constant 0 : index
    %get3A_12 = arith.constant 0 : index
    %get3A_13 = vector.load %arg5[%get3A_11, %get3A_12] : memref<1000x256xf32, #tpu.memory_space<vmem>>, vector<1000x256xf32>
    %get3A_14 = arith.constant 0 : index
    %get3A_15 = arith.constant 0 : index
    %get3A_16 = vector.load %arg6[%get3A_14, %get3A_15] : memref<1000x1xf32, #tpu.memory_space<vmem>>, vector<1000x1xf32>
    %get3A_17 = arith.constant 0 : index
    %get3A_18 = arith.constant 0 : index
    %get3A_19 = vector.load %arg7[%get3A_17, %get3A_18] : memref<1x256xf32, #tpu.memory_space<vmem>>, vector<1x256xf32>
    %get3A_20 = arith.constant 0 : index
    %get3A_21 = arith.constant 0 : index
    %get3A_22 = vector.load %arg8[%get3A_20, %get3A_21] : memref<1x256xf32, #tpu.memory_space<vmem>>, vector<1x256xf32>
    %get3A_23 = arith.constant 0 : index
    %get3A_24 = arith.constant 0 : index
    %get3A_25 = vector.load %arg9[%get3A_23, %get3A_24] : memref<1x256xf32, #tpu.memory_space<vmem>>, vector<1x256xf32>
    %concatenate3A = tpu.concatenate %get3A_1, %get3A_4 in 1 : vector<1000x128xf32>, vector<1000x128xf32> -> vector<1000x256xf32>
    %concatenate3A_26 = tpu.concatenate %get3A_7, %get3A_10 in 1 : vector<1000x128xf32>, vector<1000x128xf32> -> vector<1000x256xf32>
    %add3A = arith.addf %concatenate3A, %concatenate3A_26 : vector<1000x256xf32>
    %mul3A = vector.broadcast %get3A_16 : vector<1000x1xf32> to vector<1000x256xf32>
    %mul3A_27 = arith.mulf %mul3A, %add3A : vector<1000x256xf32>
    %add3A_28 = vector.broadcast %get3A_19 : vector<1x256xf32> to vector<1000x256xf32>
    %add3A_29 = arith.addf %mul3A_27, %add3A_28 : vector<1000x256xf32>
    %max3A = arith.constant 0.000000e+00 : f32
    %max3A_30 = vector.broadcast %max3A : f32 to vector<1000x256xf32>
    %max3A_31 = arith.maximumf %add3A_29, %max3A_30 : vector<1000x256xf32>
    %add3A_32 = arith.addf %max3A_31, %get3A_13 : vector<1000x256xf32>
    %reduce_sum3A = arith.constant dense<0.000000e+00> : vector<1000xf32>
    %reduce_sum3A_33 = vector.multi_reduction <add>, %add3A_32, %reduce_sum3A [1] : vector<1000x256xf32> to vector<1000xf32>
    %broadcast_in_dim3A = vector.shape_cast %reduce_sum3A_33 : vector<1000xf32> to vector<1000x1xf32>
    %div3A = arith.constant 2.560000e+02 : f32
    %div3A_34 = vector.broadcast %div3A : f32 to vector<1000x1xf32>
    %div3A_35 = arith.divf %broadcast_in_dim3A, %div3A_34 : vector<1000x1xf32>
    %sub3A = vector.broadcast %div3A_35 : vector<1000x1xf32> to vector<1000x256xf32>
    %sub3A_36 = arith.subf %add3A_32, %sub3A : vector<1000x256xf32>
    %integer_pow3A = arith.mulf %sub3A_36, %sub3A_36 : vector<1000x256xf32>
    %reduce_sum3A_37 = arith.constant dense<0.000000e+00> : vector<1000xf32>
    %reduce_sum3A_38 = vector.multi_reduction <add>, %integer_pow3A, %reduce_sum3A_37 [1] : vector<1000x256xf32> to vector<1000xf32>
    %broadcast_in_dim3A_39 = vector.shape_cast %reduce_sum3A_38 : vector<1000xf32> to vector<1000x1xf32>
    %div3A_40 = arith.constant 2.560000e+02 : f32
    %div3A_41 = vector.broadcast %div3A_40 : f32 to vector<1000x1xf32>
    %div3A_42 = arith.divf %broadcast_in_dim3A_39, %div3A_41 : vector<1000x1xf32>
    %sub3A_43 = vector.broadcast %div3A_35 : vector<1000x1xf32> to vector<1000x256xf32>
    %sub3A_44 = arith.subf %add3A_32, %sub3A_43 : vector<1000x256xf32>
    %add3A_45 = arith.constant 9.99999974E-6 : f32
    %add3A_46 = vector.broadcast %add3A_45 : f32 to vector<1000x1xf32>
    %add3A_47 = arith.addf %div3A_42, %add3A_46 : vector<1000x1xf32>
    %rsqrt3A = math.rsqrt %add3A_47 : vector<1000x1xf32>
    %mul3A_48 = vector.broadcast %rsqrt3A : vector<1000x1xf32> to vector<1000x256xf32>
    %mul3A_49 = arith.mulf %sub3A_44, %mul3A_48 : vector<1000x256xf32>
    %mul3A_50 = vector.broadcast %get3A_22 : vector<1x256xf32> to vector<1000x256xf32>
    %mul3A_51 = arith.mulf %mul3A_49, %mul3A_50 : vector<1000x256xf32>
    %add3A_52 = vector.broadcast %get3A_25 : vector<1x256xf32> to vector<1000x256xf32>
    %add3A_53 = arith.addf %mul3A_51, %add3A_52 : vector<1000x256xf32>
    %swap3A = arith.constant 0 : index
    %swap3A_54 = arith.constant 0 : index
    %swap3A_55 = vector.load %arg10[%swap3A, %swap3A_54] : memref<1000x256xf32, #tpu.memory_space<vmem>>, vector<1000x256xf32>
    tpu.vector_store %arg10[%swap3A, %swap3A_54], %add3A_53 {strides = array<i32>} : memref<1000x256xf32, #tpu.memory_space<vmem>>, vector<1000x256xf32>,
    return
  }
  func.func @transform_0(%arg0: i32) -> (i32, i32) {
    %c0_i32 = arith.constant 0 : i32
    %c0_i32_0 = arith.constant 0 : i32
    return %arg0, %c0_i32 : i32, i32
  }
  func.func @transform_1(%arg0: i32) -> (i32, i32) {
    %c0_i32 = arith.constant 0 : i32
    %c0_i32_0 = arith.constant 0 : i32
    return %arg0, %c0_i32 : i32, i32
  }
  func.func @transform_2(%arg0: i32) -> (i32, i32) {
    %c0_i32 = arith.constant 0 : i32
    %c0_i32_0 = arith.constant 0 : i32
    return %arg0, %c0_i32 : i32, i32
  }
  func.func @transform_3(%arg0: i32) -> (i32, i32) {
    %c0_i32 = arith.constant 0 : i32
    %c0_i32_0 = arith.constant 0 : i32
    return %arg0, %c0_i32 : i32, i32
  }
  func.func @transform_4(%arg0: i32) -> (i32, i32) {
    %c0_i32 = arith.constant 0 : i32
    %c0_i32_0 = arith.constant 0 : i32
    return %arg0, %c0_i32 : i32, i32
  }
  func.func @transform_5(%arg0: i32) -> (i32, i32) {
    %c0_i32 = arith.constant 0 : i32
    %c0_i32_0 = arith.constant 0 : i32
    return %arg0, %c0_i32 : i32, i32
  }
  func.func @transform_6(%arg0: i32) -> (i32, i32) {
    %c0_i32 = arith.constant 0 : i32
    %c0_i32_0 = arith.constant 0 : i32
    %c0_i32_1 = arith.constant 0 : i32
    return %c0_i32, %c0_i32_0 : i32, i32
  }
  func.func @transform_7(%arg0: i32) -> (i32, i32) {
    %c0_i32 = arith.constant 0 : i32
    %c0_i32_0 = arith.constant 0 : i32
    %c0_i32_1 = arith.constant 0 : i32
    return %c0_i32, %c0_i32_0 : i32, i32
  }
  func.func @transform_8(%arg0: i32) -> (i32, i32) {
    %c0_i32 = arith.constant 0 : i32
    %c0_i32_0 = arith.constant 0 : i32
    %c0_i32_1 = arith.constant 0 : i32
    return %c0_i32, %c0_i32_0 : i32, i32
  }
  func.func @transform_9(%arg0: i32) -> (i32, i32) {
    %c0_i32 = arith.constant 0 : i32
    %c0_i32_0 = arith.constant 0 : i32
    return %arg0, %c0_i32 : i32, i32
  }
}

</mosaic_0001>

<sc_bundles>
// kernel: kernel.11.cloned.1.call-start
scs
__scs_entry_jumppad:
0x0: {  	(pc) =	sbr.rel $0x88, $3  }
0x1: {  	(tag) =	ssettag $0x0;
	lr =	simm.s32 $0x1  }
0x2: {  	[smem:$0x3F98] =	sst lr;
	_ =	strace $0xD0000000  }
0x3: {  	_ = 	snop  }
0x4: {  	_ = 	snop  }
0x5: {  	_ = 	snop  }
0x6: {  	_ = 	snop  }
0x7: {  	_ = 	snop  }
__scs_overlays_trampoline_lowered:
0x8: {  	[smem:$0x3FA7] =	sst s0  }
0x9: {  	[smem:$0x3FA8] =	sst s1  }
0xa: {  	[smem:$0x3FA9] =	sst s2  }
0xb: {  	[smem:$0x3FAA] =	sst s3  }
0xc: {  	[smem:$0x3FAB] =	sst s4  }
0xd: {  	[smem:$0x3FAC] =	sst s5  }
0xe: {  	[smem:$0x3FAD] =	sst s6  }
0xf: {  	[smem:$0x3FAE] =	sst s7  }
0x10: {  	[smem:$0x3FAF] =	sst s8  }
0x11: {  	[smem:$0x3FB0] =	sst s9;
	s0 =	simm.s32 @!p0 $0x0  }
0x12: {  	s1 =	sld [smem:$0x3F96];
	s0 =	simm.s32 @p0 $0x1  }
0x13: {  	[smem:$0x3FB1] =	sst s0;
	s0 =	simm.s32 @!p1 $0x0  }
0x14: {  	s2 =	sld [smem:$0x3F95];
	s0 =	simm.s32 @p1 $0x1  }
0x15: {  	[smem:$0x3FB2] =	sst s0;
	s0 =	simm.s32 @!p2 $0x0  }
0x16: {  	s3 =	sld [smem:$0x3FDB];
	s0 =	simm.s32 @p2 $0x1  }
0x17: {  	s4 =	simm.s32 $0x1BF5;
	[smem:$0x3FB4] =	sst s0  }
0x18: {  	s0 =	sld [smem:$0x3F97];
	_ =	swait.ge [sflag:s4], $0x0  }
0x19: {  	s7 =	sld [smem:$0x3F98]  }
0x1a: {  	s8 =	sadd.s32 $0xFFFFE003, lr  }
0x1b: {  	s9 =	sadd.s32 $0xFFFFFEF7, lr;
	s5 =	simm.s32 $0xFFFFFFFF;
	p2 =	slt.u32 s8, $0xFFFFF086  }
0x1c: {  	p1 =	slt.u32 s9, $0xF7A;
	s5 =	simm.s32 @!p2 $0x0  }
0x1d: {  	s5 =	simm.s32 @p1 $0x1;
	p0 =	seq.s32 s7, s2  }
0x1e: {  	s7 =	smul.u32 @!p0 $0xF7A, s2;
	p2 =	seq.s32 @!p0 s5, $0x0  }
0x1f: {  	s9 =	smul.u32 $0xF7A, s1;
	s8 =	simm.s32 @!p0 $0x1BF5;
	p2 =	por !p2, p0  }
0x20: {  	[sflag:s8] =	ssyncset.s32 @!p0 $0xFFFFF086;
	s6 =	sadd.s32 @!p0 s3, s7;
	s7 =	simm.s32 @!p0 $0x108  }
0x21: {  	s3 =	sadd.s32 s3, s9;
	s6 =	sadd.s32 @!p0 $0x88, s6;
	s7 =	simm.s32 @p2 $0x1082  }
0x22: {  	[simem:s7], [sflag:s8] =	dma.local @!p0 [hbm:s6], $0xF7A  }
0x23: {  	s9 =	sor.u32 $0xD0000000, s2;
	s6 =	simm.s32 $0x108;
	_ =	swait.ge @!p0 [sflag:s8], $0x0  }
0x24: {  	s3 =	sadd.s32 $0x88, s3;
	s6 =	simm.s32 @!p1 $0x1082;
	[sflag:s4] =	ssyncset.s32 $0xFFFFF086  }
0x25: {  	[simem:s6], [sflag:s4] =	dma.local [hbm:s3], $0xF7A  }
0x26: {  	[smem:$0x3F98] =	sst s1;
	(tag) =	ssettag s2;
	_ =	strace s9  }
0x27: {  	s1 =	sld [smem:$0x3FA8]  }
0x28: {  	s2 =	sld [smem:$0x3FA9]  }
0x29: {  	s4 =	sld [smem:$0x3FAB]  }
0x2a: {  	p0 =	seq.s32 s5, $0x0;
	s5 =	sld [smem:$0x3FAC]  }
0x2b: {  	s6 =	sld [smem:$0x3FAD]  }
0x2c: {  	s7 =	sld [smem:$0x3FAE]  }
0x2d: {  	s3 =	simm.s32 $0x108;
	s8 =	sld [smem:$0x3FAF]  }
0x2e: {  	s3 =	simm.s32 @!p0 $0x1082;
	s9 =	sld [smem:$0x3FB0]  }
0x2f: {  	lr =	sadd.s32 s0, s3;
	s0 =	sld [smem:$0x3FA7]  }
0x30: {  	s3 =	sld [smem:$0x3FAA]  }
0x31: {  	[smem:$0x3FB3] =	sst s10  }
0x32: {  	s10 =	sld [smem:$0x3FB1];
	_ =	sdelay $0x3  }
0x33: {  	p0 =	seq.s32 s10, $0x1;
	s10 =	sld [smem:$0x3FB3];
	_ =	sdelay $0x3  }
0x34: {  	[smem:$0x3FB3] =	sst s10  }
0x35: {  	s10 =	sld [smem:$0x3FB2];
	_ =	sdelay $0x3  }
0x36: {  	p1 =	seq.s32 s10, $0x1;
	s10 =	sld [smem:$0x3FB3];
	_ =	sdelay $0x3  }
0x37: {  	[smem:$0x3FB3] =	sst s10  }
0x38: {  	s10 =	sld [smem:$0x3FB4]  }
0x39: {  	_ = 	snop;
	(pc) =	sbr.ind lr, $3  }
0x3a: {  	_ = 	snop  }
0x3b: {  	_ = 	snop  }
0x3c: {  	p2 =	seq.s32 s10, $0x1;
	s10 =	sld [smem:$0x3FB3]  }
0x3d: {  	_ =	shalt  }
0x3e: {  	_ =	shalt  }
0x3f: {  	_ =	shalt  }
0x40: {  	_ =	shalt  }
0x41: {  	_ =	shalt  }
0x42: {  	_ =	shalt  }
0x43: {  	_ =	shalt  }
0x44: {  	_ =	shalt  }
0x45: {  	_ =	shalt  }
0x46: {  	_ =	shalt  }
0x47: {  	_ =	shalt  }
0x48: {  	_ =	shalt  }
0x49: {  	_ =	shalt  }
0x4a: {  	_ =	shalt  }
0x4b: {  	_ =	shalt  }
0x4c: {  	_ =	shalt  }
0x4d: {  	_ =	shalt  }
0x4e: {  	_ =	shalt  }
0x4f: {  	_ =	shalt  }
0x50: {  	_ =	shalt  }
0x51: {  	_ =	shalt  }
0x52: {  	_ =	shalt  }
0x53: {  	_ =	shalt  }
0x54: {  	_ =	shalt  }
0x55: {  	_ =	shalt  }
0x56: {  	_ =	shalt  }
0x57: {  	_ =	shalt  }
0x58: {  	_ =	shalt  }
0x59: {  	_ =	shalt  }
0x5a: {  	_ =	shalt  }
0x5b: {  	_ =	shalt  }
0x5c: {  	_ =	shalt  }
0x5d: {  	_ =	shalt  }
0x5e: {  	_ =	shalt  }
0x5f: {  	_ =	shalt  }
0x60: {  	_ =	shalt  }
0x61: {  	_ =	shalt  }
0x62: {  	_ =	shalt  }
0x63: {  	_ =	shalt  }
0x64: {  	_ =	shalt  }
0x65: {  	_ =	shalt  }
0x66: {  	_ =	shalt  }
0x67: {  	_ =	shalt  }
0x68: {  	_ =	shalt  }
0x69: {  	_ =	shalt  }
0x6a: {  	_ =	shalt  }
0x6b: {  	_ =	shalt  }
0x6c: {  	_ =	shalt  }
0x6d: {  	_ =	shalt  }
0x6e: {  	_ =	shalt  }
0x6f: {  	_ =	shalt  }
0x70: {  	_ =	shalt  }
0x71: {  	_ =	shalt  }
0x72: {  	_ =	shalt  }
0x73: {  	_ =	shalt  }
0x74: {  	_ =	shalt  }
0x75: {  	_ =	shalt  }
0x76: {  	_ =	shalt  }
0x77: {  	_ =	shalt  }
0x78: {  	_ =	shalt  }
0x79: {  	_ =	shalt  }
0x7a: {  	_ =	shalt  }
0x7b: {  	_ =	shalt  }
0x7c: {  	_ =	shalt  }
0x7d: {  	_ =	shalt  }
0x7e: {  	_ =	shalt  }
0x7f: {  	_ =	shalt  }
0x80: {  	_ =	shalt  }
0x81: {  	_ =	shalt  }
0x82: {  	_ =	shalt  }
0x83: {  	_ =	shalt  }
0x84: {  	_ =	shalt  }
0x85: {  	_ =	shalt  }
0x86: {  	_ =	shalt  }
0x87: {  	_ =	shalt  }
.Lfunc_end0:
.L_simem_size_0:
called_computation.1_lowered:
.L_overlay_start_0:
0x88: {  	s2 =	sld [smem:$0x3FD9]  }
0x89: {  	s3 =	sld [smem:$0x3FFE];
	_ =	sdelay $0x1  }
0x8a: {  	s1 =	srdreg.scid  }
0x8b: {  	s0 =	sand.u32 $0x1, s1  }
0x8c: {  	s16 =	sshll.u32 s0, $0xA;
	s2 =	sadd.s32 s3, s2  }
0x8d: {  	s2 =	sadd.s32 s2, s16  }
0x8e: {  	[smem:$0x3FBF] =	sst s2  }
0x8f: {  	_ = 	snop  }
0x90: {  	(tm) =	ssettm $0x1  }
0x91: {  	s17 =	sld [smem:$0x3FFB];
	_ =	sdelay $0x3  }
0x92: {  	_ =	strace s17  }
0x93: {  	s2 =	sld [smem:$0x3FFC];
	_ =	sdelay $0x3  }
0x94: {  	_ =	strace s2  }
0x95: {  	s2 =	sld [smem:$0x3FFD];
	_ =	sdelay $0x3  }
0x96: {  	_ =	strace s2  }
0x97: {  	_ =	strace $0x8FFFFFFF  }
0x98: {  	s18 =	sld [smem:$0x3FDB];
	_ =	sdelay $0x1  }
0x99: {  	s19 =	simm.s32 $_scs_section_size  }
0x9a: {  	s4 =	simm.s32 $_size__tile_overlayer_lowered;
	s5 =	simm.s32 $_tile_overlayer_lowered  }
0x9b: {  	s22 =	simm.s32 $0x1BFF;
	s21 =	sshll.u32 s5, $0x1;
	s2 =	sadd.s32 s19, s18  }
0x9c: {  	s6 =	simm.s32 $0x0;
	s20 =	sshll.u32 s4, $0x1;
	s4 =	sadd.s32 s21, s2  }
0x9d: {  	[timem:s6], [sflag:s22] =	dma.local [hbm:s4], s20  }
0x9e: {  	_ =	swait.ge [sflag:s22], s20  }
0x9f: {  	s3 =	ssub.s32 $0x0, s20;
	[sflag:s22] =	ssyncset.done $0x0  }
0xa0: {  	[sflag:s22] =	ssyncadd.s32 s3;
	_ =	sdelay $0x1  }
0xa1: {  	s23 =	simm.s32 $0x1B8B  }
0xa2: {  	_ =	swait.ge [sflag:s23], $0x1  }
0xa3: {  	[sflag:s23] =	ssyncset.done $0x0  }
0xa4: {  	s25 =	simm.s32 $0x1B8E;
	s24 =	sld [smem:$0x3FFE];
	[sflag:s23] =	ssyncadd.s32 $0xFFFFFFFF  }
0xa5: {  	s26 =	simm.s32 $execute0_lowered;
	[smem:$0x3FD2] =	sst s25  }
0xa6: {  	s4 =	sshll.u32 s26, $0x1;
	_ =	strace $0x80000049;
	[dreg:$0x1] =	wrdreg $0xFFFFFFFF  }
0xa7: {  	s28 =	simm.s32 $_size_execute0_lowered;
	s2 =	sadd.s32 s2, s4;
	[dreg:$0x0] =	wrdreg $0x0  }
0xa8: {  	s4 =	sshll.u32 s28, $0x1;
	[dreg:$0x2] =	wrdreg s2  }
0xa9: {  	[dreg:$0x3] =	wrdreg s4  }
0xaa: {  	[dreg:$0x4] =	wrdreg $0xC0  }
0xab: {  	_ =	task [dreg:s6], $0x5FFFF  }
0xac: {  	[dreg:$0x1] =	wrdreg $0xFFFFFFFF  }
0xad: {  	[dreg:$0x0] =	wrdreg $0x60  }
0xae: {  	[dreg:$0x2] =	wrdreg s24  }
0xaf: {  	[dreg:$0x3] =	wrdreg $0xA8000  }
0xb0: {  	[dreg:$0x4] =	wrdreg $0x9  }
0xb1: {  	_ =	task.clear_ibuf [dreg:s6], $0x5FFFF;
	_ =	strace $0x90000049  }
0xb2: {  	s29 =	simm.s32 $0x9;
	_ =	strace $0x8000004B  }
0xb3: {  	_ =	swait.ge [sflag:s29], $0x1  }
0xb4: {  	[sflag:s29] =	ssyncadd.s32 $0xFFFFFFFF  }
0xb5: {  	_ =	strace $0x9000004B  }
0xb6: {  	_ =	sfence  }
0xb7: {  	s30 =	sld [smem:$0x0];
	_ =	sdelay $0x2  }
0xb8: {  	s31 =	sshll.u32 s1, $0xD;
	s1 =	sshrl.u32 s1, $0x2  }
0xb9: {  	s3 =	sand.u32 $0x4000, s31;
	s1 =	sadd.s32 s1, s30  }
0xba: {  	s0 =	sor.u32 s3, s0;
	s1 =	sshll.u32 s1, $0x11  }
0xbb: {  	s0 =	sor.u32 s1, s0  }
0xbc: {  	s0 =	sadd.s32 $0x8F2B, s0  }
0xbd: {  	[sflag:s0] =	ssyncadd.remote.s32 $0x1  }
0xbe: {  	_ =	sfence.sel $0xFFFF  }
0xbf: {  	[dreg:$0x0] =	wrdreg $0xFFFFFFFF;
	(pc) =	sbr.abs _section_cstart, $3  }
0xc0: {  	[dreg:$0x1] =	wrdreg $0xFFFFFFFF  }
0xc1: {  	_ =	task.clear_ibuf [dreg:s6], $0x2FFFF;
	_ =	strace $0x9FFFFFFF  }
0xc2: {  	(tm) =	ssettm $0x7FFFFFFF  }
0xc3: {  	_ =	shalt  }
tec
execute0_lowered:
.L_overlay_start_1:
0x0: {  	(tag) =	ssettag $0x1  }
0x1: {  	s8 =	rddreg [dreg:$0x0]  }
0x2: {  	s1 =	rddreg [dreg:$0x1];
	s2 =	simm.s32 $0x0  }
0x3: {  	s7 =	srdreg.scid;
	s4 =	stileid.u32;
	s22 =	simm.s32 $0x80  }
0x4: {  	s23 =	simm.s32 $0x2800;
	s24 =	simm.s32 $0x4;
	s25 =	simm.s32 $0x0  }
0x5: {  	[smem:$0x7FF] =	sst s2;
	s3 =	sadd.s32 $0xD800, s8;
	s5 =	sadd.s32 $0x34A00, s8  }
0x6: {  	s13 =	sadd.s32 $0x8800, s8;
	s14 =	sadd.s32 $0x3800, s8;
	s9 =	smul.u32 $0x4E000, s4  }
0x7: {  	s6 =	sadd.s32 $0x82E00, s8;
	s21 =	sand.u32 $0x1, s7;
	s12 =	smul.u32 $0x2800, s4  }
0x8: {  	s7 =	sadd.s32 $0x85600, s8;
	s8 =	sadd.s32 $0xAC800, s8;
	s15 =	smul.u32 $0x500, s4  }
0x9: {  	s30 =	sshll.u32 s4, $0x6;
	s19 =	smul.u32 $0x2700, s4;
	p0 =	sne.s32 s4, $0xF  }
0xa: {  	p2 =	seq.s32 s4, $0xF;
	_ =	strace $0x8000004A;
	s10 =	ssub.s32 $0x2, s21  }
0xb: {  	p1 =	sne.s32 s21, $0x0;
	s21 =	simm.s32 $0x1400;
	s11 =	sshrl.u32 s10, $0x1  }
0xc: {  	s9 =	sshrl.u32 s9, $0x2;
	s31 =	sshrl.u32 s12, $0x3;
	s12 =	sadd.s32 s14, s15  }
.Ltmp0:
0xd: {  	s17 =	ssub.s32 s10, s11;
	s18 =	sadd.s32 s9, s1;
	(pc) =	sbr.rel .LBB2_1-.Ltmp0, $4  }
0xe: {  	s9 =	sor.u32 $0x1C05, s30;
	s10 =	sadd.s32 $0x138000, s1;
	s16 =	sadd.s32 $0x280, s31  }
0xf: {  	s11 =	sadd.s32 s13, s15;
	s15 =	sadd.s32 s8, s19;
	s13 =	sadd.s32 s13, s16  }
0x10: {  	s14 =	sadd.s32 s14, s16;
	s16 =	sadd.s32 s7, s19;
	s17 =	smax.u32 s17, $0x1  }
0x11: {  	s18 =	sshrl.u32 s18, $0x3;
	s19 =	simm.s32 $0x5;
	s20 =	sshrl.u32 @!p0 s10, $0x3  }
.LBB2_20:
0x12: {  	s0 =	sadd.s32 $0x27000, s26;
	s31 =	sshrl.u32 s10, $0x3  }
0x13: {  	[hbm:s0], [sflag:s9] =	dma.local [spmem:s31], $0x100  }
0x14: {  	_ =	swait.ge [sflag:s19], $0x100  }
0x15: {  	[sflag:s19] =	ssyncset.done $0x0  }
0x16: {  	[sflag:s19] =	ssyncadd.s32 $0xFFFFFF00  }
.LBB2_21:
0x17: {  	s25 =	sadd.s32 $0x1, s25  }
0x18: {  	p3 =	sne.s32 s25, s17  }
.Ltmp1:
0x19: {  	_ = 	snop;
	(pc) =	sbr.rel @!p3 .LBB2_22-.Ltmp1, $1  }
0x1a: {  	_ =	sdelay $0x3  }
.LBB2_1:
0x1b: {  	[spmem:s18], [sflag:s9] =	dma.local [hbm:s6], $0x2700  }
0x1c: {  	_ =	swait.ge [sflag:s19], $0x2700  }
0x1d: {  	[sflag:s19] =	ssyncset.done $0x0  }
0x1e: {  	s26 =	simm.s32 @!p0 $0x5;
	[sflag:s19] =	ssyncadd.s32 $0xFFFFD900  }
0x1f: {  	[spmem:s20], [sflag:s9] =	dma.local @!p0 [hbm:s6], $0x200  }
0x20: {  	_ =	swait.ge @!p0 [sflag:s26], $0x200  }
0x21: {  	[sflag:s26] =	ssyncset.done @!p0 $0x0  }
0x22: {  	[sflag:s26] =	ssyncadd.s32 @!p0 $0xFFFFFE00  }
0x23: {  	[bflag:$0x0] =	sbarrier.arrive $0xFFFF  }
0x24: {  	[tilespmem:s2], [sflag:$0x5] =	stream.linear.gather [hbm4b:s11+s2], $0x1400, $0x38;
	[tilespmem:$0x1E100] =	vst v63  }
0x25: {  	_ =	swait.ge [sflag:s19], $0x1400  }
0x26: {  	[sflag:s19] =	ssyncset.done $0x0  }
.Ltmp2:
0x27: {  	[sflag:s19] =	ssyncadd.s32 $0xFFFFEC00;
	(pc) =	sbr.rel @p1 .LBB2_11-.Ltmp2, $4  }
0x28: {  	[tilespmem:s21], [sflag:$0x5] =	stream.linear.gather [hbm4b:s12+s2], $0x1400, $0x38;
	[tilespmem:$0x1E100] =	vst v63  }
0x29: {  	_ =	swait.ge [sflag:s19], $0x1400  }
0x2a: {  	[sflag:s19] =	ssyncset.done $0x0  }
0x2b: {  	s28 =	simm.s32 $0x0;
	[sflag:s19] =	ssyncadd.s32 $0xFFFFEC00  }
.Ltmp3:
0x2c: {  	(pc) =	sbr.rel .LBB2_3-.Ltmp3, $2  }
0x2d: {  	_ =	sdelay $0x2  }
0x2e: {  	[tilespmem:s23], [sflag:$0x1] =	stream.indirect.gather [hbm4b:s3+s22], $0x80, s28, s22, $0xb8;
	[tilespmem:$0x1E100] =	vst v63  }
.LBB2_5:
0x2f: {  	s0 =	sadd.s32 $0x1, s26;
	s28 =	sshll.u32 s28, $0x7;
	p3 =	slt.u32 s29, $0x28  }
.Ltmp4:
0x30: {  	s30 =	sshll.u32 s26, $0xE;
	_ =	swait.ge [sflag:s0], $0x4000;
	(pc) =	sbr.rel @!p3 .LBB2_6-.Ltmp4, $4  }
0x31: {  	s31 =	sadd.s32 $0x3, s26;
	s28 =	sand.u32 $0x3FFFFF80, s28;
	[sflag:s0] =	ssyncset.done $0x0  }
0x32: {  	s28 =	sadd.s32 $0x1400, s28;
	[sflag:s0] =	ssyncadd.s32 $0xFFFFC000;
	s0 =	sor.u32 $0x2800, s30  }
0x33: {  	[spmem:s1] =	stream.indirect.scatter.add.f32 [tilespmem:s0], [sflag:s31], $0x80, s28, s22, $0xb8;
	[tilespmem:$0x1E100] =	vst v63  }
0x34: {  	s28 =	smov.u32 s29  }
.LBB2_3:
0x35: {  	p3 =	seq.s32 s28, $0x0  }
0x36: {  	p4 =	seq.s32 @!p3 s28, $0x27  }
0x37: {  	s26 =	sand.u32 $0x1, s28;
	p4 =	por p3, !p4  }
.Ltmp5:
0x38: {  	s30 =	sxor.u32 $0x1, s26;
	(pc) =	sbr.rel @!p4 .LBB2_5-.Ltmp5, $4  }
0x39: {  	s29 =	sadd.s32 @!p3 $0x3, s30  }
0x3a: {  	_ =	swait.ge @!p3 [sflag:s29], $0x4000  }
0x3b: {  	[sflag:s29] =	ssyncset.done @!p3 $0x0  }
0x3c: {  	[sflag:s29] =	ssyncadd.s32 @!p3 $0xFFFFC000;
	s29 =	simm.s32 @!p3 $0x28  }
.Ltmp6:
0x3d: {  	s29 =	sadd.s32 @!p3 $0x1, s28;
	(pc) =	sbr.rel .LBB2_5-.Ltmp6, $4  }
0x3e: {  	s29 =	simm.s32 @p3 $0x1  }
0x3f: {  	s31 =	sshll.u32 s30, $0xE;
	s0 =	sshll.u32 s29, $0x7  }
0x40: {  	s30 =	sadd.s32 $0x1, s30;
	s31 =	sor.u32 $0x2800, s31;
	s0 =	sand.u32 $0x3FFFFF80, s0  }
0x41: {  	[tilespmem:s31], [sflag:s30] =	stream.indirect.gather [hbm4b:s3+s22], $0x80, s0, s22, $0xb8;
	[tilespmem:$0x1E100] =	vst v63  }
.LBB2_11:
.Ltmp7:
0x42: {  	(pc) =	sbr.rel .LBB2_12-.Ltmp7, $2  }
0x43: {  	_ =	sdelay $0x2  }
0x44: {  	[tilespmem:s23], [sflag:$0x1] =	stream.indirect.gather [hbm4b:s5+s22], $0x80, s28, s22, $0xb8;
	[tilespmem:$0x1E100] =	vst v63  }
.LBB2_14:
0x45: {  	s0 =	sadd.s32 $0x1, s26;
	s28 =	sshll.u32 s28, $0x7;
	p3 =	slt.u32 s29, $0x28  }
.Ltmp8:
0x46: {  	s30 =	sshll.u32 s26, $0xE;
	_ =	swait.ge [sflag:s0], $0x4000;
	(pc) =	sbr.rel @!p3 .LBB2_15-.Ltmp8, $4  }
0x47: {  	s31 =	sadd.s32 $0x3, s26;
	s28 =	sand.u32 $0x3FFFFF80, s28;
	[sflag:s0] =	ssyncset.done $0x0  }
0x48: {  	s28 =	sadd.s32 $0x1400, s28;
	[sflag:s0] =	ssyncadd.s32 $0xFFFFC000;
	s0 =	sor.u32 $0x2800, s30  }
0x49: {  	[spmem:s1] =	stream.indirect.scatter.add.f32 [tilespmem:s0], [sflag:s31], $0x80, s28, s22, $0xb8;
	[tilespmem:$0x1E100] =	vst v63  }
0x4a: {  	s28 =	smov.u32 s29  }
.LBB2_12:
0x4b: {  	p3 =	seq.s32 s28, $0x0  }
0x4c: {  	p4 =	seq.s32 @!p3 s28, $0x27  }
0x4d: {  	s26 =	sand.u32 $0x1, s28;
	p4 =	por p3, !p4  }
.Ltmp9:
0x4e: {  	s30 =	sxor.u32 $0x1, s26;
	(pc) =	sbr.rel @!p4 .LBB2_14-.Ltmp9, $4  }
0x4f: {  	s0 =	sadd.s32 @!p3 $0x3, s30  }
0x50: {  	_ =	swait.ge @!p3 [sflag:s0], $0x4000  }
0x51: {  	[sflag:s0] =	ssyncset.done @!p3 $0x0  }
0x52: {  	s29 =	simm.s32 @!p3 $0x28;
	[sflag:s0] =	ssyncadd.s32 @!p3 $0xFFFFC000  }
.Ltmp10:
0x53: {  	s29 =	sadd.s32 @!p3 $0x1, s28;
	(pc) =	sbr.rel .LBB2_14-.Ltmp10, $4  }
0x54: {  	s29 =	simm.s32 @p3 $0x1  }
0x55: {  	s0 =	sshll.u32 s30, $0xE;
	s31 =	sshll.u32 s29, $0x7  }
0x56: {  	s30 =	sadd.s32 $0x1, s30;
	s0 =	sor.u32 $0x2800, s0;
	s31 =	sand.u32 $0x3FFFFF80, s31  }
0x57: {  	[tilespmem:s0], [sflag:s30] =	stream.indirect.gather [hbm4b:s5+s22], $0x80, s31, s22, $0xb8;
	[tilespmem:$0x1E100] =	vst v63  }
.LBB2_6:
0x58: {  	_ =	swait.ge [sflag:s24], $0x4000  }
0x59: {  	[sflag:s24] =	ssyncset.done $0x0  }
0x5a: {  	s26 =	simm.s32 $0x0;
	[sflag:s24] =	ssyncadd.s32 $0xFFFFC000  }
0x5b: {  	[tilespmem:s26], [sflag:$0x5] =	stream.linear.gather [hbm4b:s13+s26], $0x1400, $0x38;
	[tilespmem:$0x1E100] =	vst v63  }
0x5c: {  	_ =	swait.ge [sflag:s19], $0x1400  }
0x5d: {  	[sflag:s19] =	ssyncset.done $0x0  }
0x5e: {  	[sflag:s19] =	ssyncadd.s32 $0xFFFFEC00  }
0x5f: {  	[tilespmem:s21], [sflag:$0x5] =	stream.linear.gather [hbm4b:s14+s26], $0x1400, $0x38;
	[tilespmem:$0x1E100] =	vst v63  }
.Ltmp11:
0x60: {  	_ = 	snop;
	(pc) =	sbr.rel .LBB2_7-.Ltmp11, $4  }
0x61: {  	_ =	swait.ge [sflag:s19], $0x1400  }
0x62: {  	[sflag:s19] =	ssyncset.done $0x0  }
0x63: {  	[sflag:s19] =	ssyncadd.s32 $0xFFFFEC00  }
0x64: {  	[tilespmem:s23], [sflag:$0x1] =	stream.indirect.gather [hbm4b:s3+s22], $0x80, s26, s22, $0xb8;
	[tilespmem:$0x1E100] =	vst v63  }
.LBB2_9:
0x65: {  	s0 =	sadd.s32 $0x1, s28;
	s26 =	sshll.u32 s26, $0x7;
	p3 =	slt.u32 s29, $0x28  }
.Ltmp12:
0x66: {  	s30 =	sshll.u32 s28, $0xE;
	_ =	swait.ge [sflag:s0], $0x4000;
	(pc) =	sbr.rel @!p3 .LBB2_10-.Ltmp12, $4  }
0x67: {  	s31 =	sadd.s32 $0x3, s28;
	s26 =	sand.u32 $0x3FFFFF80, s26;
	[sflag:s0] =	ssyncset.done $0x0  }
0x68: {  	s26 =	sadd.s32 $0x1400, s26;
	[sflag:s0] =	ssyncadd.s32 $0xFFFFC000;
	s0 =	sor.u32 $0x2800, s30  }
0x69: {  	[spmem:s1] =	stream.indirect.scatter.add.f32 [tilespmem:s0], [sflag:s31], $0x80, s26, s22, $0xb8;
	[tilespmem:$0x1E100] =	vst v63  }
0x6a: {  	s26 =	smov.u32 s29  }
.LBB2_7:
0x6b: {  	p3 =	seq.s32 s26, $0x0  }
0x6c: {  	p4 =	seq.s32 @!p3 s26, $0x27  }
0x6d: {  	s28 =	sand.u32 $0x1, s26;
	p4 =	por p3, !p4  }
.Ltmp13:
0x6e: {  	s30 =	sxor.u32 $0x1, s28;
	(pc) =	sbr.rel @!p4 .LBB2_9-.Ltmp13, $4  }
0x6f: {  	s0 =	sadd.s32 @!p3 $0x3, s30  }
0x70: {  	_ =	swait.ge @!p3 [sflag:s0], $0x4000  }
0x71: {  	[sflag:s0] =	ssyncset.done @!p3 $0x0  }
0x72: {  	s29 =	simm.s32 @!p3 $0x28;
	[sflag:s0] =	ssyncadd.s32 @!p3 $0xFFFFC000  }
.Ltmp14:
0x73: {  	s29 =	sadd.s32 @!p3 $0x1, s26;
	(pc) =	sbr.rel .LBB2_9-.Ltmp14, $4  }
0x74: {  	s29 =	simm.s32 @p3 $0x1  }
0x75: {  	s0 =	sshll.u32 s30, $0xE;
	s31 =	sshll.u32 s29, $0x7  }
0x76: {  	s30 =	sadd.s32 $0x1, s30;
	s0 =	sor.u32 $0x2800, s0;
	s31 =	sand.u32 $0x3FFFFF80, s31  }
0x77: {  	[tilespmem:s0], [sflag:s30] =	stream.indirect.gather [hbm4b:s3+s22], $0x80, s31, s22, $0xb8;
	[tilespmem:$0x1E100] =	vst v63  }
.LBB2_15:
0x78: {  	_ =	swait.ge [sflag:s24], $0x4000  }
0x79: {  	[sflag:s24] =	ssyncset.done $0x0  }
0x7a: {  	s26 =	simm.s32 $0x0;
	[sflag:s24] =	ssyncadd.s32 $0xFFFFC000  }
0x7b: {  	[tilespmem:s26], [sflag:$0x5] =	stream.linear.gather [hbm4b:s13+s26], $0x1400, $0x38;
	[tilespmem:$0x1E100] =	vst v63  }
0x7c: {  	_ =	swait.ge [sflag:s19], $0x1400  }
0x7d: {  	[sflag:s19] =	ssyncset.done $0x0  }
0x7e: {  	[sflag:s19] =	ssyncadd.s32 $0xFFFFEC00  }
0x7f: {  	[tilespmem:s21], [sflag:$0x5] =	stream.linear.gather [hbm4b:s14+s26], $0x1400, $0x38;
	[tilespmem:$0x1E100] =	vst v63  }
.Ltmp15:
0x80: {  	_ = 	snop;
	(pc) =	sbr.rel .LBB2_16-.Ltmp15, $4  }
0x81: {  	_ =	swait.ge [sflag:s19], $0x1400  }
0x82: {  	[sflag:s19] =	ssyncset.done $0x0  }
0x83: {  	[sflag:s19] =	ssyncadd.s32 $0xFFFFEC00  }
0x84: {  	[tilespmem:s23], [sflag:$0x1] =	stream.indirect.gather [hbm4b:s5+s22], $0x80, s26, s22, $0xb8;
	[tilespmem:$0x1E100] =	vst v63  }
.LBB2_18:
0x85: {  	s0 =	sadd.s32 $0x1, s28;
	s26 =	sshll.u32 s26, $0x7;
	p3 =	slt.u32 s29, $0x28  }
.Ltmp16:
0x86: {  	s30 =	sshll.u32 s28, $0xE;
	_ =	swait.ge [sflag:s0], $0x4000;
	(pc) =	sbr.rel @!p3 .LBB2_19-.Ltmp16, $4  }
0x87: {  	s31 =	sadd.s32 $0x3, s28;
	s26 =	sand.u32 $0x3FFFFF80, s26;
	[sflag:s0] =	ssyncset.done $0x0  }
0x88: {  	s26 =	sadd.s32 $0x1400, s26;
	[sflag:s0] =	ssyncadd.s32 $0xFFFFC000;
	s0 =	sor.u32 $0x2800, s30  }
0x89: {  	[spmem:s1] =	stream.indirect.scatter.add.f32 [tilespmem:s0], [sflag:s31], $0x80, s26, s22, $0xb8;
	[tilespmem:$0x1E100] =	vst v63  }
0x8a: {  	s26 =	smov.u32 s29  }
.LBB2_16:
0x8b: {  	p3 =	seq.s32 s26, $0x0  }
0x8c: {  	p4 =	seq.s32 @!p3 s26, $0x27  }
0x8d: {  	s28 =	sand.u32 $0x1, s26;
	p4 =	por p3, !p4  }
.Ltmp17:
0x8e: {  	s30 =	sxor.u32 $0x1, s28;
	(pc) =	sbr.rel @!p4 .LBB2_18-.Ltmp17, $4  }
0x8f: {  	s0 =	sadd.s32 @!p3 $0x3, s30  }
0x90: {  	_ =	swait.ge @!p3 [sflag:s0], $0x4000  }
0x91: {  	[sflag:s0] =	ssyncset.done @!p3 $0x0  }
0x92: {  	s29 =	simm.s32 @!p3 $0x28;
	[sflag:s0] =	ssyncadd.s32 @!p3 $0xFFFFC000  }
.Ltmp18:
0x93: {  	s29 =	sadd.s32 @!p3 $0x1, s26;
	(pc) =	sbr.rel .LBB2_18-.Ltmp18, $4  }
0x94: {  	s29 =	simm.s32 @p3 $0x1  }
0x95: {  	s0 =	sshll.u32 s30, $0xE;
	s31 =	sshll.u32 s29, $0x7  }
0x96: {  	s30 =	sadd.s32 $0x1, s30;
	s0 =	sor.u32 $0x2800, s0;
	s31 =	sand.u32 $0x3FFFFF80, s31  }
0x97: {  	[tilespmem:s0], [sflag:s30] =	stream.indirect.gather [hbm4b:s5+s22], $0x80, s31, s22, $0xb8;
	[tilespmem:$0x1E100] =	vst v63  }
.LBB2_10:
0x98: {  	_ =	swait.ge [sflag:s24], $0x4000  }
0x99: {  	[sflag:s24] =	ssyncset.done $0x0  }
0x9a: {  	[sflag:s24] =	ssyncadd.s32 $0xFFFFC000  }
0x9b: {  	[bflag:$0x0] =	sbarrier.arrive $0xFFFF  }
0x9c: {  	[hbm:s16], [sflag:s9] =	dma.local [spmem:s18], $0x2700  }
.Ltmp19:
0x9d: {  	_ = 	snop;
	(pc) =	sbr.rel @p2 .LBB2_20-.Ltmp19, $4  }
.Ltmp20:
0x9e: {  	_ = 	snop;
	(pc) =	sbr.rel @!p2 .LBB2_21-.Ltmp20, $4  }
0x9f: {  	_ =	swait.ge [sflag:s19], $0x2700  }
0xa0: {  	[sflag:s19] =	ssyncset.done $0x0  }
0xa1: {  	s26 =	smov.u32 s7;
	[sflag:s19] =	ssyncadd.s32 $0xFFFFD900  }
0xa2: {  	_ = 	snop  }
.LBB2_19:
0xa3: {  	_ =	swait.ge [sflag:s24], $0x4000  }
0xa4: {  	[sflag:s24] =	ssyncset.done $0x0  }
0xa5: {  	[sflag:s24] =	ssyncadd.s32 $0xFFFFC000  }
0xa6: {  	[bflag:$0x0] =	sbarrier.arrive $0xFFFF  }
0xa7: {  	[hbm:s15], [sflag:s9] =	dma.local [spmem:s18], $0x2700  }
.Ltmp21:
0xa8: {  	_ = 	snop;
	(pc) =	sbr.rel @p0 .LBB2_21-.Ltmp21, $4  }
.Ltmp22:
0xa9: {  	_ = 	snop;
	(pc) =	sbr.rel @!p0 .LBB2_20-.Ltmp22, $4  }
0xaa: {  	_ =	swait.ge [sflag:s19], $0x2700  }
0xab: {  	[sflag:s19] =	ssyncset.done $0x0  }
0xac: {  	s26 =	smov.u32 s8;
	[sflag:s19] =	ssyncadd.s32 $0xFFFFD900  }
0xad: {  	_ = 	snop  }
.LBB2_22:
0xae: {  	_ =	sfence.sel $0x180000  }
0xaf: {  	[bflag:$0x0] =	sbarrier.arrive $0xFFFF  }
0xb0: {  	_ =	strace $0x9000004A  }
0xb1: {  	[bflag:$0x2] =	sbarrier.arrive $0xFFFF  }
0xb2: {  	p0 =	sne.s32 s4, $0x0;
	s0 =	rddreg [dreg:$0x2]  }
0xb3: {  	s0 =	sadd.s32 @!p0 $0x100000, s0  }
0xb4: {  	[sflag:s0] =	ssyncadd.tile.s32 @!p0 $0x1;
	_ =	shalt  }
.Lfunc_end2:
_tile_overlayer_lowered:
.L_overlay_start_2:
0xb5: {  	(tag) =	ssettag $0x2  }
0xb6: {  	s0 =	rddreg [dreg:$0x0];
	s2 =	stileid.u32  }
0xb7: {  	s1 =	rddreg [dreg:$0x1];
	p0 =	sne.s32 s2, $0x0  }
0xb8: {  	s3 =	rddreg [dreg:$0x2];
	[bflag:$0x3] =	sbarrier.arrive $0xFFFF;
	s2 =	simm.s32 @!p0 $0x1C05  }
0xb9: {  	[timem:s3], [sflag:s2] =	dma.local @!p0 [hbm:s0], s1  }
0xba: {  	s0 =	simm.s32 @!p0 $0x5  }
0xbb: {  	_ =	swait.ge @!p0 [sflag:s0], s1  }
0xbc: {  	s1 =	ssub.s32 @!p0 $0x0, s1;
	[sflag:s0] =	ssyncset.done @!p0 $0x0  }
0xbd: {  	[sflag:s0] =	ssyncadd.s32 @!p0 s1  }
0xbe: {  	[bflag:$0x3] =	sbarrier.arrive $0xFFFF  }
0xbf: {  	_ =	shalt  }

// kernel: kernel.14.cloned.1.call-start
scs
__scs_entry_jumppad:
0x0: {  	(pc) =	sbr.rel $0x88, $3  }
0x1: {  	(tag) =	ssettag $0x0;
	lr =	simm.s32 $0x1  }
0x2: {  	[smem:$0x3F98] =	sst lr;
	_ =	strace $0xD0000000  }
0x3: {  	_ = 	snop  }
0x4: {  	_ = 	snop  }
0x5: {  	_ = 	snop  }
0x6: {  	_ = 	snop  }
0x7: {  	_ = 	snop  }
__scs_overlays_trampoline_lowered:
0x8: {  	[smem:$0x3FA7] =	sst s0  }
0x9: {  	[smem:$0x3FA8] =	sst s1  }
0xa: {  	[smem:$0x3FA9] =	sst s2  }
0xb: {  	[smem:$0x3FAA] =	sst s3  }
0xc: {  	[smem:$0x3FAB] =	sst s4  }
0xd: {  	[smem:$0x3FAC] =	sst s5  }
0xe: {  	[smem:$0x3FAD] =	sst s6  }
0xf: {  	[smem:$0x3FAE] =	sst s7  }
0x10: {  	[smem:$0x3FAF] =	sst s8  }
0x11: {  	[smem:$0x3FB0] =	sst s9;
	s0 =	simm.s32 @!p0 $0x0  }
0x12: {  	s1 =	sld [smem:$0x3F96];
	s0 =	simm.s32 @p0 $0x1  }
0x13: {  	[smem:$0x3FB1] =	sst s0;
	s0 =	simm.s32 @!p1 $0x0  }
0x14: {  	s2 =	sld [smem:$0x3F95];
	s0 =	simm.s32 @p1 $0x1  }
0x15: {  	[smem:$0x3FB2] =	sst s0;
	s0 =	simm.s32 @!p2 $0x0  }
0x16: {  	s3 =	sld [smem:$0x3FDB];
	s0 =	simm.s32 @p2 $0x1  }
0x17: {  	s4 =	simm.s32 $0x1BF5;
	[smem:$0x3FB4] =	sst s0  }
0x18: {  	s0 =	sld [smem:$0x3F97];
	_ =	swait.ge [sflag:s4], $0x0  }
0x19: {  	s7 =	sld [smem:$0x3F98]  }
0x1a: {  	s8 =	sadd.s32 $0xFFFFE003, lr  }
0x1b: {  	s9 =	sadd.s32 $0xFFFFFEF7, lr;
	s5 =	simm.s32 $0xFFFFFFFF;
	p2 =	slt.u32 s8, $0xFFFFF086  }
0x1c: {  	p1 =	slt.u32 s9, $0xF7A;
	s5 =	simm.s32 @!p2 $0x0  }
0x1d: {  	s5 =	simm.s32 @p1 $0x1;
	p0 =	seq.s32 s7, s2  }
0x1e: {  	s7 =	smul.u32 @!p0 $0xF7A, s2;
	p2 =	seq.s32 @!p0 s5, $0x0  }
0x1f: {  	s9 =	smul.u32 $0xF7A, s1;
	s8 =	simm.s32 @!p0 $0x1BF5;
	p2 =	por !p2, p0  }
0x20: {  	[sflag:s8] =	ssyncset.s32 @!p0 $0xFFFFF086;
	s6 =	sadd.s32 @!p0 s3, s7;
	s7 =	simm.s32 @!p0 $0x108  }
0x21: {  	s3 =	sadd.s32 s3, s9;
	s6 =	sadd.s32 @!p0 $0x88, s6;
	s7 =	simm.s32 @p2 $0x1082  }
0x22: {  	[simem:s7], [sflag:s8] =	dma.local @!p0 [hbm:s6], $0xF7A  }
0x23: {  	s9 =	sor.u32 $0xD0000000, s2;
	s6 =	simm.s32 $0x108;
	_ =	swait.ge @!p0 [sflag:s8], $0x0  }
0x24: {  	s3 =	sadd.s32 $0x88, s3;
	s6 =	simm.s32 @!p1 $0x1082;
	[sflag:s4] =	ssyncset.s32 $0xFFFFF086  }
0x25: {  	[simem:s6], [sflag:s4] =	dma.local [hbm:s3], $0xF7A  }
0x26: {  	[smem:$0x3F98] =	sst s1;
	(tag) =	ssettag s2;
	_ =	strace s9  }
0x27: {  	s1 =	sld [smem:$0x3FA8]  }
0x28: {  	s2 =	sld [smem:$0x3FA9]  }
0x29: {  	s4 =	sld [smem:$0x3FAB]  }
0x2a: {  	p0 =	seq.s32 s5, $0x0;
	s5 =	sld [smem:$0x3FAC]  }
0x2b: {  	s6 =	sld [smem:$0x3FAD]  }
0x2c: {  	s7 =	sld [smem:$0x3FAE]  }
0x2d: {  	s3 =	simm.s32 $0x108;
	s8 =	sld [smem:$0x3FAF]  }
0x2e: {  	s3 =	simm.s32 @!p0 $0x1082;
	s9 =	sld [smem:$0x3FB0]  }
0x2f: {  	lr =	sadd.s32 s0, s3;
	s0 =	sld [smem:$0x3FA7]  }
0x30: {  	s3 =	sld [smem:$0x3FAA]  }
0x31: {  	[smem:$0x3FB3] =	sst s10  }
0x32: {  	s10 =	sld [smem:$0x3FB1];
	_ =	sdelay $0x3  }
0x33: {  	p0 =	seq.s32 s10, $0x1;
	s10 =	sld [smem:$0x3FB3];
	_ =	sdelay $0x3  }
0x34: {  	[smem:$0x3FB3] =	sst s10  }
0x35: {  	s10 =	sld [smem:$0x3FB2];
	_ =	sdelay $0x3  }
0x36: {  	p1 =	seq.s32 s10, $0x1;
	s10 =	sld [smem:$0x3FB3];
	_ =	sdelay $0x3  }
0x37: {  	[smem:$0x3FB3] =	sst s10  }
0x38: {  	s10 =	sld [smem:$0x3FB4]  }
0x39: {  	_ = 	snop;
	(pc) =	sbr.ind lr, $3  }
0x3a: {  	_ = 	snop  }
0x3b: {  	_ = 	snop  }
0x3c: {  	p2 =	seq.s32 s10, $0x1;
	s10 =	sld [smem:$0x3FB3]  }
0x3d: {  	_ =	shalt  }
0x3e: {  	_ =	shalt  }
0x3f: {  	_ =	shalt  }
0x40: {  	_ =	shalt  }
0x41: {  	_ =	shalt  }
0x42: {  	_ =	shalt  }
0x43: {  	_ =	shalt  }
0x44: {  	_ =	shalt  }
0x45: {  	_ =	shalt  }
0x46: {  	_ =	shalt  }
0x47: {  	_ =	shalt  }
0x48: {  	_ =	shalt  }
0x49: {  	_ =	shalt  }
0x4a: {  	_ =	shalt  }
0x4b: {  	_ =	shalt  }
0x4c: {  	_ =	shalt  }
0x4d: {  	_ =	shalt  }
0x4e: {  	_ =	shalt  }
0x4f: {  	_ =	shalt  }
0x50: {  	_ =	shalt  }
0x51: {  	_ =	shalt  }
0x52: {  	_ =	shalt  }
0x53: {  	_ =	shalt  }
0x54: {  	_ =	shalt  }
0x55: {  	_ =	shalt  }
0x56: {  	_ =	shalt  }
0x57: {  	_ =	shalt  }
0x58: {  	_ =	shalt  }
0x59: {  	_ =	shalt  }
0x5a: {  	_ =	shalt  }
0x5b: {  	_ =	shalt  }
0x5c: {  	_ =	shalt  }
0x5d: {  	_ =	shalt  }
0x5e: {  	_ =	shalt  }
0x5f: {  	_ =	shalt  }
0x60: {  	_ =	shalt  }
0x61: {  	_ =	shalt  }
0x62: {  	_ =	shalt  }
0x63: {  	_ =	shalt  }
0x64: {  	_ =	shalt  }
0x65: {  	_ =	shalt  }
0x66: {  	_ =	shalt  }
0x67: {  	_ =	shalt  }
0x68: {  	_ =	shalt  }
0x69: {  	_ =	shalt  }
0x6a: {  	_ =	shalt  }
0x6b: {  	_ =	shalt  }
0x6c: {  	_ =	shalt  }
0x6d: {  	_ =	shalt  }
0x6e: {  	_ =	shalt  }
0x6f: {  	_ =	shalt  }
0x70: {  	_ =	shalt  }
0x71: {  	_ =	shalt  }
0x72: {  	_ =	shalt  }
0x73: {  	_ =	shalt  }
0x74: {  	_ =	shalt  }
0x75: {  	_ =	shalt  }
0x76: {  	_ =	shalt  }
0x77: {  	_ =	shalt  }
0x78: {  	_ =	shalt  }
0x79: {  	_ =	shalt  }
0x7a: {  	_ =	shalt  }
0x7b: {  	_ =	shalt  }
0x7c: {  	_ =	shalt  }
0x7d: {  	_ =	shalt  }
0x7e: {  	_ =	shalt  }
0x7f: {  	_ =	shalt  }
0x80: {  	_ =	shalt  }
0x81: {  	_ =	shalt  }
0x82: {  	_ =	shalt  }
0x83: {  	_ =	shalt  }
0x84: {  	_ =	shalt  }
0x85: {  	_ =	shalt  }
0x86: {  	_ =	shalt  }
0x87: {  	_ =	shalt  }
.Lfunc_end0:
.L_simem_size_0:
called_computation.2_lowered:
.L_overlay_start_0:
0x88: {  	s2 =	sld [smem:$0x3FD9]  }
0x89: {  	s3 =	sld [smem:$0x3FFE];
	_ =	sdelay $0x1  }
0x8a: {  	s1 =	srdreg.scid  }
0x8b: {  	s0 =	sand.u32 $0x1, s1  }
0x8c: {  	s17 =	sshll.u32 s0, $0xA;
	s2 =	sadd.s32 s3, s2  }
0x8d: {  	s2 =	sadd.s32 s2, s17  }
0x8e: {  	[smem:$0x3FBF] =	sst s2  }
0x8f: {  	_ = 	snop  }
0x90: {  	s2 =	sld [smem:$0x3FD0];
	(tm) =	ssettm $0x1  }
0x91: {  	s18 =	sld [smem:$0x3FFB];
	_ =	sdelay $0x3  }
0x92: {  	_ =	strace s18  }
0x93: {  	s3 =	sld [smem:$0x3FFC];
	_ =	sdelay $0x3  }
0x94: {  	_ =	strace s3  }
0x95: {  	s3 =	sld [smem:$0x3FFD];
	_ =	sdelay $0x3  }
0x96: {  	_ =	strace s3  }
0x97: {  	_ =	strace $0x8FFFFFFF  }
0x98: {  	s19 =	sld [smem:$0x3FDB];
	_ =	sdelay $0x1  }
0x99: {  	s4 =	simm.s32 $_scs_section_size  }
0x9a: {  	s5 =	simm.s32 $_size__tile_overlayer_lowered;
	s6 =	simm.s32 $_tile_overlayer_lowered  }
0x9b: {  	s22 =	simm.s32 $0x1BFF;
	s21 =	sshll.u32 s6, $0x1;
	s3 =	sadd.s32 s4, s19  }
0x9c: {  	s7 =	simm.s32 $0x0;
	s20 =	sshll.u32 s5, $0x1;
	s5 =	sadd.s32 s21, s3  }
0x9d: {  	[timem:s7], [sflag:s22] =	dma.local [hbm:s5], s20  }
0x9e: {  	_ =	swait.ge [sflag:s22], s20  }
0x9f: {  	s4 =	ssub.s32 $0x0, s20;
	[sflag:s22] =	ssyncset.done $0x0  }
0xa0: {  	[sflag:s22] =	ssyncadd.s32 s4;
	_ =	sdelay $0x1  }
0xa1: {  	s23 =	simm.s32 $0x1B8B  }
0xa2: {  	_ =	swait.ge [sflag:s23], $0x1  }
0xa3: {  	[sflag:s23] =	ssyncset.done $0x0  }
0xa4: {  	s25 =	simm.s32 $0x1B8E;
	s24 =	sld [smem:$0x3FFE];
	[sflag:s23] =	ssyncadd.s32 $0xFFFFFFFF  }
0xa5: {  	s26 =	simm.s32 $execute0_lowered;
	[smem:$0x3FD2] =	sst s25  }
0xa6: {  	s5 =	sshll.u32 s26, $0x1;
	_ =	strace $0x8000004C;
	[dreg:$0x1] =	wrdreg $0xFFFFFFFF  }
0xa7: {  	s28 =	simm.s32 $_size_execute0_lowered;
	s3 =	sadd.s32 s3, s5;
	[dreg:$0x0] =	wrdreg $0x0  }
0xa8: {  	s5 =	sshll.u32 s28, $0x1;
	[dreg:$0x2] =	wrdreg s3  }
0xa9: {  	[dreg:$0x3] =	wrdreg s5  }
0xaa: {  	[dreg:$0x4] =	wrdreg $0xC0  }
0xab: {  	_ =	task [dreg:s7], $0x5FFFF  }
0xac: {  	[dreg:$0x1] =	wrdreg $0xFFFFFFFF  }
0xad: {  	[dreg:$0x0] =	wrdreg $0x60  }
0xae: {  	[dreg:$0x2] =	wrdreg s2  }
0xaf: {  	[dreg:$0x3] =	wrdreg s24  }
0xb0: {  	[dreg:$0x4] =	wrdreg $0xA8000  }
0xb1: {  	[dreg:$0x5] =	wrdreg $0x9  }
0xb2: {  	_ =	task.clear_ibuf [dreg:s7], $0x6FFFF;
	_ =	strace $0x9000004C  }
0xb3: {  	s29 =	simm.s32 $0x9;
	_ =	strace $0x8000004E  }
0xb4: {  	_ =	swait.ge [sflag:s29], $0x1  }
0xb5: {  	[sflag:s29] =	ssyncadd.s32 $0xFFFFFFFF  }
0xb6: {  	_ =	strace $0x9000004E  }
0xb7: {  	_ =	sfence  }
0xb8: {  	s30 =	sld [smem:$0x0];
	_ =	sdelay $0x2  }
0xb9: {  	s31 =	sshll.u32 s1, $0xD;
	s1 =	sshrl.u32 s1, $0x2  }
0xba: {  	s3 =	sand.u32 $0x4000, s31;
	s1 =	sadd.s32 s1, s30  }
0xbb: {  	s0 =	sor.u32 s3, s0;
	s1 =	sshll.u32 s1, $0x11  }
0xbc: {  	s0 =	sor.u32 s1, s0  }
0xbd: {  	s0 =	sadd.s32 $0x8F2B, s0  }
0xbe: {  	[sflag:s0] =	ssyncadd.remote.s32 $0x1  }
0xbf: {  	_ =	sfence.sel $0xFFFF  }
0xc0: {  	[dreg:$0x0] =	wrdreg $0xFFFFFFFF;
	(pc) =	sbr.abs _section_cstart, $3  }
0xc1: {  	[dreg:$0x1] =	wrdreg $0xFFFFFFFF  }
0xc2: {  	_ =	task.clear_ibuf [dreg:s7], $0x2FFFF;
	_ =	strace $0x9FFFFFFF  }
0xc3: {  	(tm) =	ssettm $0x7FFFFFFF  }
tec
execute0_lowered:
.L_overlay_start_1:
0x0: {  	(tag) =	ssettag $0x1  }
0x1: {  	s1 =	rddreg [dreg:$0x0]  }
0x2: {  	s8 =	rddreg [dreg:$0x1]  }
0x3: {  	s2 =	rddreg [dreg:$0x2]  }
0x4: {  	s3 =	simm.s32 $0x0;
	s7 =	srdreg.scid;
	s4 =	stileid.u32  }
0x5: {  	s22 =	simm.s32 $0x80;
	s23 =	simm.s32 $0x2800;
	s24 =	simm.s32 $0x4  }
0x6: {  	s25 =	simm.s32 $0x0;
	[smem:$0x7FF] =	sst s3;
	s5 =	sadd.s32 $0xD800, s8  }
0x7: {  	s13 =	sadd.s32 $0x8800, s8;
	s14 =	sadd.s32 $0x3800, s8;
	s9 =	smul.u32 $0x4E000, s4  }
0x8: {  	s6 =	sadd.s32 $0x82E00, s8;
	s21 =	sand.u32 $0x1, s7;
	s12 =	smul.u32 $0x2800, s4  }
0x9: {  	s7 =	sadd.s32 $0x34A00, s8;
	s8 =	sadd.s32 $0xD3800, s8;
	s15 =	smul.u32 $0x500, s4  }
0xa: {  	s30 =	sshll.u32 s4, $0x6;
	s19 =	smul.u32 $0x2700, s4;
	p0 =	sne.s32 s4, $0xF  }
0xb: {  	p2 =	seq.s32 s4, $0xF;
	_ =	strace $0x8000004D;
	s10 =	ssub.s32 $0x2, s21  }
0xc: {  	p1 =	sne.s32 s21, $0x0;
	s21 =	simm.s32 $0x1400;
	s11 =	sshrl.u32 s10, $0x1  }
0xd: {  	s9 =	sshrl.u32 s9, $0x2;
	s31 =	sshrl.u32 s12, $0x3;
	s12 =	sadd.s32 s14, s15  }
.Ltmp0:
0xe: {  	s17 =	ssub.s32 s10, s11;
	s18 =	sadd.s32 s9, s2;
	(pc) =	sbr.rel .LBB2_1-.Ltmp0, $4  }
0xf: {  	s9 =	sor.u32 $0x1C05, s30;
	s10 =	sadd.s32 $0x138000, s2;
	s16 =	sadd.s32 $0x280, s31  }
0x10: {  	s11 =	sadd.s32 s13, s15;
	s15 =	sadd.s32 s8, s19;
	s13 =	sadd.s32 s13, s16  }
0x11: {  	s14 =	sadd.s32 s14, s16;
	s16 =	sadd.s32 s7, s19;
	s17 =	smax.u32 s17, $0x1  }
0x12: {  	s18 =	sshrl.u32 s18, $0x3;
	s19 =	simm.s32 $0x5;
	s20 =	sshrl.u32 @!p0 s10, $0x3  }
.LBB2_20:
0x13: {  	s0 =	sadd.s32 $0x27000, s26;
	s31 =	sshrl.u32 s10, $0x3  }
0x14: {  	[hbm:s0], [sflag:s9] =	dma.local [spmem:s31], $0x100  }
0x15: {  	_ =	swait.ge [sflag:s19], $0x100  }
0x16: {  	[sflag:s19] =	ssyncset.done $0x0  }
0x17: {  	[sflag:s19] =	ssyncadd.s32 $0xFFFFFF00  }
.LBB2_21:
0x18: {  	s25 =	sadd.s32 $0x1, s25  }
0x19: {  	p3 =	sne.s32 s25, s17  }
.Ltmp1:
0x1a: {  	_ = 	snop;
	(pc) =	sbr.rel @!p3 .LBB2_22-.Ltmp1, $1  }
0x1b: {  	_ =	sdelay $0x3  }
.LBB2_1:
0x1c: {  	[spmem:s18], [sflag:s9] =	dma.local [hbm:s6], $0x2700  }
0x1d: {  	_ =	swait.ge [sflag:s19], $0x2700  }
0x1e: {  	[sflag:s19] =	ssyncset.done $0x0  }
0x1f: {  	s26 =	simm.s32 @!p0 $0x5;
	[sflag:s19] =	ssyncadd.s32 $0xFFFFD900  }
0x20: {  	[spmem:s20], [sflag:s9] =	dma.local @!p0 [hbm:s6], $0x200  }
0x21: {  	_ =	swait.ge @!p0 [sflag:s26], $0x200  }
0x22: {  	[sflag:s26] =	ssyncset.done @!p0 $0x0  }
0x23: {  	[sflag:s26] =	ssyncadd.s32 @!p0 $0xFFFFFE00  }
0x24: {  	[bflag:$0x0] =	sbarrier.arrive $0xFFFF  }
0x25: {  	[tilespmem:s3], [sflag:$0x5] =	stream.linear.gather [hbm4b:s11+s3], $0x1400, $0x38;
	[tilespmem:$0x1E100] =	vst v63  }
0x26: {  	_ =	swait.ge [sflag:s19], $0x1400  }
0x27: {  	[sflag:s19] =	ssyncset.done $0x0  }
.Ltmp2:
0x28: {  	[sflag:s19] =	ssyncadd.s32 $0xFFFFEC00;
	(pc) =	sbr.rel @p1 .LBB2_11-.Ltmp2, $4  }
0x29: {  	[tilespmem:s21], [sflag:$0x5] =	stream.linear.gather [hbm4b:s12+s3], $0x1400, $0x38;
	[tilespmem:$0x1E100] =	vst v63  }
0x2a: {  	_ =	swait.ge [sflag:s19], $0x1400  }
0x2b: {  	[sflag:s19] =	ssyncset.done $0x0  }
0x2c: {  	s28 =	simm.s32 $0x0;
	[sflag:s19] =	ssyncadd.s32 $0xFFFFEC00  }
.Ltmp3:
0x2d: {  	(pc) =	sbr.rel .LBB2_3-.Ltmp3, $2  }
0x2e: {  	_ =	sdelay $0x2  }
0x2f: {  	[tilespmem:s23], [sflag:$0x1] =	stream.indirect.gather [hbm4b:s1+s22], $0x80, s28, s22, $0xb8;
	[tilespmem:$0x1E100] =	vst v63  }
.LBB2_5:
0x30: {  	s0 =	sadd.s32 $0x1, s26;
	s28 =	sshll.u32 s28, $0x7;
	p3 =	slt.u32 s29, $0x28  }
.Ltmp4:
0x31: {  	s30 =	sshll.u32 s26, $0xE;
	_ =	swait.ge [sflag:s0], $0x4000;
	(pc) =	sbr.rel @!p3 .LBB2_6-.Ltmp4, $4  }
0x32: {  	s31 =	sadd.s32 $0x3, s26;
	s28 =	sand.u32 $0x3FFFFF80, s28;
	[sflag:s0] =	ssyncset.done $0x0  }
0x33: {  	s28 =	sadd.s32 $0x1400, s28;
	[sflag:s0] =	ssyncadd.s32 $0xFFFFC000;
	s0 =	sor.u32 $0x2800, s30  }
0x34: {  	[spmem:s2] =	stream.indirect.scatter.add.f32 [tilespmem:s0], [sflag:s31], $0x80, s28, s22, $0xb8;
	[tilespmem:$0x1E100] =	vst v63  }
0x35: {  	s28 =	smov.u32 s29  }
.LBB2_3:
0x36: {  	p3 =	seq.s32 s28, $0x0  }
0x37: {  	p4 =	seq.s32 @!p3 s28, $0x27  }
0x38: {  	s26 =	sand.u32 $0x1, s28;
	p4 =	por p3, !p4  }
.Ltmp5:
0x39: {  	s30 =	sxor.u32 $0x1, s26;
	(pc) =	sbr.rel @!p4 .LBB2_5-.Ltmp5, $4  }
0x3a: {  	s29 =	sadd.s32 @!p3 $0x3, s30  }
0x3b: {  	_ =	swait.ge @!p3 [sflag:s29], $0x4000  }
0x3c: {  	[sflag:s29] =	ssyncset.done @!p3 $0x0  }
0x3d: {  	[sflag:s29] =	ssyncadd.s32 @!p3 $0xFFFFC000;
	s29 =	simm.s32 @!p3 $0x28  }
.Ltmp6:
0x3e: {  	s29 =	sadd.s32 @!p3 $0x1, s28;
	(pc) =	sbr.rel .LBB2_5-.Ltmp6, $4  }
0x3f: {  	s29 =	simm.s32 @p3 $0x1  }
0x40: {  	s31 =	sshll.u32 s30, $0xE;
	s0 =	sshll.u32 s29, $0x7  }
0x41: {  	s30 =	sadd.s32 $0x1, s30;
	s31 =	sor.u32 $0x2800, s31;
	s0 =	sand.u32 $0x3FFFFF80, s0  }
0x42: {  	[tilespmem:s31], [sflag:s30] =	stream.indirect.gather [hbm4b:s1+s22], $0x80, s0, s22, $0xb8;
	[tilespmem:$0x1E100] =	vst v63  }
.LBB2_11:
.Ltmp7:
0x43: {  	(pc) =	sbr.rel .LBB2_12-.Ltmp7, $2  }
0x44: {  	_ =	sdelay $0x2  }
0x45: {  	[tilespmem:s23], [sflag:$0x1] =	stream.indirect.gather [hbm4b:s5+s22], $0x80, s28, s22, $0xb8;
	[tilespmem:$0x1E100] =	vst v63  }
.LBB2_14:
0x46: {  	s0 =	sadd.s32 $0x1, s26;
	s28 =	sshll.u32 s28, $0x7;
	p3 =	slt.u32 s29, $0x28  }
.Ltmp8:
0x47: {  	s30 =	sshll.u32 s26, $0xE;
	_ =	swait.ge [sflag:s0], $0x4000;
	(pc) =	sbr.rel @!p3 .LBB2_15-.Ltmp8, $4  }
0x48: {  	s31 =	sadd.s32 $0x3, s26;
	s28 =	sand.u32 $0x3FFFFF80, s28;
	[sflag:s0] =	ssyncset.done $0x0  }
0x49: {  	s28 =	sadd.s32 $0x1400, s28;
	[sflag:s0] =	ssyncadd.s32 $0xFFFFC000;
	s0 =	sor.u32 $0x2800, s30  }
0x4a: {  	[spmem:s2] =	stream.indirect.scatter.add.f32 [tilespmem:s0], [sflag:s31], $0x80, s28, s22, $0xb8;
	[tilespmem:$0x1E100] =	vst v63  }
0x4b: {  	s28 =	smov.u32 s29  }
.LBB2_12:
0x4c: {  	p3 =	seq.s32 s28, $0x0  }
0x4d: {  	p4 =	seq.s32 @!p3 s28, $0x27  }
0x4e: {  	s26 =	sand.u32 $0x1, s28;
	p4 =	por p3, !p4  }
.Ltmp9:
0x4f: {  	s30 =	sxor.u32 $0x1, s26;
	(pc) =	sbr.rel @!p4 .LBB2_14-.Ltmp9, $4  }
0x50: {  	s0 =	sadd.s32 @!p3 $0x3, s30  }
0x51: {  	_ =	swait.ge @!p3 [sflag:s0], $0x4000  }
0x52: {  	[sflag:s0] =	ssyncset.done @!p3 $0x0  }
0x53: {  	s29 =	simm.s32 @!p3 $0x28;
	[sflag:s0] =	ssyncadd.s32 @!p3 $0xFFFFC000  }
.Ltmp10:
0x54: {  	s29 =	sadd.s32 @!p3 $0x1, s28;
	(pc) =	sbr.rel .LBB2_14-.Ltmp10, $4  }
0x55: {  	s29 =	simm.s32 @p3 $0x1  }
0x56: {  	s0 =	sshll.u32 s30, $0xE;
	s31 =	sshll.u32 s29, $0x7  }
0x57: {  	s30 =	sadd.s32 $0x1, s30;
	s0 =	sor.u32 $0x2800, s0;
	s31 =	sand.u32 $0x3FFFFF80, s31  }
0x58: {  	[tilespmem:s0], [sflag:s30] =	stream.indirect.gather [hbm4b:s5+s22], $0x80, s31, s22, $0xb8;
	[tilespmem:$0x1E100] =	vst v63  }
.LBB2_6:
0x59: {  	_ =	swait.ge [sflag:s24], $0x4000  }
0x5a: {  	[sflag:s24] =	ssyncset.done $0x0  }
0x5b: {  	s26 =	simm.s32 $0x0;
	[sflag:s24] =	ssyncadd.s32 $0xFFFFC000  }
0x5c: {  	[tilespmem:s26], [sflag:$0x5] =	stream.linear.gather [hbm4b:s13+s26], $0x1400, $0x38;
	[tilespmem:$0x1E100] =	vst v63  }
0x5d: {  	_ =	swait.ge [sflag:s19], $0x1400  }
0x5e: {  	[sflag:s19] =	ssyncset.done $0x0  }
0x5f: {  	[sflag:s19] =	ssyncadd.s32 $0xFFFFEC00  }
0x60: {  	[tilespmem:s21], [sflag:$0x5] =	stream.linear.gather [hbm4b:s14+s26], $0x1400, $0x38;
	[tilespmem:$0x1E100] =	vst v63  }
.Ltmp11:
0x61: {  	_ = 	snop;
	(pc) =	sbr.rel .LBB2_7-.Ltmp11, $4  }
0x62: {  	_ =	swait.ge [sflag:s19], $0x1400  }
0x63: {  	[sflag:s19] =	ssyncset.done $0x0  }
0x64: {  	[sflag:s19] =	ssyncadd.s32 $0xFFFFEC00  }
0x65: {  	[tilespmem:s23], [sflag:$0x1] =	stream.indirect.gather [hbm4b:s1+s22], $0x80, s26, s22, $0xb8;
	[tilespmem:$0x1E100] =	vst v63  }
.LBB2_9:
0x66: {  	s0 =	sadd.s32 $0x1, s28;
	s26 =	sshll.u32 s26, $0x7;
	p3 =	slt.u32 s29, $0x28  }
.Ltmp12:
0x67: {  	s30 =	sshll.u32 s28, $0xE;
	_ =	swait.ge [sflag:s0], $0x4000;
	(pc) =	sbr.rel @!p3 .LBB2_10-.Ltmp12, $4  }
0x68: {  	s31 =	sadd.s32 $0x3, s28;
	s26 =	sand.u32 $0x3FFFFF80, s26;
	[sflag:s0] =	ssyncset.done $0x0  }
0x69: {  	s26 =	sadd.s32 $0x1400, s26;
	[sflag:s0] =	ssyncadd.s32 $0xFFFFC000;
	s0 =	sor.u32 $0x2800, s30  }
0x6a: {  	[spmem:s2] =	stream.indirect.scatter.add.f32 [tilespmem:s0], [sflag:s31], $0x80, s26, s22, $0xb8;
	[tilespmem:$0x1E100] =	vst v63  }
0x6b: {  	s26 =	smov.u32 s29  }
.LBB2_7:
0x6c: {  	p3 =	seq.s32 s26, $0x0  }
0x6d: {  	p4 =	seq.s32 @!p3 s26, $0x27  }
0x6e: {  	s28 =	sand.u32 $0x1, s26;
	p4 =	por p3, !p4  }
.Ltmp13:
0x6f: {  	s30 =	sxor.u32 $0x1, s28;
	(pc) =	sbr.rel @!p4 .LBB2_9-.Ltmp13, $4  }
0x70: {  	s0 =	sadd.s32 @!p3 $0x3, s30  }
0x71: {  	_ =	swait.ge @!p3 [sflag:s0], $0x4000  }
0x72: {  	[sflag:s0] =	ssyncset.done @!p3 $0x0  }
0x73: {  	s29 =	simm.s32 @!p3 $0x28;
	[sflag:s0] =	ssyncadd.s32 @!p3 $0xFFFFC000  }
.Ltmp14:
0x74: {  	s29 =	sadd.s32 @!p3 $0x1, s26;
	(pc) =	sbr.rel .LBB2_9-.Ltmp14, $4  }
0x75: {  	s29 =	simm.s32 @p3 $0x1  }
0x76: {  	s0 =	sshll.u32 s30, $0xE;
	s31 =	sshll.u32 s29, $0x7  }
0x77: {  	s30 =	sadd.s32 $0x1, s30;
	s0 =	sor.u32 $0x2800, s0;
	s31 =	sand.u32 $0x3FFFFF80, s31  }
0x78: {  	[tilespmem:s0], [sflag:s30] =	stream.indirect.gather [hbm4b:s1+s22], $0x80, s31, s22, $0xb8;
	[tilespmem:$0x1E100] =	vst v63  }
.LBB2_15:
0x79: {  	_ =	swait.ge [sflag:s24], $0x4000  }
0x7a: {  	[sflag:s24] =	ssyncset.done $0x0  }
0x7b: {  	s26 =	simm.s32 $0x0;
	[sflag:s24] =	ssyncadd.s32 $0xFFFFC000  }
0x7c: {  	[tilespmem:s26], [sflag:$0x5] =	stream.linear.gather [hbm4b:s13+s26], $0x1400, $0x38;
	[tilespmem:$0x1E100] =	vst v63  }
0x7d: {  	_ =	swait.ge [sflag:s19], $0x1400  }
0x7e: {  	[sflag:s19] =	ssyncset.done $0x0  }
0x7f: {  	[sflag:s19] =	ssyncadd.s32 $0xFFFFEC00  }
0x80: {  	[tilespmem:s21], [sflag:$0x5] =	stream.linear.gather [hbm4b:s14+s26], $0x1400, $0x38;
	[tilespmem:$0x1E100] =	vst v63  }
.Ltmp15:
0x81: {  	_ = 	snop;
	(pc) =	sbr.rel .LBB2_16-.Ltmp15, $4  }
0x82: {  	_ =	swait.ge [sflag:s19], $0x1400  }
0x83: {  	[sflag:s19] =	ssyncset.done $0x0  }
0x84: {  	[sflag:s19] =	ssyncadd.s32 $0xFFFFEC00  }
0x85: {  	[tilespmem:s23], [sflag:$0x1] =	stream.indirect.gather [hbm4b:s5+s22], $0x80, s26, s22, $0xb8;
	[tilespmem:$0x1E100] =	vst v63  }
.LBB2_18:
0x86: {  	s0 =	sadd.s32 $0x1, s28;
	s26 =	sshll.u32 s26, $0x7;
	p3 =	slt.u32 s29, $0x28  }
.Ltmp16:
0x87: {  	s30 =	sshll.u32 s28, $0xE;
	_ =	swait.ge [sflag:s0], $0x4000;
	(pc) =	sbr.rel @!p3 .LBB2_19-.Ltmp16, $4  }
0x88: {  	s31 =	sadd.s32 $0x3, s28;
	s26 =	sand.u32 $0x3FFFFF80, s26;
	[sflag:s0] =	ssyncset.done $0x0  }
0x89: {  	s26 =	sadd.s32 $0x1400, s26;
	[sflag:s0] =	ssyncadd.s32 $0xFFFFC000;
	s0 =	sor.u32 $0x2800, s30  }
0x8a: {  	[spmem:s2] =	stream.indirect.scatter.add.f32 [tilespmem:s0], [sflag:s31], $0x80, s26, s22, $0xb8;
	[tilespmem:$0x1E100] =	vst v63  }
0x8b: {  	s26 =	smov.u32 s29  }
.LBB2_16:
0x8c: {  	p3 =	seq.s32 s26, $0x0  }
0x8d: {  	p4 =	seq.s32 @!p3 s26, $0x27  }
0x8e: {  	s28 =	sand.u32 $0x1, s26;
	p4 =	por p3, !p4  }
.Ltmp17:
0x8f: {  	s30 =	sxor.u32 $0x1, s28;
	(pc) =	sbr.rel @!p4 .LBB2_18-.Ltmp17, $4  }
0x90: {  	s0 =	sadd.s32 @!p3 $0x3, s30  }
0x91: {  	_ =	swait.ge @!p3 [sflag:s0], $0x4000  }
0x92: {  	[sflag:s0] =	ssyncset.done @!p3 $0x0  }
0x93: {  	s29 =	simm.s32 @!p3 $0x28;
	[sflag:s0] =	ssyncadd.s32 @!p3 $0xFFFFC000  }
.Ltmp18:
0x94: {  	s29 =	sadd.s32 @!p3 $0x1, s26;
	(pc) =	sbr.rel .LBB2_18-.Ltmp18, $4  }
0x95: {  	s29 =	simm.s32 @p3 $0x1  }
0x96: {  	s0 =	sshll.u32 s30, $0xE;
	s31 =	sshll.u32 s29, $0x7  }
0x97: {  	s30 =	sadd.s32 $0x1, s30;
	s0 =	sor.u32 $0x2800, s0;
	s31 =	sand.u32 $0x3FFFFF80, s31  }
0x98: {  	[tilespmem:s0], [sflag:s30] =	stream.indirect.gather [hbm4b:s5+s22], $0x80, s31, s22, $0xb8;
	[tilespmem:$0x1E100] =	vst v63  }
.LBB2_10:
0x99: {  	_ =	swait.ge [sflag:s24], $0x4000  }
0x9a: {  	[sflag:s24] =	ssyncset.done $0x0  }
0x9b: {  	[sflag:s24] =	ssyncadd.s32 $0xFFFFC000  }
0x9c: {  	[bflag:$0x0] =	sbarrier.arrive $0xFFFF  }
0x9d: {  	[hbm:s16], [sflag:s9] =	dma.local [spmem:s18], $0x2700  }
.Ltmp19:
0x9e: {  	_ = 	snop;
	(pc) =	sbr.rel @p2 .LBB2_20-.Ltmp19, $4  }
.Ltmp20:
0x9f: {  	_ = 	snop;
	(pc) =	sbr.rel @!p2 .LBB2_21-.Ltmp20, $4  }
0xa0: {  	_ =	swait.ge [sflag:s19], $0x2700  }
0xa1: {  	[sflag:s19] =	ssyncset.done $0x0  }
0xa2: {  	s26 =	smov.u32 s7;
	[sflag:s19] =	ssyncadd.s32 $0xFFFFD900  }
0xa3: {  	_ = 	snop  }
.LBB2_19:
0xa4: {  	_ =	swait.ge [sflag:s24], $0x4000  }
0xa5: {  	[sflag:s24] =	ssyncset.done $0x0  }
0xa6: {  	[sflag:s24] =	ssyncadd.s32 $0xFFFFC000  }
0xa7: {  	[bflag:$0x0] =	sbarrier.arrive $0xFFFF  }
0xa8: {  	[hbm:s15], [sflag:s9] =	dma.local [spmem:s18], $0x2700  }
.Ltmp21:
0xa9: {  	_ = 	snop;
	(pc) =	sbr.rel @p0 .LBB2_21-.Ltmp21, $4  }
.Ltmp22:
0xaa: {  	_ = 	snop;
	(pc) =	sbr.rel @!p0 .LBB2_20-.Ltmp22, $4  }
0xab: {  	_ =	swait.ge [sflag:s19], $0x2700  }
0xac: {  	[sflag:s19] =	ssyncset.done $0x0  }
0xad: {  	s26 =	smov.u32 s8;
	[sflag:s19] =	ssyncadd.s32 $0xFFFFD900  }
0xae: {  	_ = 	snop  }
.LBB2_22:
0xaf: {  	_ =	sfence.sel $0x180000  }
0xb0: {  	[bflag:$0x0] =	sbarrier.arrive $0xFFFF  }
0xb1: {  	_ =	strace $0x9000004D  }
0xb2: {  	[bflag:$0x2] =	sbarrier.arrive $0xFFFF  }
0xb3: {  	p0 =	sne.s32 s4, $0x0;
	s0 =	rddreg [dreg:$0x3]  }
0xb4: {  	s0 =	sadd.s32 @!p0 $0x100000, s0  }
0xb5: {  	[sflag:s0] =	ssyncadd.tile.s32 @!p0 $0x1;
	_ =	shalt  }
.Lfunc_end2:
_tile_overlayer_lowered:
.L_overlay_start_2:
0xb6: {  	(tag) =	ssettag $0x2  }
0xb7: {  	s0 =	rddreg [dreg:$0x0];
	s2 =	stileid.u32  }
0xb8: {  	s1 =	rddreg [dreg:$0x1];
	p0 =	sne.s32 s2, $0x0  }
0xb9: {  	s3 =	rddreg [dreg:$0x2];
	[bflag:$0x3] =	sbarrier.arrive $0xFFFF;
	s2 =	simm.s32 @!p0 $0x1C05  }
0xba: {  	[timem:s3], [sflag:s2] =	dma.local @!p0 [hbm:s0], s1  }
0xbb: {  	s0 =	simm.s32 @!p0 $0x5  }
0xbc: {  	_ =	swait.ge @!p0 [sflag:s0], s1  }
0xbd: {  	s1 =	ssub.s32 @!p0 $0x0, s1;
	[sflag:s0] =	ssyncset.done @!p0 $0x0  }
0xbe: {  	[sflag:s0] =	ssyncadd.s32 @!p0 s1  }
0xbf: {  	[bflag:$0x3] =	sbarrier.arrive $0xFFFF  }
0xc0: {  	_ =	shalt  }

// kernel: kernel.8.cloned.1.call-start
scs
__scs_entry_jumppad:
0x0: {  	(pc) =	sbr.rel $0x88, $3  }
0x1: {  	(tag) =	ssettag $0x0;
	lr =	simm.s32 $0x1  }
0x2: {  	[smem:$0x3F98] =	sst lr;
	_ =	strace $0xD0000000  }
0x3: {  	_ = 	snop  }
0x4: {  	_ = 	snop  }
0x5: {  	_ = 	snop  }
0x6: {  	_ = 	snop  }
0x7: {  	_ = 	snop  }
__scs_overlays_trampoline_lowered:
0x8: {  	[smem:$0x3FA7] =	sst s0  }
0x9: {  	[smem:$0x3FA8] =	sst s1  }
0xa: {  	[smem:$0x3FA9] =	sst s2  }
0xb: {  	[smem:$0x3FAA] =	sst s3  }
0xc: {  	[smem:$0x3FAB] =	sst s4  }
0xd: {  	[smem:$0x3FAC] =	sst s5  }
0xe: {  	[smem:$0x3FAD] =	sst s6  }
0xf: {  	[smem:$0x3FAE] =	sst s7  }
0x10: {  	[smem:$0x3FAF] =	sst s8  }
0x11: {  	[smem:$0x3FB0] =	sst s9;
	s0 =	simm.s32 @!p0 $0x0  }
0x12: {  	s1 =	sld [smem:$0x3F96];
	s0 =	simm.s32 @p0 $0x1  }
0x13: {  	[smem:$0x3FB1] =	sst s0;
	s0 =	simm.s32 @!p1 $0x0  }
0x14: {  	s2 =	sld [smem:$0x3F95];
	s0 =	simm.s32 @p1 $0x1  }
0x15: {  	[smem:$0x3FB2] =	sst s0;
	s0 =	simm.s32 @!p2 $0x0  }
0x16: {  	s3 =	sld [smem:$0x3FDB];
	s0 =	simm.s32 @p2 $0x1  }
0x17: {  	s4 =	simm.s32 $0x1BF5;
	[smem:$0x3FB4] =	sst s0  }
0x18: {  	s0 =	sld [smem:$0x3F97];
	_ =	swait.ge [sflag:s4], $0x0  }
0x19: {  	s7 =	sld [smem:$0x3F98]  }
0x1a: {  	s8 =	sadd.s32 $0xFFFFE003, lr  }
0x1b: {  	s9 =	sadd.s32 $0xFFFFFEF7, lr;
	s5 =	simm.s32 $0xFFFFFFFF;
	p2 =	slt.u32 s8, $0xFFFFF086  }
0x1c: {  	p1 =	slt.u32 s9, $0xF7A;
	s5 =	simm.s32 @!p2 $0x0  }
0x1d: {  	s5 =	simm.s32 @p1 $0x1;
	p0 =	seq.s32 s7, s2  }
0x1e: {  	s7 =	smul.u32 @!p0 $0xF7A, s2;
	p2 =	seq.s32 @!p0 s5, $0x0  }
0x1f: {  	s9 =	smul.u32 $0xF7A, s1;
	s8 =	simm.s32 @!p0 $0x1BF5;
	p2 =	por !p2, p0  }
0x20: {  	[sflag:s8] =	ssyncset.s32 @!p0 $0xFFFFF086;
	s6 =	sadd.s32 @!p0 s3, s7;
	s7 =	simm.s32 @!p0 $0x108  }
0x21: {  	s3 =	sadd.s32 s3, s9;
	s6 =	sadd.s32 @!p0 $0x88, s6;
	s7 =	simm.s32 @p2 $0x1082  }
0x22: {  	[simem:s7], [sflag:s8] =	dma.local @!p0 [hbm:s6], $0xF7A  }
0x23: {  	s9 =	sor.u32 $0xD0000000, s2;
	s6 =	simm.s32 $0x108;
	_ =	swait.ge @!p0 [sflag:s8], $0x0  }
0x24: {  	s3 =	sadd.s32 $0x88, s3;
	s6 =	simm.s32 @!p1 $0x1082;
	[sflag:s4] =	ssyncset.s32 $0xFFFFF086  }
0x25: {  	[simem:s6], [sflag:s4] =	dma.local [hbm:s3], $0xF7A  }
0x26: {  	[smem:$0x3F98] =	sst s1;
	(tag) =	ssettag s2;
	_ =	strace s9  }
0x27: {  	s1 =	sld [smem:$0x3FA8]  }
0x28: {  	s2 =	sld [smem:$0x3FA9]  }
0x29: {  	s4 =	sld [smem:$0x3FAB]  }
0x2a: {  	p0 =	seq.s32 s5, $0x0;
	s5 =	sld [smem:$0x3FAC]  }
0x2b: {  	s6 =	sld [smem:$0x3FAD]  }
0x2c: {  	s7 =	sld [smem:$0x3FAE]  }
0x2d: {  	s3 =	simm.s32 $0x108;
	s8 =	sld [smem:$0x3FAF]  }
0x2e: {  	s3 =	simm.s32 @!p0 $0x1082;
	s9 =	sld [smem:$0x3FB0]  }
0x2f: {  	lr =	sadd.s32 s0, s3;
	s0 =	sld [smem:$0x3FA7]  }
0x30: {  	s3 =	sld [smem:$0x3FAA]  }
0x31: {  	[smem:$0x3FB3] =	sst s10  }
0x32: {  	s10 =	sld [smem:$0x3FB1];
	_ =	sdelay $0x3  }
0x33: {  	p0 =	seq.s32 s10, $0x1;
	s10 =	sld [smem:$0x3FB3];
	_ =	sdelay $0x3  }
0x34: {  	[smem:$0x3FB3] =	sst s10  }
0x35: {  	s10 =	sld [smem:$0x3FB2];
	_ =	sdelay $0x3  }
0x36: {  	p1 =	seq.s32 s10, $0x1;
	s10 =	sld [smem:$0x3FB3];
	_ =	sdelay $0x3  }
0x37: {  	[smem:$0x3FB3] =	sst s10  }
0x38: {  	s10 =	sld [smem:$0x3FB4]  }
0x39: {  	_ = 	snop;
	(pc) =	sbr.ind lr, $3  }
0x3a: {  	_ = 	snop  }
0x3b: {  	_ = 	snop  }
0x3c: {  	p2 =	seq.s32 s10, $0x1;
	s10 =	sld [smem:$0x3FB3]  }
0x3d: {  	_ =	shalt  }
0x3e: {  	_ =	shalt  }
0x3f: {  	_ =	shalt  }
0x40: {  	_ =	shalt  }
0x41: {  	_ =	shalt  }
0x42: {  	_ =	shalt  }
0x43: {  	_ =	shalt  }
0x44: {  	_ =	shalt  }
0x45: {  	_ =	shalt  }
0x46: {  	_ =	shalt  }
0x47: {  	_ =	shalt  }
0x48: {  	_ =	shalt  }
0x49: {  	_ =	shalt  }
0x4a: {  	_ =	shalt  }
0x4b: {  	_ =	shalt  }
0x4c: {  	_ =	shalt  }
0x4d: {  	_ =	shalt  }
0x4e: {  	_ =	shalt  }
0x4f: {  	_ =	shalt  }
0x50: {  	_ =	shalt  }
0x51: {  	_ =	shalt  }
0x52: {  	_ =	shalt  }
0x53: {  	_ =	shalt  }
0x54: {  	_ =	shalt  }
0x55: {  	_ =	shalt  }
0x56: {  	_ =	shalt  }
0x57: {  	_ =	shalt  }
0x58: {  	_ =	shalt  }
0x59: {  	_ =	shalt  }
0x5a: {  	_ =	shalt  }
0x5b: {  	_ =	shalt  }
0x5c: {  	_ =	shalt  }
0x5d: {  	_ =	shalt  }
0x5e: {  	_ =	shalt  }
0x5f: {  	_ =	shalt  }
0x60: {  	_ =	shalt  }
0x61: {  	_ =	shalt  }
0x62: {  	_ =	shalt  }
0x63: {  	_ =	shalt  }
0x64: {  	_ =	shalt  }
0x65: {  	_ =	shalt  }
0x66: {  	_ =	shalt  }
0x67: {  	_ =	shalt  }
0x68: {  	_ =	shalt  }
0x69: {  	_ =	shalt  }
0x6a: {  	_ =	shalt  }
0x6b: {  	_ =	shalt  }
0x6c: {  	_ =	shalt  }
0x6d: {  	_ =	shalt  }
0x6e: {  	_ =	shalt  }
0x6f: {  	_ =	shalt  }
0x70: {  	_ =	shalt  }
0x71: {  	_ =	shalt  }
0x72: {  	_ =	shalt  }
0x73: {  	_ =	shalt  }
0x74: {  	_ =	shalt  }
0x75: {  	_ =	shalt  }
0x76: {  	_ =	shalt  }
0x77: {  	_ =	shalt  }
0x78: {  	_ =	shalt  }
0x79: {  	_ =	shalt  }
0x7a: {  	_ =	shalt  }
0x7b: {  	_ =	shalt  }
0x7c: {  	_ =	shalt  }
0x7d: {  	_ =	shalt  }
0x7e: {  	_ =	shalt  }
0x7f: {  	_ =	shalt  }
0x80: {  	_ =	shalt  }
0x81: {  	_ =	shalt  }
0x82: {  	_ =	shalt  }
0x83: {  	_ =	shalt  }
0x84: {  	_ =	shalt  }
0x85: {  	_ =	shalt  }
0x86: {  	_ =	shalt  }
0x87: {  	_ =	shalt  }
.Lfunc_end0:
.L_simem_size_0:
called_computation_lowered:
.L_overlay_start_0:
0x88: {  	s2 =	sld [smem:$0x3FD9]  }
0x89: {  	s3 =	sld [smem:$0x3FFE];
	_ =	sdelay $0x1  }
0x8a: {  	s1 =	srdreg.scid  }
0x8b: {  	s0 =	sand.u32 $0x1, s1  }
0x8c: {  	s17 =	sshll.u32 s0, $0xA;
	s2 =	sadd.s32 s3, s2  }
0x8d: {  	s2 =	sadd.s32 s2, s17  }
0x8e: {  	[smem:$0x3FBF] =	sst s2  }
0x8f: {  	_ = 	snop  }
0x90: {  	s2 =	sld [smem:$0x3FC9]  }
0x91: {  	s18 =	sld [smem:$0x3FC2]  }
0x92: {  	s4 =	sld [smem:$0x3FD0];
	(tm) =	ssettm $0x1  }
0x93: {  	s5 =	sld [smem:$0x3FFB];
	_ =	sdelay $0x3  }
0x94: {  	_ =	strace s5  }
0x95: {  	s5 =	sld [smem:$0x3FFC];
	_ =	sdelay $0x3  }
0x96: {  	_ =	strace s5  }
0x97: {  	s5 =	sld [smem:$0x3FFD];
	_ =	sdelay $0x3  }
0x98: {  	_ =	strace s5  }
0x99: {  	_ =	strace $0x8FFFFFFF  }
0x9a: {  	s19 =	sld [smem:$0x3FDB];
	_ =	sdelay $0x1  }
0x9b: {  	s6 =	simm.s32 $_scs_section_size  }
0x9c: {  	s7 =	simm.s32 $_size__tile_overlayer_lowered;
	s8 =	simm.s32 $_tile_overlayer_lowered  }
0x9d: {  	s22 =	simm.s32 $0x1BFF;
	s21 =	sshll.u32 s8, $0x1;
	s5 =	sadd.s32 s6, s19  }
0x9e: {  	s9 =	simm.s32 $0x0;
	s20 =	sshll.u32 s7, $0x1;
	s7 =	sadd.s32 s21, s5  }
0x9f: {  	[timem:s9], [sflag:s22] =	dma.local [hbm:s7], s20  }
0xa0: {  	_ =	swait.ge [sflag:s22], s20  }
0xa1: {  	s6 =	ssub.s32 $0x0, s20;
	[sflag:s22] =	ssyncset.done $0x0  }
0xa2: {  	[sflag:s22] =	ssyncadd.s32 s6;
	_ =	sdelay $0x1  }
0xa3: {  	s23 =	simm.s32 $0x1B8B  }
0xa4: {  	_ =	swait.ge [sflag:s23], $0x1  }
0xa5: {  	[sflag:s23] =	ssyncset.done $0x0  }
0xa6: {  	s25 =	simm.s32 $0x1B8E;
	s24 =	sld [smem:$0x3FFE];
	[sflag:s23] =	ssyncadd.s32 $0xFFFFFFFF  }
0xa7: {  	s26 =	simm.s32 $execute0_lowered;
	[smem:$0x3FD2] =	sst s25  }
0xa8: {  	s7 =	sshll.u32 s26, $0x1;
	_ =	strace $0x80000046;
	[dreg:$0x1] =	wrdreg $0xFFFFFFFF  }
0xa9: {  	s28 =	simm.s32 $_size_execute0_lowered;
	s5 =	sadd.s32 s5, s7;
	[dreg:$0x0] =	wrdreg $0x0  }
0xaa: {  	s7 =	sshll.u32 s28, $0x1;
	[dreg:$0x2] =	wrdreg s5  }
0xab: {  	[dreg:$0x3] =	wrdreg s7  }
0xac: {  	[dreg:$0x4] =	wrdreg $0xC0  }
0xad: {  	_ =	task [dreg:s9], $0x5FFFF  }
0xae: {  	[dreg:$0x1] =	wrdreg $0xFFFFFFFF  }
0xaf: {  	[dreg:$0x0] =	wrdreg $0x60  }
0xb0: {  	[dreg:$0x2] =	wrdreg s2  }
0xb1: {  	[dreg:$0x3] =	wrdreg s18  }
0xb2: {  	[dreg:$0x4] =	wrdreg s24  }
0xb3: {  	[dreg:$0x5] =	wrdreg s4  }
0xb4: {  	[dreg:$0x6] =	wrdreg $0x65000  }
0xb5: {  	[dreg:$0x7] =	wrdreg $0x9  }
0xb6: {  	_ =	task.clear_ibuf [dreg:s9], $0x8FFFF;
	_ =	strace $0x90000046  }
0xb7: {  	s29 =	simm.s32 $0x9;
	_ =	strace $0x80000048  }
0xb8: {  	_ =	swait.ge [sflag:s29], $0x1  }
0xb9: {  	[sflag:s29] =	ssyncadd.s32 $0xFFFFFFFF  }
0xba: {  	_ =	strace $0x90000048  }
0xbb: {  	_ =	sfence  }
0xbc: {  	s30 =	sld [smem:$0x0];
	_ =	sdelay $0x2  }
0xbd: {  	s31 =	sshll.u32 s1, $0xD;
	s1 =	sshrl.u32 s1, $0x2  }
0xbe: {  	s3 =	sand.u32 $0x4000, s31;
	s1 =	sadd.s32 s1, s30  }
0xbf: {  	s0 =	sor.u32 s3, s0;
	s1 =	sshll.u32 s1, $0x11  }
0xc0: {  	s0 =	sor.u32 s1, s0  }
0xc1: {  	s0 =	sadd.s32 $0x8F2B, s0  }
0xc2: {  	[sflag:s0] =	ssyncadd.remote.s32 $0x1  }
0xc3: {  	_ =	sfence.sel $0xFFFF  }
0xc4: {  	[dreg:$0x0] =	wrdreg $0xFFFFFFFF;
	(pc) =	sbr.abs _section_cstart, $3  }
0xc5: {  	[dreg:$0x1] =	wrdreg $0xFFFFFFFF  }
0xc6: {  	_ =	task.clear_ibuf [dreg:s9], $0x2FFFF;
	_ =	strace $0x9FFFFFFF  }
0xc7: {  	(tm) =	ssettm $0x7FFFFFFF  }
tec
execute0_lowered:
.L_overlay_start_1:
0x0: {  	(tag) =	ssettag $0x1  }
0x1: {  	s0 =	rddreg [dreg:$0x0]  }
0x2: {  	s1 =	rddreg [dreg:$0x1]  }
0x3: {  	s2 =	rddreg [dreg:$0x2];
	s3 =	srdreg.scid  }
0x4: {  	s5 =	rddreg [dreg:$0x3];
	s17 =	stileid.u32  }
0x5: {  	s4 =	simm.s32 $0x0;
	s15 =	simm.s32 $0xE200;
	s18 =	simm.s32 $0x80  }
0x6: {  	s31 =	simm.s32 $0x4;
	s19 =	simm.s32 $0x1880;
	s28 =	simm.s32 $0x2  }
0x7: {  	s29 =	simm.s32 $0x0;
	s6 =	sand.u32 $0x1, s3;
	s3 =	rddreg [dreg:$0x4]  }
0x8: {  	[smem:$0x7FF] =	sst s4;
	s10 =	smul.u32 $0x280, s17;
	s11 =	sadd.s32 $0xDA00, s2  }
0x9: {  	s21 =	sadd.s32 $0xD800, s2;
	s12 =	sshll.u32 s17, $0x1;
	s23 =	sshll.u32 s17, $0x6  }
0xa: {  	s13 =	smul.u32 $0x14, s17;
	s7 =	sshll.u32 s6, $0x4;
	_ =	strace $0x80000047  }
0xb: {  	s8 =	ssub.s32 $0x2, s6;
	[dreg:$0x6] =	wrdreg s11;
	s16 =	smul.u32 $0xA, s6  }
0xc: {  	[dreg:$0x7] =	wrdreg s21;
	p0 =	seq.s32 s6, $0x1;
	s25 =	smul.u32 $0xA00, s6  }
0xd: {  	s21 =	simm.s32 $0x2880;
	s7 =	sor.u32 s17, s7;
	s20 =	sshrl.u32 s8, $0x1  }
0xe: {  	s14 =	sadd.s32 s10, s3;
	s10 =	sshrl.u32 s10, $0x3;
	s15 =	simm.s32 @!p0 $0xDC00  }
0xf: {  	s17 =	smul.u32 $0x1400, s17;
	s1 =	sadd.s32 s13, s1;
	s13 =	sor.u32 s6, s12  }
0x10: {  	s7 =	smul.u32 $0x280, s7;
	s22 =	ssub.s32 s8, s20;
	s14 =	sshrl.u32 s14, $0x3  }
0x11: {  	s20 =	simm.s32 $0x2080;
	s26 =	sadd.s32 s17, s5;
	s5 =	sadd.s32 s16, s1  }
0x12: {  	s16 =	simm.s32 $0x6480;
	s17 =	simm.s32 $0x5080;
	s1 =	simm.s32 $0x880  }
0x13: {  	s9 =	sadd.s32 s7, s2;
	s7 =	sor.u32 $0x1C03, s23;
	s2 =	sadd.s32 s15, s2  }
0x14: {  	s30 =	sadd.s32 s25, s26;
	s15 =	simm.s32 $0x3;
	s23 =	simm.s32 $0x3880  }
0x15: {  	v2 =	vlaneseq.u32;
	s25 =	simm.s32 $0x4880;
	s26 =	simm.s32 $0x1;
	s24 =	sadd.s32 $0x3800, s9  }
0x16: {  	vm0 =	vmmov $0xffff;
	v1 =	vshrl.u32 v2, $0x3;
	s9 =	smax.u32 s22, $0x1;
	s10 =	sadd.s32 s2, s10;
	s2 =	simm.s32 $0x1080  }
0x17: {  	v0 =	vand.u32 $0x7, v2;
	v2 =	vor.u32 $0x8, v2;
	v1 =	vmul.u32 $0x8, v1;
	s22 =	simm.s32 $0x3080;
	[dreg:$0x8] =	wrdreg s24;
	s24 =	simm.s32 $0x4080  }
.LBB2_1:
0x18: {  	s6 =	rddreg [dreg:$0x6]  }
0x19: {  	[spmem:s14], [sflag:s7] =	dma.local [hbm:s6], $0x50  }
0x1a: {  	_ =	swait.ge [sflag:s15], $0x50  }
0x1b: {  	[sflag:s15] =	ssyncset.done $0x0  }
0x1c: {  	s11 =	rddreg [dreg:$0x7];
	[sflag:s15] =	ssyncadd.s32 $0xFFFFFFB0  }
0x1d: {  	[tilespmem:s16], [sflag:$0x3] =	stream.linear.gather [hbm4b:s11+s4], $0x80, $0x38;
	[tilespmem:$0x6780] =	vst v63  }
0x1e: {  	_ =	swait.ge [sflag:s15], $0x80  }
0x1f: {  	[sflag:s15] =	ssyncset.done $0x0  }
0x20: {  	s12 =	rddreg [dreg:$0x8];
	[sflag:s15] =	ssyncadd.s32 $0xFFFFFF80  }
0x21: {  	[tilespmem:s17], [sflag:$0x3] =	stream.linear.gather [hbm4b:s12+s4], $0x1400, $0x38;
	[tilespmem:$0x6780] =	vst v63  }
0x22: {  	_ =	swait.ge [sflag:s15], $0x1400  }
0x23: {  	[sflag:s15] =	ssyncset.done $0x0  }
0x24: {  	[sflag:s15] =	ssyncadd.s32 $0xFFFFEC00  }
0x25: {  	[bflag:$0x0] =	sbarrier.arrive $0xFFFF  }
0x26: {  	[spmem:s3] =	stream.indirect.scatter.add.f32 [tilespmem:s16], [sflag:$0x2], $0x1, s17, s18, $0xb8;
	[tilespmem:$0x6780] =	vst v63  }
0x27: {  	s8 =	simm.s32 $0x5100  }
0x28: {  	[spmem:s3] =	stream.indirect.scatter.add.f32 [tilespmem:s16], [sflag:$0x2], $0x1, s8, s18, $0xb8;
	[tilespmem:$0x6780] =	vst v63  }
0x29: {  	s11 =	simm.s32 $0x5180  }
0x2a: {  	[spmem:s3] =	stream.indirect.scatter.add.f32 [tilespmem:s16], [sflag:$0x2], $0x1, s11, s18, $0xb8;
	[tilespmem:$0x6780] =	vst v63  }
0x2b: {  	s12 =	simm.s32 $0x5200  }
0x2c: {  	[spmem:s3] =	stream.indirect.scatter.add.f32 [tilespmem:s16], [sflag:$0x2], $0x1, s12, s18, $0xb8;
	[tilespmem:$0x6780] =	vst v63  }
0x2d: {  	s8 =	simm.s32 $0x5280  }
0x2e: {  	[spmem:s3] =	stream.indirect.scatter.add.f32 [tilespmem:s16], [sflag:$0x2], $0x1, s8, s18, $0xb8;
	[tilespmem:$0x6780] =	vst v63  }
0x2f: {  	s11 =	simm.s32 $0x5300  }
0x30: {  	[spmem:s3] =	stream.indirect.scatter.add.f32 [tilespmem:s16], [sflag:$0x2], $0x1, s11, s18, $0xb8;
	[tilespmem:$0x6780] =	vst v63  }
0x31: {  	s12 =	simm.s32 $0x5380  }
0x32: {  	[spmem:s3] =	stream.indirect.scatter.add.f32 [tilespmem:s16], [sflag:$0x2], $0x1, s12, s18, $0xb8;
	[tilespmem:$0x6780] =	vst v63  }
0x33: {  	s8 =	simm.s32 $0x5400  }
0x34: {  	[spmem:s3] =	stream.indirect.scatter.add.f32 [tilespmem:s16], [sflag:$0x2], $0x1, s8, s18, $0xb8;
	[tilespmem:$0x6780] =	vst v63  }
0x35: {  	s11 =	simm.s32 $0x5480  }
0x36: {  	[spmem:s3] =	stream.indirect.scatter.add.f32 [tilespmem:s16], [sflag:$0x2], $0x1, s11, s18, $0xb8;
	[tilespmem:$0x6780] =	vst v63  }
0x37: {  	s12 =	simm.s32 $0x5500  }
0x38: {  	[spmem:s3] =	stream.indirect.scatter.add.f32 [tilespmem:s16], [sflag:$0x2], $0x1, s12, s18, $0xb8;
	[tilespmem:$0x6780] =	vst v63  }
0x39: {  	s8 =	simm.s32 $0x5580  }
0x3a: {  	[spmem:s3] =	stream.indirect.scatter.add.f32 [tilespmem:s16], [sflag:$0x2], $0x1, s8, s18, $0xb8;
	[tilespmem:$0x6780] =	vst v63  }
0x3b: {  	s11 =	simm.s32 $0x5600  }
0x3c: {  	[spmem:s3] =	stream.indirect.scatter.add.f32 [tilespmem:s16], [sflag:$0x2], $0x1, s11, s18, $0xb8;
	[tilespmem:$0x6780] =	vst v63  }
0x3d: {  	s12 =	simm.s32 $0x5680  }
0x3e: {  	[spmem:s3] =	stream.indirect.scatter.add.f32 [tilespmem:s16], [sflag:$0x2], $0x1, s12, s18, $0xb8;
	[tilespmem:$0x6780] =	vst v63  }
0x3f: {  	s8 =	simm.s32 $0x5700  }
0x40: {  	[spmem:s3] =	stream.indirect.scatter.add.f32 [tilespmem:s16], [sflag:$0x2], $0x1, s8, s18, $0xb8;
	[tilespmem:$0x6780] =	vst v63  }
0x41: {  	s11 =	simm.s32 $0x5780  }
0x42: {  	[spmem:s3] =	stream.indirect.scatter.add.f32 [tilespmem:s16], [sflag:$0x2], $0x1, s11, s18, $0xb8;
	[tilespmem:$0x6780] =	vst v63  }
0x43: {  	s12 =	simm.s32 $0x5800  }
0x44: {  	[spmem:s3] =	stream.indirect.scatter.add.f32 [tilespmem:s16], [sflag:$0x2], $0x1, s12, s18, $0xb8;
	[tilespmem:$0x6780] =	vst v63  }
0x45: {  	s8 =	simm.s32 $0x5880  }
0x46: {  	[spmem:s3] =	stream.indirect.scatter.add.f32 [tilespmem:s16], [sflag:$0x2], $0x1, s8, s18, $0xb8;
	[tilespmem:$0x6780] =	vst v63  }
0x47: {  	s11 =	simm.s32 $0x5900  }
0x48: {  	[spmem:s3] =	stream.indirect.scatter.add.f32 [tilespmem:s16], [sflag:$0x2], $0x1, s11, s18, $0xb8;
	[tilespmem:$0x6780] =	vst v63  }
0x49: {  	s12 =	simm.s32 $0x5980  }
0x4a: {  	[spmem:s3] =	stream.indirect.scatter.add.f32 [tilespmem:s16], [sflag:$0x2], $0x1, s12, s18, $0xb8;
	[tilespmem:$0x6780] =	vst v63  }
0x4b: {  	s8 =	simm.s32 $0x5A00  }
0x4c: {  	[spmem:s3] =	stream.indirect.scatter.add.f32 [tilespmem:s16], [sflag:$0x2], $0x1, s8, s18, $0xb8;
	[tilespmem:$0x6780] =	vst v63  }
0x4d: {  	s11 =	simm.s32 $0x5A80  }
0x4e: {  	[spmem:s3] =	stream.indirect.scatter.add.f32 [tilespmem:s16], [sflag:$0x2], $0x1, s11, s18, $0xb8;
	[tilespmem:$0x6780] =	vst v63  }
0x4f: {  	s12 =	simm.s32 $0x5B00  }
0x50: {  	[spmem:s3] =	stream.indirect.scatter.add.f32 [tilespmem:s16], [sflag:$0x2], $0x1, s12, s18, $0xb8;
	[tilespmem:$0x6780] =	vst v63  }
0x51: {  	s8 =	simm.s32 $0x5B80  }
0x52: {  	[spmem:s3] =	stream.indirect.scatter.add.f32 [tilespmem:s16], [sflag:$0x2], $0x1, s8, s18, $0xb8;
	[tilespmem:$0x6780] =	vst v63  }
0x53: {  	s11 =	simm.s32 $0x5C00  }
0x54: {  	[spmem:s3] =	stream.indirect.scatter.add.f32 [tilespmem:s16], [sflag:$0x2], $0x1, s11, s18, $0xb8;
	[tilespmem:$0x6780] =	vst v63  }
0x55: {  	s12 =	simm.s32 $0x5C80  }
0x56: {  	[spmem:s3] =	stream.indirect.scatter.add.f32 [tilespmem:s16], [sflag:$0x2], $0x1, s12, s18, $0xb8;
	[tilespmem:$0x6780] =	vst v63  }
0x57: {  	s8 =	simm.s32 $0x5D00  }
0x58: {  	[spmem:s3] =	stream.indirect.scatter.add.f32 [tilespmem:s16], [sflag:$0x2], $0x1, s8, s18, $0xb8;
	[tilespmem:$0x6780] =	vst v63  }
0x59: {  	s11 =	simm.s32 $0x5D80  }
0x5a: {  	[spmem:s3] =	stream.indirect.scatter.add.f32 [tilespmem:s16], [sflag:$0x2], $0x1, s11, s18, $0xb8;
	[tilespmem:$0x6780] =	vst v63  }
0x5b: {  	s12 =	simm.s32 $0x5E00  }
0x5c: {  	[spmem:s3] =	stream.indirect.scatter.add.f32 [tilespmem:s16], [sflag:$0x2], $0x1, s12, s18, $0xb8;
	[tilespmem:$0x6780] =	vst v63  }
0x5d: {  	s8 =	simm.s32 $0x5E80  }
0x5e: {  	[spmem:s3] =	stream.indirect.scatter.add.f32 [tilespmem:s16], [sflag:$0x2], $0x1, s8, s18, $0xb8;
	[tilespmem:$0x6780] =	vst v63  }
0x5f: {  	s11 =	simm.s32 $0x5F00  }
0x60: {  	[spmem:s3] =	stream.indirect.scatter.add.f32 [tilespmem:s16], [sflag:$0x2], $0x1, s11, s18, $0xb8;
	[tilespmem:$0x6780] =	vst v63  }
0x61: {  	s12 =	simm.s32 $0x5F80  }
0x62: {  	[spmem:s3] =	stream.indirect.scatter.add.f32 [tilespmem:s16], [sflag:$0x2], $0x1, s12, s18, $0xb8;
	[tilespmem:$0x6780] =	vst v63  }
0x63: {  	s8 =	simm.s32 $0x6000  }
0x64: {  	[spmem:s3] =	stream.indirect.scatter.add.f32 [tilespmem:s16], [sflag:$0x2], $0x1, s8, s18, $0xb8;
	[tilespmem:$0x6780] =	vst v63  }
0x65: {  	s11 =	simm.s32 $0x6080  }
0x66: {  	[spmem:s3] =	stream.indirect.scatter.add.f32 [tilespmem:s16], [sflag:$0x2], $0x1, s11, s18, $0xb8;
	[tilespmem:$0x6780] =	vst v63  }
0x67: {  	s12 =	simm.s32 $0x6100  }
0x68: {  	[spmem:s3] =	stream.indirect.scatter.add.f32 [tilespmem:s16], [sflag:$0x2], $0x1, s12, s18, $0xb8;
	[tilespmem:$0x6780] =	vst v63  }
0x69: {  	s8 =	simm.s32 $0x6180  }
0x6a: {  	[spmem:s3] =	stream.indirect.scatter.add.f32 [tilespmem:s16], [sflag:$0x2], $0x1, s8, s18, $0xb8;
	[tilespmem:$0x6780] =	vst v63  }
0x6b: {  	s11 =	simm.s32 $0x6200  }
0x6c: {  	[spmem:s3] =	stream.indirect.scatter.add.f32 [tilespmem:s16], [sflag:$0x2], $0x1, s11, s18, $0xb8;
	[tilespmem:$0x6780] =	vst v63  }
0x6d: {  	s12 =	simm.s32 $0x6280  }
0x6e: {  	[spmem:s3] =	stream.indirect.scatter.add.f32 [tilespmem:s16], [sflag:$0x2], $0x1, s12, s18, $0xb8;
	[tilespmem:$0x6780] =	vst v63  }
0x6f: {  	s8 =	simm.s32 $0x6300  }
0x70: {  	[spmem:s3] =	stream.indirect.scatter.add.f32 [tilespmem:s16], [sflag:$0x2], $0x1, s8, s18, $0xb8;
	[tilespmem:$0x6780] =	vst v63  }
.Ltmp0:
0x71: {  	s11 =	simm.s32 $0x6380;
	(pc) =	sbr.rel .LBB2_2-.Ltmp0, $4  }
0x72: {  	[spmem:s3] =	stream.indirect.scatter.add.f32 [tilespmem:s16], [sflag:$0x2], $0x1, s11, s18, $0xb8;
	[tilespmem:$0x6780] =	vst v63  }
0x73: {  	s12 =	simm.s32 $0x6400  }
0x74: {  	[spmem:s3] =	stream.indirect.scatter.add.f32 [tilespmem:s16], [sflag:$0x2], $0x1, s12, s18, $0xb8;
	[tilespmem:$0x6780] =	vst v63  }
0x75: {  	s6 =	simm.s32 $0x0;
	s11 =	smov.u32 s5;
	s12 =	smov.u32 s30  }
.LBB2_4:
0x76: {  	s6 =	sadd.s32 $0x20, s6  }
0x77: {  	p0 =	sne.s32 s6, $0x80  }
.Ltmp1:
0x78: {  	_ = 	snop;
	(pc) =	sbr.rel @!p0 .LBB2_5-.Ltmp1, $2  }
0x79: {  	_ =	sdelay $0x2  }
0x7a: {  	s11 =	sadd.s32 $0x140, s11;
	s12 =	sadd.s32 $0x14000, s12  }
.LBB2_2:
0x7b: {  	s8 =	sadd.s32 s6, s13  }
0x7c: {  	p0 =	sgt.u32 s8, $0x7C  }
.Ltmp2:
0x7d: {  	_ = 	snop;
	(pc) =	sbr.rel @p0 .LBB2_4-.Ltmp2, $1  }
0x7e: {  	_ =	sdelay $0x3  }
0x7f: {  	[tilespmem:s4], [sflag:$0x4] =	stream.linear.gather [hbm4b:s11+s4], $0x50, $0x38;
	[tilespmem:$0x6780] =	vst v63  }
0x80: {  	_ =	swait.ge [sflag:s31], $0x50  }
0x81: {  	[sflag:s31] =	ssyncset.done $0x0  }
0x82: {  	[sflag:s31] =	ssyncadd.s32 $0xFFFFFFB0  }
0x83: {  	v3 =	vld [tilespmem:$0x0];
	_ =	sdelay $0x4  }
0x84: {  	v4 =	vshll.u32 v3, $0x1  }
0x85: {  	v3 =	vand.u32 $0x7, v3;
	v4 =	vand.u32 $0xFFFFFFF0, v4  }
0x86: {  	v3 =	vor.u32 v3, v4  }
0x87: {  	v4 =	vperm.xlane v3, v0;
	_ =	sdelay $0x1  }
0x88: {  	v3 =	vperm.xlane v3, v2;
	v4 =	vadd.s32 v1, v4;
	_ =	sdelay $0x1  }
0x89: {  	v3 =	vadd.s32 v1, v3;
	_ =	sdelay $0x2  }
0x8a: {  	[tilespmem:s18], [sflag:$0x1] =	stream.indirect_vreg.gather [hbm4b:s0+s4], $0x80, v4, vm0, $0xb8;
	[tilespmem:$0x6780] =	vst v63  }
0x8b: {  	_ = 	snop  }
0x8c: {  	[tilespmem:s1], [sflag:$0x1] =	stream.indirect_vreg.gather [hbm4b:s0+s4], $0x80, v3, vm0, $0xb8;
	[tilespmem:$0x6780] =	vst v63  }
0x8d: {  	v3 =	vld [tilespmem:$0x10];
	_ =	sdelay $0x4  }
0x8e: {  	v60 =	vshll.u32 v3, $0x1  }
0x8f: {  	v3 =	vand.u32 $0x7, v3;
	v4 =	vand.u32 $0xFFFFFFF0, v60  }
0x90: {  	v3 =	vor.u32 v3, v4  }
0x91: {  	v4 =	vperm.xlane v3, v0;
	_ =	sdelay $0x1  }
0x92: {  	v3 =	vperm.xlane v3, v2;
	v4 =	vadd.s32 v1, v4;
	_ =	sdelay $0x1  }
0x93: {  	v3 =	vadd.s32 v1, v3;
	_ =	sdelay $0x2  }
0x94: {  	[tilespmem:s2], [sflag:$0x1] =	stream.indirect_vreg.gather [hbm4b:s0+s4], $0x80, v4, vm0, $0xb8;
	[tilespmem:$0x6780] =	vst v63  }
0x95: {  	_ = 	snop  }
0x96: {  	[tilespmem:s19], [sflag:$0x1] =	stream.indirect_vreg.gather [hbm4b:s0+s4], $0x80, v3, vm0, $0xb8;
	[tilespmem:$0x6780] =	vst v63  }
0x97: {  	v3 =	vld [tilespmem:$0x20];
	_ =	sdelay $0x4  }
0x98: {  	v61 =	vshll.u32 v3, $0x1  }
0x99: {  	v3 =	vand.u32 $0x7, v3;
	v4 =	vand.u32 $0xFFFFFFF0, v61  }
0x9a: {  	v3 =	vor.u32 v3, v4  }
0x9b: {  	v4 =	vperm.xlane v3, v0;
	_ =	sdelay $0x1  }
0x9c: {  	v3 =	vperm.xlane v3, v2;
	v4 =	vadd.s32 v1, v4;
	_ =	sdelay $0x1  }
0x9d: {  	v3 =	vadd.s32 v1, v3;
	_ =	sdelay $0x2  }
0x9e: {  	[tilespmem:s20], [sflag:$0x1] =	stream.indirect_vreg.gather [hbm4b:s0+s4], $0x80, v4, vm0, $0xb8;
	[tilespmem:$0x6780] =	vst v63  }
0x9f: {  	_ = 	snop  }
0xa0: {  	[tilespmem:s21], [sflag:$0x1] =	stream.indirect_vreg.gather [hbm4b:s0+s4], $0x80, v3, vm0, $0xb8;
	[tilespmem:$0x6780] =	vst v63  }
0xa1: {  	v3 =	vld [tilespmem:$0x30];
	_ =	sdelay $0x4  }
0xa2: {  	v62 =	vshll.u32 v3, $0x1  }
0xa3: {  	v3 =	vand.u32 $0x7, v3;
	v4 =	vand.u32 $0xFFFFFFF0, v62  }
0xa4: {  	v3 =	vor.u32 v3, v4  }
0xa5: {  	v4 =	vperm.xlane v3, v0;
	_ =	sdelay $0x1  }
0xa6: {  	v3 =	vperm.xlane v3, v2;
	v4 =	vadd.s32 v1, v4;
	_ =	sdelay $0x1  }
0xa7: {  	v3 =	vadd.s32 v1, v3;
	_ =	sdelay $0x2  }
0xa8: {  	[tilespmem:s22], [sflag:$0x1] =	stream.indirect_vreg.gather [hbm4b:s0+s4], $0x80, v4, vm0, $0xb8;
	[tilespmem:$0x6780] =	vst v63  }
0xa9: {  	_ = 	snop  }
0xaa: {  	[tilespmem:s23], [sflag:$0x1] =	stream.indirect_vreg.gather [hbm4b:s0+s4], $0x80, v3, vm0, $0xb8;
	[tilespmem:$0x6780] =	vst v63  }
0xab: {  	v3 =	vld [tilespmem:$0x40];
	_ =	sdelay $0x4  }
0xac: {  	v63 =	vshll.u32 v3, $0x1  }
0xad: {  	v3 =	vand.u32 $0x7, v3;
	v4 =	vand.u32 $0xFFFFFFF0, v63  }
0xae: {  	v3 =	vor.u32 v3, v4  }
0xaf: {  	v4 =	vperm.xlane v3, v0;
	_ =	sdelay $0x1  }
0xb0: {  	v3 =	vperm.xlane v3, v2;
	v4 =	vadd.s32 v1, v4;
	_ =	sdelay $0x1  }
0xb1: {  	v3 =	vadd.s32 v1, v3;
	_ =	sdelay $0x2  }
0xb2: {  	[tilespmem:s24], [sflag:$0x1] =	stream.indirect_vreg.gather [hbm4b:s0+s4], $0x80, v4, vm0, $0xb8;
	[tilespmem:$0x6780] =	vst v63  }
0xb3: {  	_ = 	snop  }
0xb4: {  	[tilespmem:s25], [sflag:$0x1] =	stream.indirect_vreg.gather [hbm4b:s0+s4], $0x80, v3, vm0, $0xb8;
	[tilespmem:$0x6780] =	vst v63  }
0xb5: {  	_ =	swait.ge [sflag:s26], $0x5000  }
0xb6: {  	[sflag:s26] =	ssyncset.done $0x0  }
.Ltmp3:
0xb7: {  	[sflag:s26] =	ssyncadd.s32 $0xFFFFB000;
	(pc) =	sbr.rel .LBB2_4-.Ltmp3, $4  }
0xb8: {  	[hbm4b:s12+s4] =	stream.linear.scatter [tilespmem:s18], [sflag:$0x3], $0x5000, $0x38;
	[tilespmem:$0x6780] =	vst v63  }
0xb9: {  	_ =	swait.ge [sflag:s15], $0x5000  }
0xba: {  	[sflag:s15] =	ssyncset.done $0x0  }
0xbb: {  	[sflag:s15] =	ssyncadd.s32 $0xFFFFB000  }
.LBB2_5:
0xbc: {  	_ =	swait.ge [sflag:s28], $0x80  }
0xbd: {  	s6 =	simm.s32 $0x27;
	[sflag:s28] =	ssyncset.done $0x0  }
.LBB2_6:
0xbe: {  	p0 =	sne.s32 s6, $0x1;
	s6 =	sadd.s32 $0xFFFFFFFF, s6;
	[sflag:s28] =	ssyncadd.s32 $0xFFFFFF80  }
.Ltmp4:
0xbf: {  	(pc) =	sbr.rel @p0 .LBB2_6-.Ltmp4, $3  }
0xc0: {  	_ =	sdelay $0x1  }
0xc1: {  	_ =	swait.ge [sflag:s28], $0x80  }
0xc2: {  	[sflag:s28] =	ssyncset.done $0x0  }
0xc3: {  	s29 =	sadd.s32 $0x1, s29  }
0xc4: {  	[sflag:s28] =	ssyncadd.s32 $0xFFFFFF80;
	p0 =	sne.s32 s29, s9  }
.Ltmp5:
0xc5: {  	[bflag:$0x0] =	sbarrier.arrive $0xFFFF;
	(pc) =	sbr.rel @p0 .LBB2_1-.Ltmp5, $4  }
0xc6: {  	[hbm:s10], [sflag:s7] =	dma.local [spmem:s14], $0x50  }
0xc7: {  	_ =	swait.ge [sflag:s15], $0x50  }
0xc8: {  	[sflag:s15] =	ssyncset.done $0x0  }
0xc9: {  	[sflag:s15] =	ssyncadd.s32 $0xFFFFFFB0  }
0xca: {  	_ =	sfence.sel $0x180000  }
0xcb: {  	[bflag:$0x0] =	sbarrier.arrive $0xFFFF  }
0xcc: {  	_ =	strace $0x90000047  }
0xcd: {  	s0 =	stileid.u32;
	[bflag:$0x2] =	sbarrier.arrive $0xFFFF  }
0xce: {  	p0 =	sne.s32 s0, $0x0;
	s0 =	rddreg [dreg:$0x5]  }
0xcf: {  	s0 =	sadd.s32 @!p0 $0x100000, s0  }
0xd0: {  	[sflag:s0] =	ssyncadd.tile.s32 @!p0 $0x1;
	_ =	shalt  }
.Lfunc_end2:
_tile_overlayer_lowered:
.L_overlay_start_2:
0xd1: {  	(tag) =	ssettag $0x2  }
0xd2: {  	s0 =	rddreg [dreg:$0x0];
	s2 =	stileid.u32  }
0xd3: {  	s1 =	rddreg [dreg:$0x1];
	p0 =	sne.s32 s2, $0x0  }
0xd4: {  	s3 =	rddreg [dreg:$0x2];
	[bflag:$0x3] =	sbarrier.arrive $0xFFFF;
	s2 =	simm.s32 @!p0 $0x1C03  }
0xd5: {  	[timem:s3], [sflag:s2] =	dma.local @!p0 [hbm:s0], s1  }
0xd6: {  	s0 =	simm.s32 @!p0 $0x3  }
0xd7: {  	_ =	swait.ge @!p0 [sflag:s0], s1  }
0xd8: {  	s1 =	ssub.s32 @!p0 $0x0, s1;
	[sflag:s0] =	ssyncset.done @!p0 $0x0  }
0xd9: {  	[sflag:s0] =	ssyncadd.s32 @!p0 s1  }
0xda: {  	[bflag:$0x3] =	sbarrier.arrive $0xFFFF  }
0xdb: {  	_ =	shalt  }

</sc_bundles>
